<compile_context>
chip_gen: v7x
topology: tpu7x:2x2x1
jax: 0.10.2.dev20260603
libtpu: 0.0.44.dev20260713+nightly
codegen_flags: <defaults>
</compile_context>

<pallas_src>
import functools

import jax
import jax.numpy as jnp
from jax import lax
from jax.experimental import pallas as pl
from jax.experimental.pallas import tpu as pltpu, tpu_sc as plsc

N_EVENTS = 1_600_000
SIZE = 100_000
NUM_GROUPS = 1_000
S_TIMES = 8
GPAD = 1_024

NC, NS = 2, 16
NW = NC * NS
CHUNK = 1_600
VPC = CHUNK // 16
UNROLL = 5
LIGHT_TILES = 12
LIGHT_EV = 30 * CHUNK
HEAVY_EV = 32 * CHUNK

_mesh = plsc.VectorSubcoreMesh(
    core_axis_name="c", subcore_axis_name="s", num_cores=NC, num_subcores=NS)


@functools.partial(
    pl.kernel,
    out_type=jax.ShapeDtypeStruct((NW, S_TIMES, GPAD), jnp.float32),
    mesh=_mesh,
    compiler_params=pltpu.CompilerParams(needs_layout_passes=False),
    scratch_types=[
        pltpu.VMEM((SIZE,), jnp.int32),
        [pltpu.VMEM((GPAD,), jnp.float32) for _ in range(S_TIMES)],
        pltpu.VMEM((CHUNK,), jnp.float32),
        pltpu.VMEM((CHUNK,), jnp.float32),
        pltpu.VMEM((CHUNK,), jnp.float32),
        pltpu.VMEM((CHUNK,), jnp.float32),
        pltpu.VMEM((CHUNK,), jnp.float32),
        pltpu.VMEM((CHUNK,), jnp.float32),
        pltpu.VMEM((CHUNK,), jnp.int32),
        pltpu.VMEM((CHUNK,), jnp.int32),
        pltpu.VMEM((16,), jnp.float32),
        pltpu.SemaphoreType.DMA,
        pltpu.SemaphoreType.DMA,
        pltpu.SemaphoreType.DMA,
    ],
)
def _sc_accumulate(rate_h, st_h, en_h, t_h, ix_h, gid_h, out_h,
                   gid_v, accs, rb0, rb1, sb0, sb1, eb0, eb1, ib0, ib1,
                   tv, sem0, sem1, gsem):
    cid = lax.axis_index("c")
    sid = lax.axis_index("s")
    wid = sid * NC + cid
    light = jnp.minimum(wid, LIGHT_TILES)
    heavy = wid - light
    base = light * LIGHT_EV + heavy * HEAVY_EV
    npairs = jnp.where(wid < LIGHT_TILES, 15, 16)

    bufs = [(rb0, sb0, eb0, ib0), (rb1, sb1, eb1, ib1)]
    sems = [sem0, sem1]

    def fire(c, b):
        off = base + c * CHUNK
        rb, sb, eb, ib = bufs[b]
        sem = sems[b]
        pltpu.async_copy(rate_h.at[pl.ds(off, CHUNK)], rb, sem)
        pltpu.async_copy(st_h.at[pl.ds(off, CHUNK)], sb, sem)
        pltpu.async_copy(en_h.at[pl.ds(off, CHUNK)], eb, sem)
        pltpu.async_copy(ix_h.at[pl.ds(off, CHUNK)], ib, sem)

    def wait4(b):
        rb, sb, eb, ib = bufs[b]
        sem = sems[b]
        pltpu.make_async_copy(rate_h.at[pl.ds(0, CHUNK)], rb, sem).wait()
        pltpu.make_async_copy(st_h.at[pl.ds(0, CHUNK)], sb, sem).wait()
        pltpu.make_async_copy(en_h.at[pl.ds(0, CHUNK)], eb, sem).wait()
        pltpu.make_async_copy(ix_h.at[pl.ds(0, CHUNK)], ib, sem).wait()

    fire(0, 0)
    fire(1, 1)

    gid_cp = pltpu.async_copy(gid_h, gid_v, gsem)
    pltpu.sync_copy(t_h, tv.at[pl.ds(0, S_TIMES)])

    zeros16 = jnp.zeros((16,), jnp.float32)

    def zrow(j, carry):
        for s in range(S_TIMES):
            accs[s][pl.ds(j * 16, 16)] = zeros16
        return carry

    lax.fori_loop(0, GPAD // 16, zrow, 0)
    gid_cp.wait()

    tvec = tv[...]
    ts = [tvec[s] for s in range(S_TIMES)]

    def compute(b):
        rb, sb, eb, ib = bufs[b]

        def vec_body(v, inner):
            for u in range(UNROLL):
                o = (v * UNROLL + u) * 16
                r = rb[pl.ds(o, 16)]
                st = sb[pl.ds(o, 16)]
                en = eb[pl.ds(o, 16)]
                ix = ib[pl.ds(o, 16)]
                g = plsc.load_gather(gid_v, [ix])
                for s in range(S_TIMES):
                    m = (st <= ts[s]) & (ts[s] < en)
                    plsc.addupdate_scatter(accs[s], [g], r, mask=m)
            return inner

        lax.fori_loop(0, VPC // UNROLL, vec_body, 0)

    def pair_body(p, carry):
        more = p < npairs - 1
        wait4(0)
        compute(0)

        @pl.when(more)
        def _():
            fire(2 * p + 2, 0)

        wait4(1)
        compute(1)

        @pl.when(more)
        def _():
            fire(2 * p + 3, 1)

        return carry

    lax.fori_loop(0, npairs, pair_body, 0)

    for s in range(S_TIMES):
        pltpu.sync_copy(accs[s], out_h.at[wid, s])


def _sum_body(p_ref, o_ref):
    o_ref[...] = jnp.sum(p_ref[...], axis=0)[:, :NUM_GROUPS]


_tc_sum = pl.pallas_call(
    _sum_body,
    out_shape=jax.ShapeDtypeStruct((S_TIMES, NUM_GROUPS), jnp.float32),
)


def kernel(rate, starttime, endtime, t_points, index, group_ids):
    index = index.astype(jnp.int32)
    group_ids = group_ids.astype(jnp.int32)
    partials = _sc_accumulate(rate, starttime, endtime, t_points,
                              index, group_ids)
    return _tc_sum(partials)

# --- scband reference (transcript-rebuilt; emitter-appended) ---
"""Pipeline reference for scband-inpatient-interventions-4827543240711 (READ-ONLY COPY).

The authoritative reference and input builder live on the scoring server;
editing this copy changes nothing except your own understanding.
"""

import jax, jax.numpy as jnp
import numpy as np

SIZE = 100000
NUM_GROUPS = 1000
ADM_INTERVAL = 48.0

def setup_inputs(seed: int = 0) -> dict:
    key = jax.random.key(seed)
    ks = jax.random.split(key, 6)
    N = 1600000
    S = 8
    index = jax.random.randint(ks[0], (N,), 0, SIZE, dtype=jnp.int64) if jax.config.jax_enable_x64 else jax.random.randint(ks[0], (N,), 0, SIZE)
    rate = jax.random.uniform(ks[1], (N,), dtype=jnp.float32)
    starttime = jax.random.uniform(ks[2], (N,), dtype=jnp.float32) * ADM_INTERVAL
    duration = jax.random.uniform(ks[3], (N,), dtype=jnp.float32) * 6.0
    endtime = jnp.clip(starttime + duration, 0.0, ADM_INTERVAL)
    t_points = jnp.sort(jax.random.uniform(ks[4], (S,), dtype=jnp.float32) * ADM_INTERVAL)
    group_ids = jnp.sort(jax.random.randint(ks[5], (SIZE,), 0, NUM_GROUPS))
    return {"rate": rate, "starttime": starttime, "endtime": endtime, "t_points": t_points, "index": index, "group_ids": group_ids}

def reference(rate, starttime, endtime, t_points, index, group_ids):
    # InpatientInput.__call__(t): mask active events, scatter-add rates into channel vector.
    # AggregateRepresentation with Sum aggregators over disjoint sorted groups == segment_sum.
    # InpatientInterventions.segment_proc: evaluate at each segment start time and stack.
    def segment_at(t):
        mask = (starttime <= t) & (t < endtime)
        vals = jnp.where(mask, rate, jnp.zeros_like(rate))
        adm_input = jnp.zeros(SIZE, dtype=rate.dtype).at[index].add(vals)
        return jax.ops.segment_sum(adm_input, group_ids, num_segments=NUM_GROUPS)
    return jax.vmap(segment_at)(t_points)

if __name__ == "__main__":
    import jax
    _d = setup_inputs()
    print(jax.jit(kernel)(*tuple(_d.values())))

</pallas_src>

<mosaic_0001>
#map = affine_map<(d0, d1) -> (0)>
#map1 = affine_map<(d0, d1) -> (0, 0, 0)>
module attributes {stable_mosaic.version = 14 : i64} {
  func.func @_sc_accumulate(%arg0: i32, %arg1: i32, %arg2: memref<1600000xf32, #tpu.memory_space<hbm>>, %arg3: memref<1600000xf32, #tpu.memory_space<hbm>>, %arg4: memref<1600000xf32, #tpu.memory_space<hbm>>, %arg5: memref<8xf32, #tpu.memory_space<hbm>>, %arg6: memref<1600000xi32, #tpu.memory_space<hbm>>, %arg7: memref<100000xi32, #tpu.memory_space<hbm>>, %arg8: memref<32x8x1024xf32, #tpu.memory_space<hbm>>, %arg9: memref<100000xi32, #tpu.memory_space<vmem>>, %arg10: memref<1024xf32, #tpu.memory_space<vmem>>, %arg11: memref<1024xf32, #tpu.memory_space<vmem>>, %arg12: memref<1024xf32, #tpu.memory_space<vmem>>, %arg13: memref<1024xf32, #tpu.memory_space<vmem>>, %arg14: memref<1024xf32, #tpu.memory_space<vmem>>, %arg15: memref<1024xf32, #tpu.memory_space<vmem>>, %arg16: memref<1024xf32, #tpu.memory_space<vmem>>, %arg17: memref<1024xf32, #tpu.memory_space<vmem>>, %arg18: memref<1600xf32, #tpu.memory_space<vmem>>, %arg19: memref<1600xf32, #tpu.memory_space<vmem>>, %arg20: memref<1600xf32, #tpu.memory_space<vmem>>, %arg21: memref<1600xf32, #tpu.memory_space<vmem>>, %arg22: memref<1600xf32, #tpu.memory_space<vmem>>, %arg23: memref<1600xf32, #tpu.memory_space<vmem>>, %arg24: memref<1600xi32, #tpu.memory_space<vmem>>, %arg25: memref<1600xi32, #tpu.memory_space<vmem>>, %arg26: memref<16xf32, #tpu.memory_space<vmem>>, %arg27: memref<!tpu.dma_semaphore, #tpu.memory_space<semaphore_mem>>, %arg28: memref<!tpu.dma_semaphore, #tpu.memory_space<semaphore_mem>>, %arg29: memref<!tpu.dma_semaphore, #tpu.memory_space<semaphore_mem>>) attributes {dimension_semantics = [#tpu.dimension_semantics<core_parallel>, #tpu.dimension_semantics<subcore_parallel>], iteration_bounds = array<i64: 2, 16>, scalar_prefetch = 0 : i64, scratch_operands = 21 : i64, tpu.core_type = #tpu.core_type<sc_vector_subcore>, window_params = [{transform_indices = #map}, {transform_indices = #map}, {transform_indices = #map}, {transform_indices = #map}, {transform_indices = #map}, {transform_indices = #map}, {transform_indices = #map1}]} {
    %mul3A = arith.constant 2 : i32
    %mul3A_0 = arith.muli %arg1, %mul3A : i32
    %add3A = arith.addi %mul3A_0, %arg0 : i32
    %min3A = arith.constant 12 : i32
    %min3A_1 = arith.minsi %add3A, %min3A : i32
    %sub3A = arith.subi %add3A, %min3A_1 : i32
    %mul3A_2 = arith.constant 48000 : i32
    %mul3A_3 = arith.muli %min3A_1, %mul3A_2 : i32
    %mul3A_4 = arith.constant 51200 : i32
    %mul3A_5 = arith.muli %sub3A, %mul3A_4 : i32
    %add3A_6 = arith.addi %mul3A_3, %mul3A_5 : i32
    %lt3A = arith.constant 12 : i32
    %lt3A_7 = arith.cmpi slt, %add3A, %lt3A : i32
    %jit3A = arith.constant 15 : i32
    %jit3A_8 = arith.constant 16 : i32
    %select_n3A = arith.select %lt3A_7, %jit3A, %jit3A_8 : i32
    %add3A_9 = arith.constant 0 : i32
    %add3A_10 = arith.addi %add3A_6, %add3A_9 : i32
    %dma_start3A = tpu.memref_slice %arg2[%add3A_10] : memref<1600000xf32, #tpu.memory_space<hbm>> -> memref<1600xf32, #tpu.memory_space<hbm>>
    %dma_start3A_11 = tpu.memref_slice %arg2[%add3A_10] : memref<1600000xf32, #tpu.memory_space<hbm>> -> memref<1600xf32, #tpu.memory_space<hbm>>
    tpu.enqueue_dma source(%dma_start3A_11 : memref<1600xf32, #tpu.memory_space<hbm>>) target(%arg18 : memref<1600xf32, #tpu.memory_space<vmem>>) target_semaphore(%arg27 : memref<!tpu.dma_semaphore, #tpu.memory_space<semaphore_mem>>)
    %dma_start3A_12 = tpu.memref_slice %arg3[%add3A_10] : memref<1600000xf32, #tpu.memory_space<hbm>> -> memref<1600xf32, #tpu.memory_space<hbm>>
    %dma_start3A_13 = tpu.memref_slice %arg3[%add3A_10] : memref<1600000xf32, #tpu.memory_space<hbm>> -> memref<1600xf32, #tpu.memory_space<hbm>>
    tpu.enqueue_dma source(%dma_start3A_13 : memref<1600xf32, #tpu.memory_space<hbm>>) target(%arg20 : memref<1600xf32, #tpu.memory_space<vmem>>) target_semaphore(%arg27 : memref<!tpu.dma_semaphore, #tpu.memory_space<semaphore_mem>>)
    %dma_start3A_14 = tpu.memref_slice %arg4[%add3A_10] : memref<1600000xf32, #tpu.memory_space<hbm>> -> memref<1600xf32, #tpu.memory_space<hbm>>
    %dma_start3A_15 = tpu.memref_slice %arg4[%add3A_10] : memref<1600000xf32, #tpu.memory_space<hbm>> -> memref<1600xf32, #tpu.memory_space<hbm>>
    tpu.enqueue_dma source(%dma_start3A_15 : memref<1600xf32, #tpu.memory_space<hbm>>) target(%arg22 : memref<1600xf32, #tpu.memory_space<vmem>>) target_semaphore(%arg27 : memref<!tpu.dma_semaphore, #tpu.memory_space<semaphore_mem>>)
    %dma_start3A_16 = tpu.memref_slice %arg6[%add3A_10] : memref<1600000xi32, #tpu.memory_space<hbm>> -> memref<1600xi32, #tpu.memory_space<hbm>>
    %dma_start3A_17 = tpu.memref_slice %arg6[%add3A_10] : memref<1600000xi32, #tpu.memory_space<hbm>> -> memref<1600xi32, #tpu.memory_space<hbm>>
    tpu.enqueue_dma source(%dma_start3A_17 : memref<1600xi32, #tpu.memory_space<hbm>>) target(%arg24 : memref<1600xi32, #tpu.memory_space<vmem>>) target_semaphore(%arg27 : memref<!tpu.dma_semaphore, #tpu.memory_space<semaphore_mem>>)
    %add3A_18 = arith.constant 1600 : i32
    %add3A_19 = arith.addi %add3A_6, %add3A_18 : i32
    %dma_start3A_20 = tpu.memref_slice %arg2[%add3A_19] : memref<1600000xf32, #tpu.memory_space<hbm>> -> memref<1600xf32, #tpu.memory_space<hbm>>
    %dma_start3A_21 = tpu.memref_slice %arg2[%add3A_19] : memref<1600000xf32, #tpu.memory_space<hbm>> -> memref<1600xf32, #tpu.memory_space<hbm>>
    tpu.enqueue_dma source(%dma_start3A_21 : memref<1600xf32, #tpu.memory_space<hbm>>) target(%arg19 : memref<1600xf32, #tpu.memory_space<vmem>>) target_semaphore(%arg28 : memref<!tpu.dma_semaphore, #tpu.memory_space<semaphore_mem>>)
    %dma_start3A_22 = tpu.memref_slice %arg3[%add3A_19] : memref<1600000xf32, #tpu.memory_space<hbm>> -> memref<1600xf32, #tpu.memory_space<hbm>>
    %dma_start3A_23 = tpu.memref_slice %arg3[%add3A_19] : memref<1600000xf32, #tpu.memory_space<hbm>> -> memref<1600xf32, #tpu.memory_space<hbm>>
    tpu.enqueue_dma source(%dma_start3A_23 : memref<1600xf32, #tpu.memory_space<hbm>>) target(%arg21 : memref<1600xf32, #tpu.memory_space<vmem>>) target_semaphore(%arg28 : memref<!tpu.dma_semaphore, #tpu.memory_space<semaphore_mem>>)
    %dma_start3A_24 = tpu.memref_slice %arg4[%add3A_19] : memref<1600000xf32, #tpu.memory_space<hbm>> -> memref<1600xf32, #tpu.memory_space<hbm>>
    %dma_start3A_25 = tpu.memref_slice %arg4[%add3A_19] : memref<1600000xf32, #tpu.memory_space<hbm>> -> memref<1600xf32, #tpu.memory_space<hbm>>
    tpu.enqueue_dma source(%dma_start3A_25 : memref<1600xf32, #tpu.memory_space<hbm>>) target(%arg23 : memref<1600xf32, #tpu.memory_space<vmem>>) target_semaphore(%arg28 : memref<!tpu.dma_semaphore, #tpu.memory_space<semaphore_mem>>)
    %dma_start3A_26 = tpu.memref_slice %arg6[%add3A_19] : memref<1600000xi32, #tpu.memory_space<hbm>> -> memref<1600xi32, #tpu.memory_space<hbm>>
    %dma_start3A_27 = tpu.memref_slice %arg6[%add3A_19] : memref<1600000xi32, #tpu.memory_space<hbm>> -> memref<1600xi32, #tpu.memory_space<hbm>>
    tpu.enqueue_dma source(%dma_start3A_27 : memref<1600xi32, #tpu.memory_space<hbm>>) target(%arg25 : memref<1600xi32, #tpu.memory_space<vmem>>) target_semaphore(%arg28 : memref<!tpu.dma_semaphore, #tpu.memory_space<semaphore_mem>>)
    tpu.enqueue_dma source(%arg7 : memref<100000xi32, #tpu.memory_space<hbm>>) target(%arg9 : memref<100000xi32, #tpu.memory_space<vmem>>) target_semaphore(%arg29 : memref<!tpu.dma_semaphore, #tpu.memory_space<semaphore_mem>>)
    "tpu.region"() ({
      %run_scoped3A_65 = tpu.sem_alloc : memref<!tpu.dma_semaphore, #tpu.memory_space<semaphore_mem>>
      %dma_start3A_66 = arith.constant 0 : i32
      %dma_start3A_67 = tpu.memref_slice %arg26[%dma_start3A_66] : memref<16xf32, #tpu.memory_space<vmem>> -> memref<8xf32, #tpu.memory_space<vmem>>
      %dma_start3A_68 = arith.constant 0 : i32
      %dma_start3A_69 = tpu.memref_slice %arg26[%dma_start3A_68] : memref<16xf32, #tpu.memory_space<vmem>> -> memref<8xf32, #tpu.memory_space<vmem>>
      tpu.enqueue_dma source(%arg5 : memref<8xf32, #tpu.memory_space<hbm>>) target(%dma_start3A_69 : memref<8xf32, #tpu.memory_space<vmem>>) target_semaphore(%run_scoped3A_65 : memref<!tpu.dma_semaphore, #tpu.memory_space<semaphore_mem>>)
      %dma_wait3A = arith.constant 0 : i32
      %dma_wait3A_70 = tpu.memref_slice %arg26[%dma_wait3A] : memref<16xf32, #tpu.memory_space<vmem>> -> memref<8xf32, #tpu.memory_space<vmem>>
      %dma_wait3A_71 = arith.constant 0 : i32
      %dma_wait3A_72 = tpu.memref_slice %arg26[%dma_wait3A_71] : memref<16xf32, #tpu.memory_space<vmem>> -> memref<8xf32, #tpu.memory_space<vmem>>
      tpu.wait_dma2 semaphore(%run_scoped3A_65 : memref<!tpu.dma_semaphore, #tpu.memory_space<semaphore_mem>>) src(%arg5 : memref<8xf32, #tpu.memory_space<hbm>>) dst(%dma_wait3A_72 : memref<8xf32, #tpu.memory_space<vmem>>)
      tpu.yield
    }) : () -> ()
    %broadcast_in_dim3A = arith.constant 0.000000e+00 : f32
    %broadcast_in_dim3A_28 = vector.broadcast %broadcast_in_dim3A : f32 to vector<16xf32>
    %scan3A = arith.constant 0 : i32
    %scan3A_29 = arith.constant 0 : i32
    %scan3A_30 = arith.constant 64 : i32
    %scan3A_31 = arith.addi %scan3A_29, %scan3A_30 : i32
    %scan3A_32 = arith.constant 1 : i32
    scf.for %scan3A_65 = %scan3A_29 to %scan3A_31 step %scan3A_32  : i32 {
      %mul3A_66 = arith.constant 16 : i32
      %mul3A_67 = arith.muli %scan3A_65, %mul3A_66 : i32
      %swap3A = arith.index_cast %mul3A_67 : i32 to index
      %swap3A_68 = tpu.vector_load %arg10[%swap3A] {strides = array<i32>} : memref<1024xf32, #tpu.memory_space<vmem>>, vector<16xf32>,
      tpu.vector_store %arg10[%swap3A], %broadcast_in_dim3A_28 {strides = array<i32>} : memref<1024xf32, #tpu.memory_space<vmem>>, vector<16xf32>,
      %mul3A_69 = arith.constant 16 : i32
      %mul3A_70 = arith.muli %scan3A_65, %mul3A_69 : i32
      %swap3A_71 = arith.index_cast %mul3A_70 : i32 to index
      %swap3A_72 = tpu.vector_load %arg11[%swap3A_71] {strides = array<i32>} : memref<1024xf32, #tpu.memory_space<vmem>>, vector<16xf32>,
      tpu.vector_store %arg11[%swap3A_71], %broadcast_in_dim3A_28 {strides = array<i32>} : memref<1024xf32, #tpu.memory_space<vmem>>, vector<16xf32>,
      %mul3A_73 = arith.constant 16 : i32
      %mul3A_74 = arith.muli %scan3A_65, %mul3A_73 : i32
      %swap3A_75 = arith.index_cast %mul3A_74 : i32 to index
      %swap3A_76 = tpu.vector_load %arg12[%swap3A_75] {strides = array<i32>} : memref<1024xf32, #tpu.memory_space<vmem>>, vector<16xf32>,
      tpu.vector_store %arg12[%swap3A_75], %broadcast_in_dim3A_28 {strides = array<i32>} : memref<1024xf32, #tpu.memory_space<vmem>>, vector<16xf32>,
      %mul3A_77 = arith.constant 16 : i32
      %mul3A_78 = arith.muli %scan3A_65, %mul3A_77 : i32
      %swap3A_79 = arith.index_cast %mul3A_78 : i32 to index
      %swap3A_80 = tpu.vector_load %arg13[%swap3A_79] {strides = array<i32>} : memref<1024xf32, #tpu.memory_space<vmem>>, vector<16xf32>,
      tpu.vector_store %arg13[%swap3A_79], %broadcast_in_dim3A_28 {strides = array<i32>} : memref<1024xf32, #tpu.memory_space<vmem>>, vector<16xf32>,
      %mul3A_81 = arith.constant 16 : i32
      %mul3A_82 = arith.muli %scan3A_65, %mul3A_81 : i32
      %swap3A_83 = arith.index_cast %mul3A_82 : i32 to index
      %swap3A_84 = tpu.vector_load %arg14[%swap3A_83] {strides = array<i32>} : memref<1024xf32, #tpu.memory_space<vmem>>, vector<16xf32>,
      tpu.vector_store %arg14[%swap3A_83], %broadcast_in_dim3A_28 {strides = array<i32>} : memref<1024xf32, #tpu.memory_space<vmem>>, vector<16xf32>,
      %mul3A_85 = arith.constant 16 : i32
      %mul3A_86 = arith.muli %scan3A_65, %mul3A_85 : i32
      %swap3A_87 = arith.index_cast %mul3A_86 : i32 to index
      %swap3A_88 = tpu.vector_load %arg15[%swap3A_87] {strides = array<i32>} : memref<1024xf32, #tpu.memory_space<vmem>>, vector<16xf32>,
      tpu.vector_store %arg15[%swap3A_87], %broadcast_in_dim3A_28 {strides = array<i32>} : memref<1024xf32, #tpu.memory_space<vmem>>, vector<16xf32>,
      %mul3A_89 = arith.constant 16 : i32
      %mul3A_90 = arith.muli %scan3A_65, %mul3A_89 : i32
      %swap3A_91 = arith.index_cast %mul3A_90 : i32 to index
      %swap3A_92 = tpu.vector_load %arg16[%swap3A_91] {strides = array<i32>} : memref<1024xf32, #tpu.memory_space<vmem>>, vector<16xf32>,
      tpu.vector_store %arg16[%swap3A_91], %broadcast_in_dim3A_28 {strides = array<i32>} : memref<1024xf32, #tpu.memory_space<vmem>>, vector<16xf32>,
      %mul3A_93 = arith.constant 16 : i32
      %mul3A_94 = arith.muli %scan3A_65, %mul3A_93 : i32
      %swap3A_95 = arith.index_cast %mul3A_94 : i32 to index
      %swap3A_96 = tpu.vector_load %arg17[%swap3A_95] {strides = array<i32>} : memref<1024xf32, #tpu.memory_space<vmem>>, vector<16xf32>,
      tpu.vector_store %arg17[%swap3A_95], %broadcast_in_dim3A_28 {strides = array<i32>} : memref<1024xf32, #tpu.memory_space<vmem>>, vector<16xf32>,
    }
    %scan3A_33 = arith.constant 64 : i32
    tpu.wait_dma2 semaphore(%arg29 : memref<!tpu.dma_semaphore, #tpu.memory_space<semaphore_mem>>) src(%arg7 : memref<100000xi32, #tpu.memory_space<hbm>>) dst(%arg9 : memref<100000xi32, #tpu.memory_space<vmem>>)
    %get3A = arith.constant 0 : index
    %get3A_34 = tpu.vector_load %arg26[%get3A] {strides = array<i32>} : memref<16xf32, #tpu.memory_space<vmem>>, vector<16xf32>,
    %slice3A = vector.extract_strided_slice %get3A_34 {offsets = [0], sizes = [1], strides = [1]} : vector<16xf32> to vector<1xf32>
    %squeeze3A = vector.extract %slice3A[0] : f32 from vector<1xf32>
    %slice3A_35 = vector.extract_strided_slice %get3A_34 {offsets = [1], sizes = [1], strides = [1]} : vector<16xf32> to vector<1xf32>
    %squeeze3A_36 = vector.extract %slice3A_35[0] : f32 from vector<1xf32>
    %slice3A_37 = vector.extract_strided_slice %get3A_34 {offsets = [2], sizes = [1], strides = [1]} : vector<16xf32> to vector<1xf32>
    %squeeze3A_38 = vector.extract %slice3A_37[0] : f32 from vector<1xf32>
    %slice3A_39 = vector.extract_strided_slice %get3A_34 {offsets = [3], sizes = [1], strides = [1]} : vector<16xf32> to vector<1xf32>
    %squeeze3A_40 = vector.extract %slice3A_39[0] : f32 from vector<1xf32>
    %slice3A_41 = vector.extract_strided_slice %get3A_34 {offsets = [4], sizes = [1], strides = [1]} : vector<16xf32> to vector<1xf32>
    %squeeze3A_42 = vector.extract %slice3A_41[0] : f32 from vector<1xf32>
    %slice3A_43 = vector.extract_strided_slice %get3A_34 {offsets = [5], sizes = [1], strides = [1]} : vector<16xf32> to vector<1xf32>
    %squeeze3A_44 = vector.extract %slice3A_43[0] : f32 from vector<1xf32>
    %slice3A_45 = vector.extract_strided_slice %get3A_34 {offsets = [6], sizes = [1], strides = [1]} : vector<16xf32> to vector<1xf32>
    %squeeze3A_46 = vector.extract %slice3A_45[0] : f32 from vector<1xf32>
    %slice3A_47 = vector.extract_strided_slice %get3A_34 {offsets = [7], sizes = [1], strides = [1]} : vector<16xf32> to vector<1xf32>
    %squeeze3A_48 = vector.extract %slice3A_47[0] : f32 from vector<1xf32>
    %while3A = arith.constant 0 : i32
    %while3A_49 = arith.constant 0 : i32
    %while3A_50 = arith.subi %select_n3A, %while3A_49 : i32
    %while3A_51 = arith.addi %while3A_49, %while3A_50 : i32
    %while3A_52 = arith.constant 1 : i32
    %while3A_53 = arith.divsi %while3A_50, %while3A_52 : i32
    %while3A_54 = arith.muli %while3A_53, %while3A_52 : i32
    %while3A_55 = arith.addi %while3A_49, %while3A_54 : i32
    %while3A_56 = arith.constant 1 : i32
    scf.for %while3A_65 = %while3A_49 to %while3A_55 step %while3A_56  : i32 {
      %sub3A_66 = arith.constant 1 : i32
      %sub3A_67 = arith.subi %select_n3A, %sub3A_66 : i32
      %lt3A_68 = arith.cmpi slt, %while3A_65, %sub3A_67 : i32
      %dma_wait3A = arith.constant 0 : i32
      %dma_wait3A_69 = tpu.memref_slice %arg2[%dma_wait3A] : memref<1600000xf32, #tpu.memory_space<hbm>> -> memref<1600xf32, #tpu.memory_space<hbm>>
      %dma_wait3A_70 = arith.constant 0 : i32
      %dma_wait3A_71 = tpu.memref_slice %arg2[%dma_wait3A_70] : memref<1600000xf32, #tpu.memory_space<hbm>> -> memref<1600xf32, #tpu.memory_space<hbm>>
      tpu.wait_dma2 semaphore(%arg27 : memref<!tpu.dma_semaphore, #tpu.memory_space<semaphore_mem>>) src(%dma_wait3A_71 : memref<1600xf32, #tpu.memory_space<hbm>>) dst(%arg18 : memref<1600xf32, #tpu.memory_space<vmem>>)
      %dma_wait3A_72 = arith.constant 0 : i32
      %dma_wait3A_73 = tpu.memref_slice %arg3[%dma_wait3A_72] : memref<1600000xf32, #tpu.memory_space<hbm>> -> memref<1600xf32, #tpu.memory_space<hbm>>
      %dma_wait3A_74 = arith.constant 0 : i32
      %dma_wait3A_75 = tpu.memref_slice %arg3[%dma_wait3A_74] : memref<1600000xf32, #tpu.memory_space<hbm>> -> memref<1600xf32, #tpu.memory_space<hbm>>
      tpu.wait_dma2 semaphore(%arg27 : memref<!tpu.dma_semaphore, #tpu.memory_space<semaphore_mem>>) src(%dma_wait3A_75 : memref<1600xf32, #tpu.memory_space<hbm>>) dst(%arg20 : memref<1600xf32, #tpu.memory_space<vmem>>)
      %dma_wait3A_76 = arith.constant 0 : i32
      %dma_wait3A_77 = tpu.memref_slice %arg4[%dma_wait3A_76] : memref<1600000xf32, #tpu.memory_space<hbm>> -> memref<1600xf32, #tpu.memory_space<hbm>>
      %dma_wait3A_78 = arith.constant 0 : i32
      %dma_wait3A_79 = tpu.memref_slice %arg4[%dma_wait3A_78] : memref<1600000xf32, #tpu.memory_space<hbm>> -> memref<1600xf32, #tpu.memory_space<hbm>>
      tpu.wait_dma2 semaphore(%arg27 : memref<!tpu.dma_semaphore, #tpu.memory_space<semaphore_mem>>) src(%dma_wait3A_79 : memref<1600xf32, #tpu.memory_space<hbm>>) dst(%arg22 : memref<1600xf32, #tpu.memory_space<vmem>>)
      %dma_wait3A_80 = arith.constant 0 : i32
      %dma_wait3A_81 = tpu.memref_slice %arg6[%dma_wait3A_80] : memref<1600000xi32, #tpu.memory_space<hbm>> -> memref<1600xi32, #tpu.memory_space<hbm>>
      %dma_wait3A_82 = arith.constant 0 : i32
      %dma_wait3A_83 = tpu.memref_slice %arg6[%dma_wait3A_82] : memref<1600000xi32, #tpu.memory_space<hbm>> -> memref<1600xi32, #tpu.memory_space<hbm>>
      tpu.wait_dma2 semaphore(%arg27 : memref<!tpu.dma_semaphore, #tpu.memory_space<semaphore_mem>>) src(%dma_wait3A_83 : memref<1600xi32, #tpu.memory_space<hbm>>) dst(%arg24 : memref<1600xi32, #tpu.memory_space<vmem>>)
      %scan3A_84 = arith.constant 0 : i32
      %scan3A_85 = arith.constant 0 : i32
      %scan3A_86 = arith.constant 20 : i32
      %scan3A_87 = arith.addi %scan3A_85, %scan3A_86 : i32
      %scan3A_88 = arith.constant 1 : i32
      scf.for %scan3A_116 = %scan3A_85 to %scan3A_87 step %scan3A_88  : i32 {
        %mul3A_117 = arith.constant 5 : i32
        %mul3A_118 = arith.muli %scan3A_116, %mul3A_117 : i32
        %add3A_119 = arith.constant 0 : i32
        %add3A_120 = arith.addi %mul3A_118, %add3A_119 : i32
        %mul3A_121 = arith.constant 16 : i32
        %mul3A_122 = arith.muli %add3A_120, %mul3A_121 : i32
        %get3A_123 = arith.index_cast %mul3A_122 : i32 to index
        %get3A_124 = tpu.vector_load %arg18[%get3A_123] {strides = array<i32>} : memref<1600xf32, #tpu.memory_space<vmem>>, vector<16xf32>,
        %get3A_125 = arith.index_cast %mul3A_122 : i32 to index
        %get3A_126 = tpu.vector_load %arg20[%get3A_125] {strides = array<i32>} : memref<1600xf32, #tpu.memory_space<vmem>>, vector<16xf32>,
        %get3A_127 = arith.index_cast %mul3A_122 : i32 to index
        %get3A_128 = tpu.vector_load %arg22[%get3A_127] {strides = array<i32>} : memref<1600xf32, #tpu.memory_space<vmem>>, vector<16xf32>,
        %get3A_129 = arith.index_cast %mul3A_122 : i32 to index
        %get3A_130 = tpu.vector_load %arg24[%get3A_129] {strides = array<i32>} : memref<1600xi32, #tpu.memory_space<vmem>>, vector<16xi32>,
        %gather3A = tpu.vector_load_idx %arg9[%get3A_130] : memref<100000xi32, #tpu.memory_space<vmem>>[vector<16xi32>], vector<16xi32>,
        %le3A = vector.broadcast %squeeze3A : f32 to vector<16xf32>
        %le3A_131 = arith.cmpf ole, %get3A_126, %le3A : vector<16xf32>
        %lt3A_132 = vector.broadcast %squeeze3A : f32 to vector<16xf32>
        %lt3A_133 = arith.cmpf olt, %lt3A_132, %get3A_128 : vector<16xf32>
        %and3A = arith.andi %le3A_131, %lt3A_133 : vector<16xi1>
        tpu.vector_store_idx %arg10[%gather3A], %get3A_124 masked %and3A {add = true} : memref<1024xf32, #tpu.memory_space<vmem>>[vector<16xi32>], vector<16xf32>, vector<16xi1>
        %le3A_134 = vector.broadcast %squeeze3A_36 : f32 to vector<16xf32>
        %le3A_135 = arith.cmpf ole, %get3A_126, %le3A_134 : vector<16xf32>
        %lt3A_136 = vector.broadcast %squeeze3A_36 : f32 to vector<16xf32>
        %lt3A_137 = arith.cmpf olt, %lt3A_136, %get3A_128 : vector<16xf32>
        %and3A_138 = arith.andi %le3A_135, %lt3A_137 : vector<16xi1>
        tpu.vector_store_idx %arg11[%gather3A], %get3A_124 masked %and3A_138 {add = true} : memref<1024xf32, #tpu.memory_space<vmem>>[vector<16xi32>], vector<16xf32>, vector<16xi1>
        %le3A_139 = vector.broadcast %squeeze3A_38 : f32 to vector<16xf32>
        %le3A_140 = arith.cmpf ole, %get3A_126, %le3A_139 : vector<16xf32>
        %lt3A_141 = vector.broadcast %squeeze3A_38 : f32 to vector<16xf32>
        %lt3A_142 = arith.cmpf olt, %lt3A_141, %get3A_128 : vector<16xf32>
        %and3A_143 = arith.andi %le3A_140, %lt3A_142 : vector<16xi1>
        tpu.vector_store_idx %arg12[%gather3A], %get3A_124 masked %and3A_143 {add = true} : memref<1024xf32, #tpu.memory_space<vmem>>[vector<16xi32>], vector<16xf32>, vector<16xi1>
        %le3A_144 = vector.broadcast %squeeze3A_40 : f32 to vector<16xf32>
        %le3A_145 = arith.cmpf ole, %get3A_126, %le3A_144 : vector<16xf32>
        %lt3A_146 = vector.broadcast %squeeze3A_40 : f32 to vector<16xf32>
        %lt3A_147 = arith.cmpf olt, %lt3A_146, %get3A_128 : vector<16xf32>
        %and3A_148 = arith.andi %le3A_145, %lt3A_147 : vector<16xi1>
        tpu.vector_store_idx %arg13[%gather3A], %get3A_124 masked %and3A_148 {add = true} : memref<1024xf32, #tpu.memory_space<vmem>>[vector<16xi32>], vector<16xf32>, vector<16xi1>
        %le3A_149 = vector.broadcast %squeeze3A_42 : f32 to vector<16xf32>
        %le3A_150 = arith.cmpf ole, %get3A_126, %le3A_149 : vector<16xf32>
        %lt3A_151 = vector.broadcast %squeeze3A_42 : f32 to vector<16xf32>
        %lt3A_152 = arith.cmpf olt, %lt3A_151, %get3A_128 : vector<16xf32>
        %and3A_153 = arith.andi %le3A_150, %lt3A_152 : vector<16xi1>
        tpu.vector_store_idx %arg14[%gather3A], %get3A_124 masked %and3A_153 {add = true} : memref<1024xf32, #tpu.memory_space<vmem>>[vector<16xi32>], vector<16xf32>, vector<16xi1>
        %le3A_154 = vector.broadcast %squeeze3A_44 : f32 to vector<16xf32>
        %le3A_155 = arith.cmpf ole, %get3A_126, %le3A_154 : vector<16xf32>
        %lt3A_156 = vector.broadcast %squeeze3A_44 : f32 to vector<16xf32>
        %lt3A_157 = arith.cmpf olt, %lt3A_156, %get3A_128 : vector<16xf32>
        %and3A_158 = arith.andi %le3A_155, %lt3A_157 : vector<16xi1>
        tpu.vector_store_idx %arg15[%gather3A], %get3A_124 masked %and3A_158 {add = true} : memref<1024xf32, #tpu.memory_space<vmem>>[vector<16xi32>], vector<16xf32>, vector<16xi1>
        %le3A_159 = vector.broadcast %squeeze3A_46 : f32 to vector<16xf32>
        %le3A_160 = arith.cmpf ole, %get3A_126, %le3A_159 : vector<16xf32>
        %lt3A_161 = vector.broadcast %squeeze3A_46 : f32 to vector<16xf32>
        %lt3A_162 = arith.cmpf olt, %lt3A_161, %get3A_128 : vector<16xf32>
        %and3A_163 = arith.andi %le3A_160, %lt3A_162 : vector<16xi1>
        tpu.vector_store_idx %arg16[%gather3A], %get3A_124 masked %and3A_163 {add = true} : memref<1024xf32, #tpu.memory_space<vmem>>[vector<16xi32>], vector<16xf32>, vector<16xi1>
        %le3A_164 = vector.broadcast %squeeze3A_48 : f32 to vector<16xf32>
        %le3A_165 = arith.cmpf ole, %get3A_126, %le3A_164 : vector<16xf32>
        %lt3A_166 = vector.broadcast %squeeze3A_48 : f32 to vector<16xf32>
        %lt3A_167 = arith.cmpf olt, %lt3A_166, %get3A_128 : vector<16xf32>
        %and3A_168 = arith.andi %le3A_165, %lt3A_167 : vector<16xi1>
        tpu.vector_store_idx %arg17[%gather3A], %get3A_124 masked %and3A_168 {add = true} : memref<1024xf32, #tpu.memory_space<vmem>>[vector<16xi32>], vector<16xf32>, vector<16xi1>
        %mul3A_169 = arith.constant 5 : i32
        %mul3A_170 = arith.muli %scan3A_116, %mul3A_169 : i32
        %add3A_171 = arith.constant 1 : i32
        %add3A_172 = arith.addi %mul3A_170, %add3A_171 : i32
        %mul3A_173 = arith.constant 16 : i32
        %mul3A_174 = arith.muli %add3A_172, %mul3A_173 : i32
        %get3A_175 = arith.index_cast %mul3A_174 : i32 to index
        %get3A_176 = tpu.vector_load %arg18[%get3A_175] {strides = array<i32>} : memref<1600xf32, #tpu.memory_space<vmem>>, vector<16xf32>,
        %get3A_177 = arith.index_cast %mul3A_174 : i32 to index
        %get3A_178 = tpu.vector_load %arg20[%get3A_177] {strides = array<i32>} : memref<1600xf32, #tpu.memory_space<vmem>>, vector<16xf32>,
        %get3A_179 = arith.index_cast %mul3A_174 : i32 to index
        %get3A_180 = tpu.vector_load %arg22[%get3A_179] {strides = array<i32>} : memref<1600xf32, #tpu.memory_space<vmem>>, vector<16xf32>,
        %get3A_181 = arith.index_cast %mul3A_174 : i32 to index
        %get3A_182 = tpu.vector_load %arg24[%get3A_181] {strides = array<i32>} : memref<1600xi32, #tpu.memory_space<vmem>>, vector<16xi32>,
        %gather3A_183 = tpu.vector_load_idx %arg9[%get3A_182] : memref<100000xi32, #tpu.memory_space<vmem>>[vector<16xi32>], vector<16xi32>,
        %le3A_184 = vector.broadcast %squeeze3A : f32 to vector<16xf32>
        %le3A_185 = arith.cmpf ole, %get3A_178, %le3A_184 : vector<16xf32>
        %lt3A_186 = vector.broadcast %squeeze3A : f32 to vector<16xf32>
        %lt3A_187 = arith.cmpf olt, %lt3A_186, %get3A_180 : vector<16xf32>
        %and3A_188 = arith.andi %le3A_185, %lt3A_187 : vector<16xi1>
        tpu.vector_store_idx %arg10[%gather3A_183], %get3A_176 masked %and3A_188 {add = true} : memref<1024xf32, #tpu.memory_space<vmem>>[vector<16xi32>], vector<16xf32>, vector<16xi1>
        %le3A_189 = vector.broadcast %squeeze3A_36 : f32 to vector<16xf32>
        %le3A_190 = arith.cmpf ole, %get3A_178, %le3A_189 : vector<16xf32>
        %lt3A_191 = vector.broadcast %squeeze3A_36 : f32 to vector<16xf32>
        %lt3A_192 = arith.cmpf olt, %lt3A_191, %get3A_180 : vector<16xf32>
        %and3A_193 = arith.andi %le3A_190, %lt3A_192 : vector<16xi1>
        tpu.vector_store_idx %arg11[%gather3A_183], %get3A_176 masked %and3A_193 {add = true} : memref<1024xf32, #tpu.memory_space<vmem>>[vector<16xi32>], vector<16xf32>, vector<16xi1>
        %le3A_194 = vector.broadcast %squeeze3A_38 : f32 to vector<16xf32>
        %le3A_195 = arith.cmpf ole, %get3A_178, %le3A_194 : vector<16xf32>
        %lt3A_196 = vector.broadcast %squeeze3A_38 : f32 to vector<16xf32>
        %lt3A_197 = arith.cmpf olt, %lt3A_196, %get3A_180 : vector<16xf32>
        %and3A_198 = arith.andi %le3A_195, %lt3A_197 : vector<16xi1>
        tpu.vector_store_idx %arg12[%gather3A_183], %get3A_176 masked %and3A_198 {add = true} : memref<1024xf32, #tpu.memory_space<vmem>>[vector<16xi32>], vector<16xf32>, vector<16xi1>
        %le3A_199 = vector.broadcast %squeeze3A_40 : f32 to vector<16xf32>
        %le3A_200 = arith.cmpf ole, %get3A_178, %le3A_199 : vector<16xf32>
        %lt3A_201 = vector.broadcast %squeeze3A_40 : f32 to vector<16xf32>
        %lt3A_202 = arith.cmpf olt, %lt3A_201, %get3A_180 : vector<16xf32>
        %and3A_203 = arith.andi %le3A_200, %lt3A_202 : vector<16xi1>
        tpu.vector_store_idx %arg13[%gather3A_183], %get3A_176 masked %and3A_203 {add = true} : memref<1024xf32, #tpu.memory_space<vmem>>[vector<16xi32>], vector<16xf32>, vector<16xi1>
        %le3A_204 = vector.broadcast %squeeze3A_42 : f32 to vector<16xf32>
        %le3A_205 = arith.cmpf ole, %get3A_178, %le3A_204 : vector<16xf32>
        %lt3A_206 = vector.broadcast %squeeze3A_42 : f32 to vector<16xf32>
        %lt3A_207 = arith.cmpf olt, %lt3A_206, %get3A_180 : vector<16xf32>
        %and3A_208 = arith.andi %le3A_205, %lt3A_207 : vector<16xi1>
        tpu.vector_store_idx %arg14[%gather3A_183], %get3A_176 masked %and3A_208 {add = true} : memref<1024xf32, #tpu.memory_space<vmem>>[vector<16xi32>], vector<16xf32>, vector<16xi1>
        %le3A_209 = vector.broadcast %squeeze3A_44 : f32 to vector<16xf32>
        %le3A_210 = arith.cmpf ole, %get3A_178, %le3A_209 : vector<16xf32>
        %lt3A_211 = vector.broadcast %squeeze3A_44 : f32 to vector<16xf32>
        %lt3A_212 = arith.cmpf olt, %lt3A_211, %get3A_180 : vector<16xf32>
        %and3A_213 = arith.andi %le3A_210, %lt3A_212 : vector<16xi1>
        tpu.vector_store_idx %arg15[%gather3A_183], %get3A_176 masked %and3A_213 {add = true} : memref<1024xf32, #tpu.memory_space<vmem>>[vector<16xi32>], vector<16xf32>, vector<16xi1>
        %le3A_214 = vector.broadcast %squeeze3A_46 : f32 to vector<16xf32>
        %le3A_215 = arith.cmpf ole, %get3A_178, %le3A_214 : vector<16xf32>
        %lt3A_216 = vector.broadcast %squeeze3A_46 : f32 to vector<16xf32>
        %lt3A_217 = arith.cmpf olt, %lt3A_216, %get3A_180 : vector<16xf32>
        %and3A_218 = arith.andi %le3A_215, %lt3A_217 : vector<16xi1>
        tpu.vector_store_idx %arg16[%gather3A_183], %get3A_176 masked %and3A_218 {add = true} : memref<1024xf32, #tpu.memory_space<vmem>>[vector<16xi32>], vector<16xf32>, vector<16xi1>
        %le3A_219 = vector.broadcast %squeeze3A_48 : f32 to vector<16xf32>
        %le3A_220 = arith.cmpf ole, %get3A_178, %le3A_219 : vector<16xf32>
        %lt3A_221 = vector.broadcast %squeeze3A_48 : f32 to vector<16xf32>
        %lt3A_222 = arith.cmpf olt, %lt3A_221, %get3A_180 : vector<16xf32>
        %and3A_223 = arith.andi %le3A_220, %lt3A_222 : vector<16xi1>
        tpu.vector_store_idx %arg17[%gather3A_183], %get3A_176 masked %and3A_223 {add = true} : memref<1024xf32, #tpu.memory_space<vmem>>[vector<16xi32>], vector<16xf32>, vector<16xi1>
        %mul3A_224 = arith.constant 5 : i32
        %mul3A_225 = arith.muli %scan3A_116, %mul3A_224 : i32
        %add3A_226 = arith.constant 2 : i32
        %add3A_227 = arith.addi %mul3A_225, %add3A_226 : i32
        %mul3A_228 = arith.constant 16 : i32
        %mul3A_229 = arith.muli %add3A_227, %mul3A_228 : i32
        %get3A_230 = arith.index_cast %mul3A_229 : i32 to index
        %get3A_231 = tpu.vector_load %arg18[%get3A_230] {strides = array<i32>} : memref<1600xf32, #tpu.memory_space<vmem>>, vector<16xf32>,
        %get3A_232 = arith.index_cast %mul3A_229 : i32 to index
        %get3A_233 = tpu.vector_load %arg20[%get3A_232] {strides = array<i32>} : memref<1600xf32, #tpu.memory_space<vmem>>, vector<16xf32>,
        %get3A_234 = arith.index_cast %mul3A_229 : i32 to index
        %get3A_235 = tpu.vector_load %arg22[%get3A_234] {strides = array<i32>} : memref<1600xf32, #tpu.memory_space<vmem>>, vector<16xf32>,
        %get3A_236 = arith.index_cast %mul3A_229 : i32 to index
        %get3A_237 = tpu.vector_load %arg24[%get3A_236] {strides = array<i32>} : memref<1600xi32, #tpu.memory_space<vmem>>, vector<16xi32>,
        %gather3A_238 = tpu.vector_load_idx %arg9[%get3A_237] : memref<100000xi32, #tpu.memory_space<vmem>>[vector<16xi32>], vector<16xi32>,
        %le3A_239 = vector.broadcast %squeeze3A : f32 to vector<16xf32>
        %le3A_240 = arith.cmpf ole, %get3A_233, %le3A_239 : vector<16xf32>
        %lt3A_241 = vector.broadcast %squeeze3A : f32 to vector<16xf32>
        %lt3A_242 = arith.cmpf olt, %lt3A_241, %get3A_235 : vector<16xf32>
        %and3A_243 = arith.andi %le3A_240, %lt3A_242 : vector<16xi1>
        tpu.vector_store_idx %arg10[%gather3A_238], %get3A_231 masked %and3A_243 {add = true} : memref<1024xf32, #tpu.memory_space<vmem>>[vector<16xi32>], vector<16xf32>, vector<16xi1>
        %le3A_244 = vector.broadcast %squeeze3A_36 : f32 to vector<16xf32>
        %le3A_245 = arith.cmpf ole, %get3A_233, %le3A_244 : vector<16xf32>
        %lt3A_246 = vector.broadcast %squeeze3A_36 : f32 to vector<16xf32>
        %lt3A_247 = arith.cmpf olt, %lt3A_246, %get3A_235 : vector<16xf32>
        %and3A_248 = arith.andi %le3A_245, %lt3A_247 : vector<16xi1>
        tpu.vector_store_idx %arg11[%gather3A_238], %get3A_231 masked %and3A_248 {add = true} : memref<1024xf32, #tpu.memory_space<vmem>>[vector<16xi32>], vector<16xf32>, vector<16xi1>
        %le3A_249 = vector.broadcast %squeeze3A_38 : f32 to vector<16xf32>
        %le3A_250 = arith.cmpf ole, %get3A_233, %le3A_249 : vector<16xf32>
        %lt3A_251 = vector.broadcast %squeeze3A_38 : f32 to vector<16xf32>
        %lt3A_252 = arith.cmpf olt, %lt3A_251, %get3A_235 : vector<16xf32>
        %and3A_253 = arith.andi %le3A_250, %lt3A_252 : vector<16xi1>
        tpu.vector_store_idx %arg12[%gather3A_238], %get3A_231 masked %and3A_253 {add = true} : memref<1024xf32, #tpu.memory_space<vmem>>[vector<16xi32>], vector<16xf32>, vector<16xi1>
        %le3A_254 = vector.broadcast %squeeze3A_40 : f32 to vector<16xf32>
        %le3A_255 = arith.cmpf ole, %get3A_233, %le3A_254 : vector<16xf32>
        %lt3A_256 = vector.broadcast %squeeze3A_40 : f32 to vector<16xf32>
        %lt3A_257 = arith.cmpf olt, %lt3A_256, %get3A_235 : vector<16xf32>
        %and3A_258 = arith.andi %le3A_255, %lt3A_257 : vector<16xi1>
        tpu.vector_store_idx %arg13[%gather3A_238], %get3A_231 masked %and3A_258 {add = true} : memref<1024xf32, #tpu.memory_space<vmem>>[vector<16xi32>], vector<16xf32>, vector<16xi1>
        %le3A_259 = vector.broadcast %squeeze3A_42 : f32 to vector<16xf32>
        %le3A_260 = arith.cmpf ole, %get3A_233, %le3A_259 : vector<16xf32>
        %lt3A_261 = vector.broadcast %squeeze3A_42 : f32 to vector<16xf32>
        %lt3A_262 = arith.cmpf olt, %lt3A_261, %get3A_235 : vector<16xf32>
        %and3A_263 = arith.andi %le3A_260, %lt3A_262 : vector<16xi1>
        tpu.vector_store_idx %arg14[%gather3A_238], %get3A_231 masked %and3A_263 {add = true} : memref<1024xf32, #tpu.memory_space<vmem>>[vector<16xi32>], vector<16xf32>, vector<16xi1>
        %le3A_264 = vector.broadcast %squeeze3A_44 : f32 to vector<16xf32>
        %le3A_265 = arith.cmpf ole, %get3A_233, %le3A_264 : vector<16xf32>
        %lt3A_266 = vector.broadcast %squeeze3A_44 : f32 to vector<16xf32>
        %lt3A_267 = arith.cmpf olt, %lt3A_266, %get3A_235 : vector<16xf32>
        %and3A_268 = arith.andi %le3A_265, %lt3A_267 : vector<16xi1>
        tpu.vector_store_idx %arg15[%gather3A_238], %get3A_231 masked %and3A_268 {add = true} : memref<1024xf32, #tpu.memory_space<vmem>>[vector<16xi32>], vector<16xf32>, vector<16xi1>
        %le3A_269 = vector.broadcast %squeeze3A_46 : f32 to vector<16xf32>
        %le3A_270 = arith.cmpf ole, %get3A_233, %le3A_269 : vector<16xf32>
        %lt3A_271 = vector.broadcast %squeeze3A_46 : f32 to vector<16xf32>
        %lt3A_272 = arith.cmpf olt, %lt3A_271, %get3A_235 : vector<16xf32>
        %and3A_273 = arith.andi %le3A_270, %lt3A_272 : vector<16xi1>
        tpu.vector_store_idx %arg16[%gather3A_238], %get3A_231 masked %and3A_273 {add = true} : memref<1024xf32, #tpu.memory_space<vmem>>[vector<16xi32>], vector<16xf32>, vector<16xi1>
        %le3A_274 = vector.broadcast %squeeze3A_48 : f32 to vector<16xf32>
        %le3A_275 = arith.cmpf ole, %get3A_233, %le3A_274 : vector<16xf32>
        %lt3A_276 = vector.broadcast %squeeze3A_48 : f32 to vector<16xf32>
        %lt3A_277 = arith.cmpf olt, %lt3A_276, %get3A_235 : vector<16xf32>
        %and3A_278 = arith.andi %le3A_275, %lt3A_277 : vector<16xi1>
        tpu.vector_store_idx %arg17[%gather3A_238], %get3A_231 masked %and3A_278 {add = true} : memref<1024xf32, #tpu.memory_space<vmem>>[vector<16xi32>], vector<16xf32>, vector<16xi1>
        %mul3A_279 = arith.constant 5 : i32
        %mul3A_280 = arith.muli %scan3A_116, %mul3A_279 : i32
        %add3A_281 = arith.constant 3 : i32
        %add3A_282 = arith.addi %mul3A_280, %add3A_281 : i32
        %mul3A_283 = arith.constant 16 : i32
        %mul3A_284 = arith.muli %add3A_282, %mul3A_283 : i32
        %get3A_285 = arith.index_cast %mul3A_284 : i32 to index
        %get3A_286 = tpu.vector_load %arg18[%get3A_285] {strides = array<i32>} : memref<1600xf32, #tpu.memory_space<vmem>>, vector<16xf32>,
        %get3A_287 = arith.index_cast %mul3A_284 : i32 to index
        %get3A_288 = tpu.vector_load %arg20[%get3A_287] {strides = array<i32>} : memref<1600xf32, #tpu.memory_space<vmem>>, vector<16xf32>,
        %get3A_289 = arith.index_cast %mul3A_284 : i32 to index
        %get3A_290 = tpu.vector_load %arg22[%get3A_289] {strides = array<i32>} : memref<1600xf32, #tpu.memory_space<vmem>>, vector<16xf32>,
        %get3A_291 = arith.index_cast %mul3A_284 : i32 to index
        %get3A_292 = tpu.vector_load %arg24[%get3A_291] {strides = array<i32>} : memref<1600xi32, #tpu.memory_space<vmem>>, vector<16xi32>,
        %gather3A_293 = tpu.vector_load_idx %arg9[%get3A_292] : memref<100000xi32, #tpu.memory_space<vmem>>[vector<16xi32>], vector<16xi32>,
        %le3A_294 = vector.broadcast %squeeze3A : f32 to vector<16xf32>
        %le3A_295 = arith.cmpf ole, %get3A_288, %le3A_294 : vector<16xf32>
        %lt3A_296 = vector.broadcast %squeeze3A : f32 to vector<16xf32>
        %lt3A_297 = arith.cmpf olt, %lt3A_296, %get3A_290 : vector<16xf32>
        %and3A_298 = arith.andi %le3A_295, %lt3A_297 : vector<16xi1>
        tpu.vector_store_idx %arg10[%gather3A_293], %get3A_286 masked %and3A_298 {add = true} : memref<1024xf32, #tpu.memory_space<vmem>>[vector<16xi32>], vector<16xf32>, vector<16xi1>
        %le3A_299 = vector.broadcast %squeeze3A_36 : f32 to vector<16xf32>
        %le3A_300 = arith.cmpf ole, %get3A_288, %le3A_299 : vector<16xf32>
        %lt3A_301 = vector.broadcast %squeeze3A_36 : f32 to vector<16xf32>
        %lt3A_302 = arith.cmpf olt, %lt3A_301, %get3A_290 : vector<16xf32>
        %and3A_303 = arith.andi %le3A_300, %lt3A_302 : vector<16xi1>
        tpu.vector_store_idx %arg11[%gather3A_293], %get3A_286 masked %and3A_303 {add = true} : memref<1024xf32, #tpu.memory_space<vmem>>[vector<16xi32>], vector<16xf32>, vector<16xi1>
        %le3A_304 = vector.broadcast %squeeze3A_38 : f32 to vector<16xf32>
        %le3A_305 = arith.cmpf ole, %get3A_288, %le3A_304 : vector<16xf32>
        %lt3A_306 = vector.broadcast %squeeze3A_38 : f32 to vector<16xf32>
        %lt3A_307 = arith.cmpf olt, %lt3A_306, %get3A_290 : vector<16xf32>
        %and3A_308 = arith.andi %le3A_305, %lt3A_307 : vector<16xi1>
        tpu.vector_store_idx %arg12[%gather3A_293], %get3A_286 masked %and3A_308 {add = true} : memref<1024xf32, #tpu.memory_space<vmem>>[vector<16xi32>], vector<16xf32>, vector<16xi1>
        %le3A_309 = vector.broadcast %squeeze3A_40 : f32 to vector<16xf32>
        %le3A_310 = arith.cmpf ole, %get3A_288, %le3A_309 : vector<16xf32>
        %lt3A_311 = vector.broadcast %squeeze3A_40 : f32 to vector<16xf32>
        %lt3A_312 = arith.cmpf olt, %lt3A_311, %get3A_290 : vector<16xf32>
        %and3A_313 = arith.andi %le3A_310, %lt3A_312 : vector<16xi1>
        tpu.vector_store_idx %arg13[%gather3A_293], %get3A_286 masked %and3A_313 {add = true} : memref<1024xf32, #tpu.memory_space<vmem>>[vector<16xi32>], vector<16xf32>, vector<16xi1>
        %le3A_314 = vector.broadcast %squeeze3A_42 : f32 to vector<16xf32>
        %le3A_315 = arith.cmpf ole, %get3A_288, %le3A_314 : vector<16xf32>
        %lt3A_316 = vector.broadcast %squeeze3A_42 : f32 to vector<16xf32>
        %lt3A_317 = arith.cmpf olt, %lt3A_316, %get3A_290 : vector<16xf32>
        %and3A_318 = arith.andi %le3A_315, %lt3A_317 : vector<16xi1>
        tpu.vector_store_idx %arg14[%gather3A_293], %get3A_286 masked %and3A_318 {add = true} : memref<1024xf32, #tpu.memory_space<vmem>>[vector<16xi32>], vector<16xf32>, vector<16xi1>
        %le3A_319 = vector.broadcast %squeeze3A_44 : f32 to vector<16xf32>
        %le3A_320 = arith.cmpf ole, %get3A_288, %le3A_319 : vector<16xf32>
        %lt3A_321 = vector.broadcast %squeeze3A_44 : f32 to vector<16xf32>
        %lt3A_322 = arith.cmpf olt, %lt3A_321, %get3A_290 : vector<16xf32>
        %and3A_323 = arith.andi %le3A_320, %lt3A_322 : vector<16xi1>
        tpu.vector_store_idx %arg15[%gather3A_293], %get3A_286 masked %and3A_323 {add = true} : memref<1024xf32, #tpu.memory_space<vmem>>[vector<16xi32>], vector<16xf32>, vector<16xi1>
        %le3A_324 = vector.broadcast %squeeze3A_46 : f32 to vector<16xf32>
        %le3A_325 = arith.cmpf ole, %get3A_288, %le3A_324 : vector<16xf32>
        %lt3A_326 = vector.broadcast %squeeze3A_46 : f32 to vector<16xf32>
        %lt3A_327 = arith.cmpf olt, %lt3A_326, %get3A_290 : vector<16xf32>
        %and3A_328 = arith.andi %le3A_325, %lt3A_327 : vector<16xi1>
        tpu.vector_store_idx %arg16[%gather3A_293], %get3A_286 masked %and3A_328 {add = true} : memref<1024xf32, #tpu.memory_space<vmem>>[vector<16xi32>], vector<16xf32>, vector<16xi1>
        %le3A_329 = vector.broadcast %squeeze3A_48 : f32 to vector<16xf32>
        %le3A_330 = arith.cmpf ole, %get3A_288, %le3A_329 : vector<16xf32>
        %lt3A_331 = vector.broadcast %squeeze3A_48 : f32 to vector<16xf32>
        %lt3A_332 = arith.cmpf olt, %lt3A_331, %get3A_290 : vector<16xf32>
        %and3A_333 = arith.andi %le3A_330, %lt3A_332 : vector<16xi1>
        tpu.vector_store_idx %arg17[%gather3A_293], %get3A_286 masked %and3A_333 {add = true} : memref<1024xf32, #tpu.memory_space<vmem>>[vector<16xi32>], vector<16xf32>, vector<16xi1>
        %mul3A_334 = arith.constant 5 : i32
        %mul3A_335 = arith.muli %scan3A_116, %mul3A_334 : i32
        %add3A_336 = arith.constant 4 : i32
        %add3A_337 = arith.addi %mul3A_335, %add3A_336 : i32
        %mul3A_338 = arith.constant 16 : i32
        %mul3A_339 = arith.muli %add3A_337, %mul3A_338 : i32
        %get3A_340 = arith.index_cast %mul3A_339 : i32 to index
        %get3A_341 = tpu.vector_load %arg18[%get3A_340] {strides = array<i32>} : memref<1600xf32, #tpu.memory_space<vmem>>, vector<16xf32>,
        %get3A_342 = arith.index_cast %mul3A_339 : i32 to index
        %get3A_343 = tpu.vector_load %arg20[%get3A_342] {strides = array<i32>} : memref<1600xf32, #tpu.memory_space<vmem>>, vector<16xf32>,
        %get3A_344 = arith.index_cast %mul3A_339 : i32 to index
        %get3A_345 = tpu.vector_load %arg22[%get3A_344] {strides = array<i32>} : memref<1600xf32, #tpu.memory_space<vmem>>, vector<16xf32>,
        %get3A_346 = arith.index_cast %mul3A_339 : i32 to index
        %get3A_347 = tpu.vector_load %arg24[%get3A_346] {strides = array<i32>} : memref<1600xi32, #tpu.memory_space<vmem>>, vector<16xi32>,
        %gather3A_348 = tpu.vector_load_idx %arg9[%get3A_347] : memref<100000xi32, #tpu.memory_space<vmem>>[vector<16xi32>], vector<16xi32>,
        %le3A_349 = vector.broadcast %squeeze3A : f32 to vector<16xf32>
        %le3A_350 = arith.cmpf ole, %get3A_343, %le3A_349 : vector<16xf32>
        %lt3A_351 = vector.broadcast %squeeze3A : f32 to vector<16xf32>
        %lt3A_352 = arith.cmpf olt, %lt3A_351, %get3A_345 : vector<16xf32>
        %and3A_353 = arith.andi %le3A_350, %lt3A_352 : vector<16xi1>
        tpu.vector_store_idx %arg10[%gather3A_348], %get3A_341 masked %and3A_353 {add = true} : memref<1024xf32, #tpu.memory_space<vmem>>[vector<16xi32>], vector<16xf32>, vector<16xi1>
        %le3A_354 = vector.broadcast %squeeze3A_36 : f32 to vector<16xf32>
        %le3A_355 = arith.cmpf ole, %get3A_343, %le3A_354 : vector<16xf32>
        %lt3A_356 = vector.broadcast %squeeze3A_36 : f32 to vector<16xf32>
        %lt3A_357 = arith.cmpf olt, %lt3A_356, %get3A_345 : vector<16xf32>
        %and3A_358 = arith.andi %le3A_355, %lt3A_357 : vector<16xi1>
        tpu.vector_store_idx %arg11[%gather3A_348], %get3A_341 masked %and3A_358 {add = true} : memref<1024xf32, #tpu.memory_space<vmem>>[vector<16xi32>], vector<16xf32>, vector<16xi1>
        %le3A_359 = vector.broadcast %squeeze3A_38 : f32 to vector<16xf32>
        %le3A_360 = arith.cmpf ole, %get3A_343, %le3A_359 : vector<16xf32>
        %lt3A_361 = vector.broadcast %squeeze3A_38 : f32 to vector<16xf32>
        %lt3A_362 = arith.cmpf olt, %lt3A_361, %get3A_345 : vector<16xf32>
        %and3A_363 = arith.andi %le3A_360, %lt3A_362 : vector<16xi1>
        tpu.vector_store_idx %arg12[%gather3A_348], %get3A_341 masked %and3A_363 {add = true} : memref<1024xf32, #tpu.memory_space<vmem>>[vector<16xi32>], vector<16xf32>, vector<16xi1>
        %le3A_364 = vector.broadcast %squeeze3A_40 : f32 to vector<16xf32>
        %le3A_365 = arith.cmpf ole, %get3A_343, %le3A_364 : vector<16xf32>
        %lt3A_366 = vector.broadcast %squeeze3A_40 : f32 to vector<16xf32>
        %lt3A_367 = arith.cmpf olt, %lt3A_366, %get3A_345 : vector<16xf32>
        %and3A_368 = arith.andi %le3A_365, %lt3A_367 : vector<16xi1>
        tpu.vector_store_idx %arg13[%gather3A_348], %get3A_341 masked %and3A_368 {add = true} : memref<1024xf32, #tpu.memory_space<vmem>>[vector<16xi32>], vector<16xf32>, vector<16xi1>
        %le3A_369 = vector.broadcast %squeeze3A_42 : f32 to vector<16xf32>
        %le3A_370 = arith.cmpf ole, %get3A_343, %le3A_369 : vector<16xf32>
        %lt3A_371 = vector.broadcast %squeeze3A_42 : f32 to vector<16xf32>
        %lt3A_372 = arith.cmpf olt, %lt3A_371, %get3A_345 : vector<16xf32>
        %and3A_373 = arith.andi %le3A_370, %lt3A_372 : vector<16xi1>
        tpu.vector_store_idx %arg14[%gather3A_348], %get3A_341 masked %and3A_373 {add = true} : memref<1024xf32, #tpu.memory_space<vmem>>[vector<16xi32>], vector<16xf32>, vector<16xi1>
        %le3A_374 = vector.broadcast %squeeze3A_44 : f32 to vector<16xf32>
        %le3A_375 = arith.cmpf ole, %get3A_343, %le3A_374 : vector<16xf32>
        %lt3A_376 = vector.broadcast %squeeze3A_44 : f32 to vector<16xf32>
        %lt3A_377 = arith.cmpf olt, %lt3A_376, %get3A_345 : vector<16xf32>
        %and3A_378 = arith.andi %le3A_375, %lt3A_377 : vector<16xi1>
        tpu.vector_store_idx %arg15[%gather3A_348], %get3A_341 masked %and3A_378 {add = true} : memref<1024xf32, #tpu.memory_space<vmem>>[vector<16xi32>], vector<16xf32>, vector<16xi1>
        %le3A_379 = vector.broadcast %squeeze3A_46 : f32 to vector<16xf32>
        %le3A_380 = arith.cmpf ole, %get3A_343, %le3A_379 : vector<16xf32>
        %lt3A_381 = vector.broadcast %squeeze3A_46 : f32 to vector<16xf32>
        %lt3A_382 = arith.cmpf olt, %lt3A_381, %get3A_345 : vector<16xf32>
        %and3A_383 = arith.andi %le3A_380, %lt3A_382 : vector<16xi1>
        tpu.vector_store_idx %arg16[%gather3A_348], %get3A_341 masked %and3A_383 {add = true} : memref<1024xf32, #tpu.memory_space<vmem>>[vector<16xi32>], vector<16xf32>, vector<16xi1>
        %le3A_384 = vector.broadcast %squeeze3A_48 : f32 to vector<16xf32>
        %le3A_385 = arith.cmpf ole, %get3A_343, %le3A_384 : vector<16xf32>
        %lt3A_386 = vector.broadcast %squeeze3A_48 : f32 to vector<16xf32>
        %lt3A_387 = arith.cmpf olt, %lt3A_386, %get3A_345 : vector<16xf32>
        %and3A_388 = arith.andi %le3A_385, %lt3A_387 : vector<16xi1>
        tpu.vector_store_idx %arg17[%gather3A_348], %get3A_341 masked %and3A_388 {add = true} : memref<1024xf32, #tpu.memory_space<vmem>>[vector<16xi32>], vector<16xf32>, vector<16xi1>
      }
      %scan3A_89 = arith.constant 20 : i32
      %convert_element_type3A = arith.extui %lt3A_68 : i1 to i32
      %cond3A = arith.constant 0 : i32
      %cond3A_90 = arith.cmpi ne, %convert_element_type3A, %cond3A : i32
      scf.if %cond3A_90 {
        %mul3A_116 = arith.constant 2 : i32
        %mul3A_117 = arith.muli %mul3A_116, %while3A_65 : i32
        %add3A_118 = arith.constant 2 : i32
        %add3A_119 = arith.addi %mul3A_117, %add3A_118 : i32
        %mul3A_120 = arith.constant 1600 : i32
        %mul3A_121 = arith.muli %add3A_119, %mul3A_120 : i32
        %add3A_122 = arith.addi %add3A_6, %mul3A_121 : i32
        %dma_start3A_123 = tpu.memref_slice %arg2[%add3A_122] : memref<1600000xf32, #tpu.memory_space<hbm>> -> memref<1600xf32, #tpu.memory_space<hbm>>
        %dma_start3A_124 = tpu.memref_slice %arg2[%add3A_122] : memref<1600000xf32, #tpu.memory_space<hbm>> -> memref<1600xf32, #tpu.memory_space<hbm>>
        tpu.enqueue_dma source(%dma_start3A_124 : memref<1600xf32, #tpu.memory_space<hbm>>) target(%arg18 : memref<1600xf32, #tpu.memory_space<vmem>>) target_semaphore(%arg27 : memref<!tpu.dma_semaphore, #tpu.memory_space<semaphore_mem>>)
        %dma_start3A_125 = tpu.memref_slice %arg3[%add3A_122] : memref<1600000xf32, #tpu.memory_space<hbm>> -> memref<1600xf32, #tpu.memory_space<hbm>>
        %dma_start3A_126 = tpu.memref_slice %arg3[%add3A_122] : memref<1600000xf32, #tpu.memory_space<hbm>> -> memref<1600xf32, #tpu.memory_space<hbm>>
        tpu.enqueue_dma source(%dma_start3A_126 : memref<1600xf32, #tpu.memory_space<hbm>>) target(%arg20 : memref<1600xf32, #tpu.memory_space<vmem>>) target_semaphore(%arg27 : memref<!tpu.dma_semaphore, #tpu.memory_space<semaphore_mem>>)
        %dma_start3A_127 = tpu.memref_slice %arg4[%add3A_122] : memref<1600000xf32, #tpu.memory_space<hbm>> -> memref<1600xf32, #tpu.memory_space<hbm>>
        %dma_start3A_128 = tpu.memref_slice %arg4[%add3A_122] : memref<1600000xf32, #tpu.memory_space<hbm>> -> memref<1600xf32, #tpu.memory_space<hbm>>
        tpu.enqueue_dma source(%dma_start3A_128 : memref<1600xf32, #tpu.memory_space<hbm>>) target(%arg22 : memref<1600xf32, #tpu.memory_space<vmem>>) target_semaphore(%arg27 : memref<!tpu.dma_semaphore, #tpu.memory_space<semaphore_mem>>)
        %dma_start3A_129 = tpu.memref_slice %arg6[%add3A_122] : memref<1600000xi32, #tpu.memory_space<hbm>> -> memref<1600xi32, #tpu.memory_space<hbm>>
        %dma_start3A_130 = tpu.memref_slice %arg6[%add3A_122] : memref<1600000xi32, #tpu.memory_space<hbm>> -> memref<1600xi32, #tpu.memory_space<hbm>>
        tpu.enqueue_dma source(%dma_start3A_130 : memref<1600xi32, #tpu.memory_space<hbm>>) target(%arg24 : memref<1600xi32, #tpu.memory_space<vmem>>) target_semaphore(%arg27 : memref<!tpu.dma_semaphore, #tpu.memory_space<semaphore_mem>>)
      } else {
      }
      %dma_wait3A_91 = arith.constant 0 : i32
      %dma_wait3A_92 = tpu.memref_slice %arg2[%dma_wait3A_91] : memref<1600000xf32, #tpu.memory_space<hbm>> -> memref<1600xf32, #tpu.memory_space<hbm>>
      %dma_wait3A_93 = arith.constant 0 : i32
      %dma_wait3A_94 = tpu.memref_slice %arg2[%dma_wait3A_93] : memref<1600000xf32, #tpu.memory_space<hbm>> -> memref<1600xf32, #tpu.memory_space<hbm>>
      tpu.wait_dma2 semaphore(%arg28 : memref<!tpu.dma_semaphore, #tpu.memory_space<semaphore_mem>>) src(%dma_wait3A_94 : memref<1600xf32, #tpu.memory_space<hbm>>) dst(%arg19 : memref<1600xf32, #tpu.memory_space<vmem>>)
      %dma_wait3A_95 = arith.constant 0 : i32
      %dma_wait3A_96 = tpu.memref_slice %arg3[%dma_wait3A_95] : memref<1600000xf32, #tpu.memory_space<hbm>> -> memref<1600xf32, #tpu.memory_space<hbm>>
      %dma_wait3A_97 = arith.constant 0 : i32
      %dma_wait3A_98 = tpu.memref_slice %arg3[%dma_wait3A_97] : memref<1600000xf32, #tpu.memory_space<hbm>> -> memref<1600xf32, #tpu.memory_space<hbm>>
      tpu.wait_dma2 semaphore(%arg28 : memref<!tpu.dma_semaphore, #tpu.memory_space<semaphore_mem>>) src(%dma_wait3A_98 : memref<1600xf32, #tpu.memory_space<hbm>>) dst(%arg21 : memref<1600xf32, #tpu.memory_space<vmem>>)
      %dma_wait3A_99 = arith.constant 0 : i32
      %dma_wait3A_100 = tpu.memref_slice %arg4[%dma_wait3A_99] : memref<1600000xf32, #tpu.memory_space<hbm>> -> memref<1600xf32, #tpu.memory_space<hbm>>
      %dma_wait3A_101 = arith.constant 0 : i32
      %dma_wait3A_102 = tpu.memref_slice %arg4[%dma_wait3A_101] : memref<1600000xf32, #tpu.memory_space<hbm>> -> memref<1600xf32, #tpu.memory_space<hbm>>
      tpu.wait_dma2 semaphore(%arg28 : memref<!tpu.dma_semaphore, #tpu.memory_space<semaphore_mem>>) src(%dma_wait3A_102 : memref<1600xf32, #tpu.memory_space<hbm>>) dst(%arg23 : memref<1600xf32, #tpu.memory_space<vmem>>)
      %dma_wait3A_103 = arith.constant 0 : i32
      %dma_wait3A_104 = tpu.memref_slice %arg6[%dma_wait3A_103] : memref<1600000xi32, #tpu.memory_space<hbm>> -> memref<1600xi32, #tpu.memory_space<hbm>>
      %dma_wait3A_105 = arith.constant 0 : i32
      %dma_wait3A_106 = tpu.memref_slice %arg6[%dma_wait3A_105] : memref<1600000xi32, #tpu.memory_space<hbm>> -> memref<1600xi32, #tpu.memory_space<hbm>>
      tpu.wait_dma2 semaphore(%arg28 : memref<!tpu.dma_semaphore, #tpu.memory_space<semaphore_mem>>) src(%dma_wait3A_106 : memref<1600xi32, #tpu.memory_space<hbm>>) dst(%arg25 : memref<1600xi32, #tpu.memory_space<vmem>>)
      %scan3A_107 = arith.constant 0 : i32
      %scan3A_108 = arith.constant 0 : i32
      %scan3A_109 = arith.constant 20 : i32
      %scan3A_110 = arith.addi %scan3A_108, %scan3A_109 : i32
      %scan3A_111 = arith.constant 1 : i32
      scf.for %scan3A_116 = %scan3A_108 to %scan3A_110 step %scan3A_111  : i32 {
        %mul3A_117 = arith.constant 5 : i32
        %mul3A_118 = arith.muli %scan3A_116, %mul3A_117 : i32
        %add3A_119 = arith.constant 0 : i32
        %add3A_120 = arith.addi %mul3A_118, %add3A_119 : i32
        %mul3A_121 = arith.constant 16 : i32
        %mul3A_122 = arith.muli %add3A_120, %mul3A_121 : i32
        %get3A_123 = arith.index_cast %mul3A_122 : i32 to index
        %get3A_124 = tpu.vector_load %arg19[%get3A_123] {strides = array<i32>} : memref<1600xf32, #tpu.memory_space<vmem>>, vector<16xf32>,
        %get3A_125 = arith.index_cast %mul3A_122 : i32 to index
        %get3A_126 = tpu.vector_load %arg21[%get3A_125] {strides = array<i32>} : memref<1600xf32, #tpu.memory_space<vmem>>, vector<16xf32>,
        %get3A_127 = arith.index_cast %mul3A_122 : i32 to index
        %get3A_128 = tpu.vector_load %arg23[%get3A_127] {strides = array<i32>} : memref<1600xf32, #tpu.memory_space<vmem>>, vector<16xf32>,
        %get3A_129 = arith.index_cast %mul3A_122 : i32 to index
        %get3A_130 = tpu.vector_load %arg25[%get3A_129] {strides = array<i32>} : memref<1600xi32, #tpu.memory_space<vmem>>, vector<16xi32>,
        %gather3A = tpu.vector_load_idx %arg9[%get3A_130] : memref<100000xi32, #tpu.memory_space<vmem>>[vector<16xi32>], vector<16xi32>,
        %le3A = vector.broadcast %squeeze3A : f32 to vector<16xf32>
        %le3A_131 = arith.cmpf ole, %get3A_126, %le3A : vector<16xf32>
        %lt3A_132 = vector.broadcast %squeeze3A : f32 to vector<16xf32>
        %lt3A_133 = arith.cmpf olt, %lt3A_132, %get3A_128 : vector<16xf32>
        %and3A = arith.andi %le3A_131, %lt3A_133 : vector<16xi1>
        tpu.vector_store_idx %arg10[%gather3A], %get3A_124 masked %and3A {add = true} : memref<1024xf32, #tpu.memory_space<vmem>>[vector<16xi32>], vector<16xf32>, vector<16xi1>
        %le3A_134 = vector.broadcast %squeeze3A_36 : f32 to vector<16xf32>
        %le3A_135 = arith.cmpf ole, %get3A_126, %le3A_134 : vector<16xf32>
        %lt3A_136 = vector.broadcast %squeeze3A_36 : f32 to vector<16xf32>
        %lt3A_137 = arith.cmpf olt, %lt3A_136, %get3A_128 : vector<16xf32>
        %and3A_138 = arith.andi %le3A_135, %lt3A_137 : vector<16xi1>
        tpu.vector_store_idx %arg11[%gather3A], %get3A_124 masked %and3A_138 {add = true} : memref<1024xf32, #tpu.memory_space<vmem>>[vector<16xi32>], vector<16xf32>, vector<16xi1>
        %le3A_139 = vector.broadcast %squeeze3A_38 : f32 to vector<16xf32>
        %le3A_140 = arith.cmpf ole, %get3A_126, %le3A_139 : vector<16xf32>
        %lt3A_141 = vector.broadcast %squeeze3A_38 : f32 to vector<16xf32>
        %lt3A_142 = arith.cmpf olt, %lt3A_141, %get3A_128 : vector<16xf32>
        %and3A_143 = arith.andi %le3A_140, %lt3A_142 : vector<16xi1>
        tpu.vector_store_idx %arg12[%gather3A], %get3A_124 masked %and3A_143 {add = true} : memref<1024xf32, #tpu.memory_space<vmem>>[vector<16xi32>], vector<16xf32>, vector<16xi1>
        %le3A_144 = vector.broadcast %squeeze3A_40 : f32 to vector<16xf32>
        %le3A_145 = arith.cmpf ole, %get3A_126, %le3A_144 : vector<16xf32>
        %lt3A_146 = vector.broadcast %squeeze3A_40 : f32 to vector<16xf32>
        %lt3A_147 = arith.cmpf olt, %lt3A_146, %get3A_128 : vector<16xf32>
        %and3A_148 = arith.andi %le3A_145, %lt3A_147 : vector<16xi1>
        tpu.vector_store_idx %arg13[%gather3A], %get3A_124 masked %and3A_148 {add = true} : memref<1024xf32, #tpu.memory_space<vmem>>[vector<16xi32>], vector<16xf32>, vector<16xi1>
        %le3A_149 = vector.broadcast %squeeze3A_42 : f32 to vector<16xf32>
        %le3A_150 = arith.cmpf ole, %get3A_126, %le3A_149 : vector<16xf32>
        %lt3A_151 = vector.broadcast %squeeze3A_42 : f32 to vector<16xf32>
        %lt3A_152 = arith.cmpf olt, %lt3A_151, %get3A_128 : vector<16xf32>
        %and3A_153 = arith.andi %le3A_150, %lt3A_152 : vector<16xi1>
        tpu.vector_store_idx %arg14[%gather3A], %get3A_124 masked %and3A_153 {add = true} : memref<1024xf32, #tpu.memory_space<vmem>>[vector<16xi32>], vector<16xf32>, vector<16xi1>
        %le3A_154 = vector.broadcast %squeeze3A_44 : f32 to vector<16xf32>
        %le3A_155 = arith.cmpf ole, %get3A_126, %le3A_154 : vector<16xf32>
        %lt3A_156 = vector.broadcast %squeeze3A_44 : f32 to vector<16xf32>
        %lt3A_157 = arith.cmpf olt, %lt3A_156, %get3A_128 : vector<16xf32>
        %and3A_158 = arith.andi %le3A_155, %lt3A_157 : vector<16xi1>
        tpu.vector_store_idx %arg15[%gather3A], %get3A_124 masked %and3A_158 {add = true} : memref<1024xf32, #tpu.memory_space<vmem>>[vector<16xi32>], vector<16xf32>, vector<16xi1>
        %le3A_159 = vector.broadcast %squeeze3A_46 : f32 to vector<16xf32>
        %le3A_160 = arith.cmpf ole, %get3A_126, %le3A_159 : vector<16xf32>
        %lt3A_161 = vector.broadcast %squeeze3A_46 : f32 to vector<16xf32>
        %lt3A_162 = arith.cmpf olt, %lt3A_161, %get3A_128 : vector<16xf32>
        %and3A_163 = arith.andi %le3A_160, %lt3A_162 : vector<16xi1>
        tpu.vector_store_idx %arg16[%gather3A], %get3A_124 masked %and3A_163 {add = true} : memref<1024xf32, #tpu.memory_space<vmem>>[vector<16xi32>], vector<16xf32>, vector<16xi1>
        %le3A_164 = vector.broadcast %squeeze3A_48 : f32 to vector<16xf32>
        %le3A_165 = arith.cmpf ole, %get3A_126, %le3A_164 : vector<16xf32>
        %lt3A_166 = vector.broadcast %squeeze3A_48 : f32 to vector<16xf32>
        %lt3A_167 = arith.cmpf olt, %lt3A_166, %get3A_128 : vector<16xf32>
        %and3A_168 = arith.andi %le3A_165, %lt3A_167 : vector<16xi1>
        tpu.vector_store_idx %arg17[%gather3A], %get3A_124 masked %and3A_168 {add = true} : memref<1024xf32, #tpu.memory_space<vmem>>[vector<16xi32>], vector<16xf32>, vector<16xi1>
        %mul3A_169 = arith.constant 5 : i32
        %mul3A_170 = arith.muli %scan3A_116, %mul3A_169 : i32
        %add3A_171 = arith.constant 1 : i32
        %add3A_172 = arith.addi %mul3A_170, %add3A_171 : i32
        %mul3A_173 = arith.constant 16 : i32
        %mul3A_174 = arith.muli %add3A_172, %mul3A_173 : i32
        %get3A_175 = arith.index_cast %mul3A_174 : i32 to index
        %get3A_176 = tpu.vector_load %arg19[%get3A_175] {strides = array<i32>} : memref<1600xf32, #tpu.memory_space<vmem>>, vector<16xf32>,
        %get3A_177 = arith.index_cast %mul3A_174 : i32 to index
        %get3A_178 = tpu.vector_load %arg21[%get3A_177] {strides = array<i32>} : memref<1600xf32, #tpu.memory_space<vmem>>, vector<16xf32>,
        %get3A_179 = arith.index_cast %mul3A_174 : i32 to index
        %get3A_180 = tpu.vector_load %arg23[%get3A_179] {strides = array<i32>} : memref<1600xf32, #tpu.memory_space<vmem>>, vector<16xf32>,
        %get3A_181 = arith.index_cast %mul3A_174 : i32 to index
        %get3A_182 = tpu.vector_load %arg25[%get3A_181] {strides = array<i32>} : memref<1600xi32, #tpu.memory_space<vmem>>, vector<16xi32>,
        %gather3A_183 = tpu.vector_load_idx %arg9[%get3A_182] : memref<100000xi32, #tpu.memory_space<vmem>>[vector<16xi32>], vector<16xi32>,
        %le3A_184 = vector.broadcast %squeeze3A : f32 to vector<16xf32>
        %le3A_185 = arith.cmpf ole, %get3A_178, %le3A_184 : vector<16xf32>
        %lt3A_186 = vector.broadcast %squeeze3A : f32 to vector<16xf32>
        %lt3A_187 = arith.cmpf olt, %lt3A_186, %get3A_180 : vector<16xf32>
        %and3A_188 = arith.andi %le3A_185, %lt3A_187 : vector<16xi1>
        tpu.vector_store_idx %arg10[%gather3A_183], %get3A_176 masked %and3A_188 {add = true} : memref<1024xf32, #tpu.memory_space<vmem>>[vector<16xi32>], vector<16xf32>, vector<16xi1>
        %le3A_189 = vector.broadcast %squeeze3A_36 : f32 to vector<16xf32>
        %le3A_190 = arith.cmpf ole, %get3A_178, %le3A_189 : vector<16xf32>
        %lt3A_191 = vector.broadcast %squeeze3A_36 : f32 to vector<16xf32>
        %lt3A_192 = arith.cmpf olt, %lt3A_191, %get3A_180 : vector<16xf32>
        %and3A_193 = arith.andi %le3A_190, %lt3A_192 : vector<16xi1>
        tpu.vector_store_idx %arg11[%gather3A_183], %get3A_176 masked %and3A_193 {add = true} : memref<1024xf32, #tpu.memory_space<vmem>>[vector<16xi32>], vector<16xf32>, vector<16xi1>
        %le3A_194 = vector.broadcast %squeeze3A_38 : f32 to vector<16xf32>
        %le3A_195 = arith.cmpf ole, %get3A_178, %le3A_194 : vector<16xf32>
        %lt3A_196 = vector.broadcast %squeeze3A_38 : f32 to vector<16xf32>
        %lt3A_197 = arith.cmpf olt, %lt3A_196, %get3A_180 : vector<16xf32>
        %and3A_198 = arith.andi %le3A_195, %lt3A_197 : vector<16xi1>
        tpu.vector_store_idx %arg12[%gather3A_183], %get3A_176 masked %and3A_198 {add = true} : memref<1024xf32, #tpu.memory_space<vmem>>[vector<16xi32>], vector<16xf32>, vector<16xi1>
        %le3A_199 = vector.broadcast %squeeze3A_40 : f32 to vector<16xf32>
        %le3A_200 = arith.cmpf ole, %get3A_178, %le3A_199 : vector<16xf32>
        %lt3A_201 = vector.broadcast %squeeze3A_40 : f32 to vector<16xf32>
        %lt3A_202 = arith.cmpf olt, %lt3A_201, %get3A_180 : vector<16xf32>
        %and3A_203 = arith.andi %le3A_200, %lt3A_202 : vector<16xi1>
        tpu.vector_store_idx %arg13[%gather3A_183], %get3A_176 masked %and3A_203 {add = true} : memref<1024xf32, #tpu.memory_space<vmem>>[vector<16xi32>], vector<16xf32>, vector<16xi1>
        %le3A_204 = vector.broadcast %squeeze3A_42 : f32 to vector<16xf32>
        %le3A_205 = arith.cmpf ole, %get3A_178, %le3A_204 : vector<16xf32>
        %lt3A_206 = vector.broadcast %squeeze3A_42 : f32 to vector<16xf32>
        %lt3A_207 = arith.cmpf olt, %lt3A_206, %get3A_180 : vector<16xf32>
        %and3A_208 = arith.andi %le3A_205, %lt3A_207 : vector<16xi1>
        tpu.vector_store_idx %arg14[%gather3A_183], %get3A_176 masked %and3A_208 {add = true} : memref<1024xf32, #tpu.memory_space<vmem>>[vector<16xi32>], vector<16xf32>, vector<16xi1>
        %le3A_209 = vector.broadcast %squeeze3A_44 : f32 to vector<16xf32>
        %le3A_210 = arith.cmpf ole, %get3A_178, %le3A_209 : vector<16xf32>
        %lt3A_211 = vector.broadcast %squeeze3A_44 : f32 to vector<16xf32>
        %lt3A_212 = arith.cmpf olt, %lt3A_211, %get3A_180 : vector<16xf32>
        %and3A_213 = arith.andi %le3A_210, %lt3A_212 : vector<16xi1>
        tpu.vector_store_idx %arg15[%gather3A_183], %get3A_176 masked %and3A_213 {add = true} : memref<1024xf32, #tpu.memory_space<vmem>>[vector<16xi32>], vector<16xf32>, vector<16xi1>
        %le3A_214 = vector.broadcast %squeeze3A_46 : f32 to vector<16xf32>
        %le3A_215 = arith.cmpf ole, %get3A_178, %le3A_214 : vector<16xf32>
        %lt3A_216 = vector.broadcast %squeeze3A_46 : f32 to vector<16xf32>
        %lt3A_217 = arith.cmpf olt, %lt3A_216, %get3A_180 : vector<16xf32>
        %and3A_218 = arith.andi %le3A_215, %lt3A_217 : vector<16xi1>
        tpu.vector_store_idx %arg16[%gather3A_183], %get3A_176 masked %and3A_218 {add = true} : memref<1024xf32, #tpu.memory_space<vmem>>[vector<16xi32>], vector<16xf32>, vector<16xi1>
        %le3A_219 = vector.broadcast %squeeze3A_48 : f32 to vector<16xf32>
        %le3A_220 = arith.cmpf ole, %get3A_178, %le3A_219 : vector<16xf32>
        %lt3A_221 = vector.broadcast %squeeze3A_48 : f32 to vector<16xf32>
        %lt3A_222 = arith.cmpf olt, %lt3A_221, %get3A_180 : vector<16xf32>
        %and3A_223 = arith.andi %le3A_220, %lt3A_222 : vector<16xi1>
        tpu.vector_store_idx %arg17[%gather3A_183], %get3A_176 masked %and3A_223 {add = true} : memref<1024xf32, #tpu.memory_space<vmem>>[vector<16xi32>], vector<16xf32>, vector<16xi1>
        %mul3A_224 = arith.constant 5 : i32
        %mul3A_225 = arith.muli %scan3A_116, %mul3A_224 : i32
        %add3A_226 = arith.constant 2 : i32
        %add3A_227 = arith.addi %mul3A_225, %add3A_226 : i32
        %mul3A_228 = arith.constant 16 : i32
        %mul3A_229 = arith.muli %add3A_227, %mul3A_228 : i32
        %get3A_230 = arith.index_cast %mul3A_229 : i32 to index
        %get3A_231 = tpu.vector_load %arg19[%get3A_230] {strides = array<i32>} : memref<1600xf32, #tpu.memory_space<vmem>>, vector<16xf32>,
        %get3A_232 = arith.index_cast %mul3A_229 : i32 to index
        %get3A_233 = tpu.vector_load %arg21[%get3A_232] {strides = array<i32>} : memref<1600xf32, #tpu.memory_space<vmem>>, vector<16xf32>,
        %get3A_234 = arith.index_cast %mul3A_229 : i32 to index
        %get3A_235 = tpu.vector_load %arg23[%get3A_234] {strides = array<i32>} : memref<1600xf32, #tpu.memory_space<vmem>>, vector<16xf32>,
        %get3A_236 = arith.index_cast %mul3A_229 : i32 to index
        %get3A_237 = tpu.vector_load %arg25[%get3A_236] {strides = array<i32>} : memref<1600xi32, #tpu.memory_space<vmem>>, vector<16xi32>,
        %gather3A_238 = tpu.vector_load_idx %arg9[%get3A_237] : memref<100000xi32, #tpu.memory_space<vmem>>[vector<16xi32>], vector<16xi32>,
        %le3A_239 = vector.broadcast %squeeze3A : f32 to vector<16xf32>
        %le3A_240 = arith.cmpf ole, %get3A_233, %le3A_239 : vector<16xf32>
        %lt3A_241 = vector.broadcast %squeeze3A : f32 to vector<16xf32>
        %lt3A_242 = arith.cmpf olt, %lt3A_241, %get3A_235 : vector<16xf32>
        %and3A_243 = arith.andi %le3A_240, %lt3A_242 : vector<16xi1>
        tpu.vector_store_idx %arg10[%gather3A_238], %get3A_231 masked %and3A_243 {add = true} : memref<1024xf32, #tpu.memory_space<vmem>>[vector<16xi32>], vector<16xf32>, vector<16xi1>
        %le3A_244 = vector.broadcast %squeeze3A_36 : f32 to vector<16xf32>
        %le3A_245 = arith.cmpf ole, %get3A_233, %le3A_244 : vector<16xf32>
        %lt3A_246 = vector.broadcast %squeeze3A_36 : f32 to vector<16xf32>
        %lt3A_247 = arith.cmpf olt, %lt3A_246, %get3A_235 : vector<16xf32>
        %and3A_248 = arith.andi %le3A_245, %lt3A_247 : vector<16xi1>
        tpu.vector_store_idx %arg11[%gather3A_238], %get3A_231 masked %and3A_248 {add = true} : memref<1024xf32, #tpu.memory_space<vmem>>[vector<16xi32>], vector<16xf32>, vector<16xi1>
        %le3A_249 = vector.broadcast %squeeze3A_38 : f32 to vector<16xf32>
        %le3A_250 = arith.cmpf ole, %get3A_233, %le3A_249 : vector<16xf32>
        %lt3A_251 = vector.broadcast %squeeze3A_38 : f32 to vector<16xf32>
        %lt3A_252 = arith.cmpf olt, %lt3A_251, %get3A_235 : vector<16xf32>
        %and3A_253 = arith.andi %le3A_250, %lt3A_252 : vector<16xi1>
        tpu.vector_store_idx %arg12[%gather3A_238], %get3A_231 masked %and3A_253 {add = true} : memref<1024xf32, #tpu.memory_space<vmem>>[vector<16xi32>], vector<16xf32>, vector<16xi1>
        %le3A_254 = vector.broadcast %squeeze3A_40 : f32 to vector<16xf32>
        %le3A_255 = arith.cmpf ole, %get3A_233, %le3A_254 : vector<16xf32>
        %lt3A_256 = vector.broadcast %squeeze3A_40 : f32 to vector<16xf32>
        %lt3A_257 = arith.cmpf olt, %lt3A_256, %get3A_235 : vector<16xf32>
        %and3A_258 = arith.andi %le3A_255, %lt3A_257 : vector<16xi1>
        tpu.vector_store_idx %arg13[%gather3A_238], %get3A_231 masked %and3A_258 {add = true} : memref<1024xf32, #tpu.memory_space<vmem>>[vector<16xi32>], vector<16xf32>, vector<16xi1>
        %le3A_259 = vector.broadcast %squeeze3A_42 : f32 to vector<16xf32>
        %le3A_260 = arith.cmpf ole, %get3A_233, %le3A_259 : vector<16xf32>
        %lt3A_261 = vector.broadcast %squeeze3A_42 : f32 to vector<16xf32>
        %lt3A_262 = arith.cmpf olt, %lt3A_261, %get3A_235 : vector<16xf32>
        %and3A_263 = arith.andi %le3A_260, %lt3A_262 : vector<16xi1>
        tpu.vector_store_idx %arg14[%gather3A_238], %get3A_231 masked %and3A_263 {add = true} : memref<1024xf32, #tpu.memory_space<vmem>>[vector<16xi32>], vector<16xf32>, vector<16xi1>
        %le3A_264 = vector.broadcast %squeeze3A_44 : f32 to vector<16xf32>
        %le3A_265 = arith.cmpf ole, %get3A_233, %le3A_264 : vector<16xf32>
        %lt3A_266 = vector.broadcast %squeeze3A_44 : f32 to vector<16xf32>
        %lt3A_267 = arith.cmpf olt, %lt3A_266, %get3A_235 : vector<16xf32>
        %and3A_268 = arith.andi %le3A_265, %lt3A_267 : vector<16xi1>
        tpu.vector_store_idx %arg15[%gather3A_238], %get3A_231 masked %and3A_268 {add = true} : memref<1024xf32, #tpu.memory_space<vmem>>[vector<16xi32>], vector<16xf32>, vector<16xi1>
        %le3A_269 = vector.broadcast %squeeze3A_46 : f32 to vector<16xf32>
        %le3A_270 = arith.cmpf ole, %get3A_233, %le3A_269 : vector<16xf32>
        %lt3A_271 = vector.broadcast %squeeze3A_46 : f32 to vector<16xf32>
        %lt3A_272 = arith.cmpf olt, %lt3A_271, %get3A_235 : vector<16xf32>
        %and3A_273 = arith.andi %le3A_270, %lt3A_272 : vector<16xi1>
        tpu.vector_store_idx %arg16[%gather3A_238], %get3A_231 masked %and3A_273 {add = true} : memref<1024xf32, #tpu.memory_space<vmem>>[vector<16xi32>], vector<16xf32>, vector<16xi1>
        %le3A_274 = vector.broadcast %squeeze3A_48 : f32 to vector<16xf32>
        %le3A_275 = arith.cmpf ole, %get3A_233, %le3A_274 : vector<16xf32>
        %lt3A_276 = vector.broadcast %squeeze3A_48 : f32 to vector<16xf32>
        %lt3A_277 = arith.cmpf olt, %lt3A_276, %get3A_235 : vector<16xf32>
        %and3A_278 = arith.andi %le3A_275, %lt3A_277 : vector<16xi1>
        tpu.vector_store_idx %arg17[%gather3A_238], %get3A_231 masked %and3A_278 {add = true} : memref<1024xf32, #tpu.memory_space<vmem>>[vector<16xi32>], vector<16xf32>, vector<16xi1>
        %mul3A_279 = arith.constant 5 : i32
        %mul3A_280 = arith.muli %scan3A_116, %mul3A_279 : i32
        %add3A_281 = arith.constant 3 : i32
        %add3A_282 = arith.addi %mul3A_280, %add3A_281 : i32
        %mul3A_283 = arith.constant 16 : i32
        %mul3A_284 = arith.muli %add3A_282, %mul3A_283 : i32
        %get3A_285 = arith.index_cast %mul3A_284 : i32 to index
        %get3A_286 = tpu.vector_load %arg19[%get3A_285] {strides = array<i32>} : memref<1600xf32, #tpu.memory_space<vmem>>, vector<16xf32>,
        %get3A_287 = arith.index_cast %mul3A_284 : i32 to index
        %get3A_288 = tpu.vector_load %arg21[%get3A_287] {strides = array<i32>} : memref<1600xf32, #tpu.memory_space<vmem>>, vector<16xf32>,
        %get3A_289 = arith.index_cast %mul3A_284 : i32 to index
        %get3A_290 = tpu.vector_load %arg23[%get3A_289] {strides = array<i32>} : memref<1600xf32, #tpu.memory_space<vmem>>, vector<16xf32>,
        %get3A_291 = arith.index_cast %mul3A_284 : i32 to index
        %get3A_292 = tpu.vector_load %arg25[%get3A_291] {strides = array<i32>} : memref<1600xi32, #tpu.memory_space<vmem>>, vector<16xi32>,
        %gather3A_293 = tpu.vector_load_idx %arg9[%get3A_292] : memref<100000xi32, #tpu.memory_space<vmem>>[vector<16xi32>], vector<16xi32>,
        %le3A_294 = vector.broadcast %squeeze3A : f32 to vector<16xf32>
        %le3A_295 = arith.cmpf ole, %get3A_288, %le3A_294 : vector<16xf32>
        %lt3A_296 = vector.broadcast %squeeze3A : f32 to vector<16xf32>
        %lt3A_297 = arith.cmpf olt, %lt3A_296, %get3A_290 : vector<16xf32>
        %and3A_298 = arith.andi %le3A_295, %lt3A_297 : vector<16xi1>
        tpu.vector_store_idx %arg10[%gather3A_293], %get3A_286 masked %and3A_298 {add = true} : memref<1024xf32, #tpu.memory_space<vmem>>[vector<16xi32>], vector<16xf32>, vector<16xi1>
        %le3A_299 = vector.broadcast %squeeze3A_36 : f32 to vector<16xf32>
        %le3A_300 = arith.cmpf ole, %get3A_288, %le3A_299 : vector<16xf32>
        %lt3A_301 = vector.broadcast %squeeze3A_36 : f32 to vector<16xf32>
        %lt3A_302 = arith.cmpf olt, %lt3A_301, %get3A_290 : vector<16xf32>
        %and3A_303 = arith.andi %le3A_300, %lt3A_302 : vector<16xi1>
        tpu.vector_store_idx %arg11[%gather3A_293], %get3A_286 masked %and3A_303 {add = true} : memref<1024xf32, #tpu.memory_space<vmem>>[vector<16xi32>], vector<16xf32>, vector<16xi1>
        %le3A_304 = vector.broadcast %squeeze3A_38 : f32 to vector<16xf32>
        %le3A_305 = arith.cmpf ole, %get3A_288, %le3A_304 : vector<16xf32>
        %lt3A_306 = vector.broadcast %squeeze3A_38 : f32 to vector<16xf32>
        %lt3A_307 = arith.cmpf olt, %lt3A_306, %get3A_290 : vector<16xf32>
        %and3A_308 = arith.andi %le3A_305, %lt3A_307 : vector<16xi1>
        tpu.vector_store_idx %arg12[%gather3A_293], %get3A_286 masked %and3A_308 {add = true} : memref<1024xf32, #tpu.memory_space<vmem>>[vector<16xi32>], vector<16xf32>, vector<16xi1>
        %le3A_309 = vector.broadcast %squeeze3A_40 : f32 to vector<16xf32>
        %le3A_310 = arith.cmpf ole, %get3A_288, %le3A_309 : vector<16xf32>
        %lt3A_311 = vector.broadcast %squeeze3A_40 : f32 to vector<16xf32>
        %lt3A_312 = arith.cmpf olt, %lt3A_311, %get3A_290 : vector<16xf32>
        %and3A_313 = arith.andi %le3A_310, %lt3A_312 : vector<16xi1>
        tpu.vector_store_idx %arg13[%gather3A_293], %get3A_286 masked %and3A_313 {add = true} : memref<1024xf32, #tpu.memory_space<vmem>>[vector<16xi32>], vector<16xf32>, vector<16xi1>
        %le3A_314 = vector.broadcast %squeeze3A_42 : f32 to vector<16xf32>
        %le3A_315 = arith.cmpf ole, %get3A_288, %le3A_314 : vector<16xf32>
        %lt3A_316 = vector.broadcast %squeeze3A_42 : f32 to vector<16xf32>
        %lt3A_317 = arith.cmpf olt, %lt3A_316, %get3A_290 : vector<16xf32>
        %and3A_318 = arith.andi %le3A_315, %lt3A_317 : vector<16xi1>
        tpu.vector_store_idx %arg14[%gather3A_293], %get3A_286 masked %and3A_318 {add = true} : memref<1024xf32, #tpu.memory_space<vmem>>[vector<16xi32>], vector<16xf32>, vector<16xi1>
        %le3A_319 = vector.broadcast %squeeze3A_44 : f32 to vector<16xf32>
        %le3A_320 = arith.cmpf ole, %get3A_288, %le3A_319 : vector<16xf32>
        %lt3A_321 = vector.broadcast %squeeze3A_44 : f32 to vector<16xf32>
        %lt3A_322 = arith.cmpf olt, %lt3A_321, %get3A_290 : vector<16xf32>
        %and3A_323 = arith.andi %le3A_320, %lt3A_322 : vector<16xi1>
        tpu.vector_store_idx %arg15[%gather3A_293], %get3A_286 masked %and3A_323 {add = true} : memref<1024xf32, #tpu.memory_space<vmem>>[vector<16xi32>], vector<16xf32>, vector<16xi1>
        %le3A_324 = vector.broadcast %squeeze3A_46 : f32 to vector<16xf32>
        %le3A_325 = arith.cmpf ole, %get3A_288, %le3A_324 : vector<16xf32>
        %lt3A_326 = vector.broadcast %squeeze3A_46 : f32 to vector<16xf32>
        %lt3A_327 = arith.cmpf olt, %lt3A_326, %get3A_290 : vector<16xf32>
        %and3A_328 = arith.andi %le3A_325, %lt3A_327 : vector<16xi1>
        tpu.vector_store_idx %arg16[%gather3A_293], %get3A_286 masked %and3A_328 {add = true} : memref<1024xf32, #tpu.memory_space<vmem>>[vector<16xi32>], vector<16xf32>, vector<16xi1>
        %le3A_329 = vector.broadcast %squeeze3A_48 : f32 to vector<16xf32>
        %le3A_330 = arith.cmpf ole, %get3A_288, %le3A_329 : vector<16xf32>
        %lt3A_331 = vector.broadcast %squeeze3A_48 : f32 to vector<16xf32>
        %lt3A_332 = arith.cmpf olt, %lt3A_331, %get3A_290 : vector<16xf32>
        %and3A_333 = arith.andi %le3A_330, %lt3A_332 : vector<16xi1>
        tpu.vector_store_idx %arg17[%gather3A_293], %get3A_286 masked %and3A_333 {add = true} : memref<1024xf32, #tpu.memory_space<vmem>>[vector<16xi32>], vector<16xf32>, vector<16xi1>
        %mul3A_334 = arith.constant 5 : i32
        %mul3A_335 = arith.muli %scan3A_116, %mul3A_334 : i32
        %add3A_336 = arith.constant 4 : i32
        %add3A_337 = arith.addi %mul3A_335, %add3A_336 : i32
        %mul3A_338 = arith.constant 16 : i32
        %mul3A_339 = arith.muli %add3A_337, %mul3A_338 : i32
        %get3A_340 = arith.index_cast %mul3A_339 : i32 to index
        %get3A_341 = tpu.vector_load %arg19[%get3A_340] {strides = array<i32>} : memref<1600xf32, #tpu.memory_space<vmem>>, vector<16xf32>,
        %get3A_342 = arith.index_cast %mul3A_339 : i32 to index
        %get3A_343 = tpu.vector_load %arg21[%get3A_342] {strides = array<i32>} : memref<1600xf32, #tpu.memory_space<vmem>>, vector<16xf32>,
        %get3A_344 = arith.index_cast %mul3A_339 : i32 to index
        %get3A_345 = tpu.vector_load %arg23[%get3A_344] {strides = array<i32>} : memref<1600xf32, #tpu.memory_space<vmem>>, vector<16xf32>,
        %get3A_346 = arith.index_cast %mul3A_339 : i32 to index
        %get3A_347 = tpu.vector_load %arg25[%get3A_346] {strides = array<i32>} : memref<1600xi32, #tpu.memory_space<vmem>>, vector<16xi32>,
        %gather3A_348 = tpu.vector_load_idx %arg9[%get3A_347] : memref<100000xi32, #tpu.memory_space<vmem>>[vector<16xi32>], vector<16xi32>,
        %le3A_349 = vector.broadcast %squeeze3A : f32 to vector<16xf32>
        %le3A_350 = arith.cmpf ole, %get3A_343, %le3A_349 : vector<16xf32>
        %lt3A_351 = vector.broadcast %squeeze3A : f32 to vector<16xf32>
        %lt3A_352 = arith.cmpf olt, %lt3A_351, %get3A_345 : vector<16xf32>
        %and3A_353 = arith.andi %le3A_350, %lt3A_352 : vector<16xi1>
        tpu.vector_store_idx %arg10[%gather3A_348], %get3A_341 masked %and3A_353 {add = true} : memref<1024xf32, #tpu.memory_space<vmem>>[vector<16xi32>], vector<16xf32>, vector<16xi1>
        %le3A_354 = vector.broadcast %squeeze3A_36 : f32 to vector<16xf32>
        %le3A_355 = arith.cmpf ole, %get3A_343, %le3A_354 : vector<16xf32>
        %lt3A_356 = vector.broadcast %squeeze3A_36 : f32 to vector<16xf32>
        %lt3A_357 = arith.cmpf olt, %lt3A_356, %get3A_345 : vector<16xf32>
        %and3A_358 = arith.andi %le3A_355, %lt3A_357 : vector<16xi1>
        tpu.vector_store_idx %arg11[%gather3A_348], %get3A_341 masked %and3A_358 {add = true} : memref<1024xf32, #tpu.memory_space<vmem>>[vector<16xi32>], vector<16xf32>, vector<16xi1>
        %le3A_359 = vector.broadcast %squeeze3A_38 : f32 to vector<16xf32>
        %le3A_360 = arith.cmpf ole, %get3A_343, %le3A_359 : vector<16xf32>
        %lt3A_361 = vector.broadcast %squeeze3A_38 : f32 to vector<16xf32>
        %lt3A_362 = arith.cmpf olt, %lt3A_361, %get3A_345 : vector<16xf32>
        %and3A_363 = arith.andi %le3A_360, %lt3A_362 : vector<16xi1>
        tpu.vector_store_idx %arg12[%gather3A_348], %get3A_341 masked %and3A_363 {add = true} : memref<1024xf32, #tpu.memory_space<vmem>>[vector<16xi32>], vector<16xf32>, vector<16xi1>
        %le3A_364 = vector.broadcast %squeeze3A_40 : f32 to vector<16xf32>
        %le3A_365 = arith.cmpf ole, %get3A_343, %le3A_364 : vector<16xf32>
        %lt3A_366 = vector.broadcast %squeeze3A_40 : f32 to vector<16xf32>
        %lt3A_367 = arith.cmpf olt, %lt3A_366, %get3A_345 : vector<16xf32>
        %and3A_368 = arith.andi %le3A_365, %lt3A_367 : vector<16xi1>
        tpu.vector_store_idx %arg13[%gather3A_348], %get3A_341 masked %and3A_368 {add = true} : memref<1024xf32, #tpu.memory_space<vmem>>[vector<16xi32>], vector<16xf32>, vector<16xi1>
        %le3A_369 = vector.broadcast %squeeze3A_42 : f32 to vector<16xf32>
        %le3A_370 = arith.cmpf ole, %get3A_343, %le3A_369 : vector<16xf32>
        %lt3A_371 = vector.broadcast %squeeze3A_42 : f32 to vector<16xf32>
        %lt3A_372 = arith.cmpf olt, %lt3A_371, %get3A_345 : vector<16xf32>
        %and3A_373 = arith.andi %le3A_370, %lt3A_372 : vector<16xi1>
        tpu.vector_store_idx %arg14[%gather3A_348], %get3A_341 masked %and3A_373 {add = true} : memref<1024xf32, #tpu.memory_space<vmem>>[vector<16xi32>], vector<16xf32>, vector<16xi1>
        %le3A_374 = vector.broadcast %squeeze3A_44 : f32 to vector<16xf32>
        %le3A_375 = arith.cmpf ole, %get3A_343, %le3A_374 : vector<16xf32>
        %lt3A_376 = vector.broadcast %squeeze3A_44 : f32 to vector<16xf32>
        %lt3A_377 = arith.cmpf olt, %lt3A_376, %get3A_345 : vector<16xf32>
        %and3A_378 = arith.andi %le3A_375, %lt3A_377 : vector<16xi1>
        tpu.vector_store_idx %arg15[%gather3A_348], %get3A_341 masked %and3A_378 {add = true} : memref<1024xf32, #tpu.memory_space<vmem>>[vector<16xi32>], vector<16xf32>, vector<16xi1>
        %le3A_379 = vector.broadcast %squeeze3A_46 : f32 to vector<16xf32>
        %le3A_380 = arith.cmpf ole, %get3A_343, %le3A_379 : vector<16xf32>
        %lt3A_381 = vector.broadcast %squeeze3A_46 : f32 to vector<16xf32>
        %lt3A_382 = arith.cmpf olt, %lt3A_381, %get3A_345 : vector<16xf32>
        %and3A_383 = arith.andi %le3A_380, %lt3A_382 : vector<16xi1>
        tpu.vector_store_idx %arg16[%gather3A_348], %get3A_341 masked %and3A_383 {add = true} : memref<1024xf32, #tpu.memory_space<vmem>>[vector<16xi32>], vector<16xf32>, vector<16xi1>
        %le3A_384 = vector.broadcast %squeeze3A_48 : f32 to vector<16xf32>
        %le3A_385 = arith.cmpf ole, %get3A_343, %le3A_384 : vector<16xf32>
        %lt3A_386 = vector.broadcast %squeeze3A_48 : f32 to vector<16xf32>
        %lt3A_387 = arith.cmpf olt, %lt3A_386, %get3A_345 : vector<16xf32>
        %and3A_388 = arith.andi %le3A_385, %lt3A_387 : vector<16xi1>
        tpu.vector_store_idx %arg17[%gather3A_348], %get3A_341 masked %and3A_388 {add = true} : memref<1024xf32, #tpu.memory_space<vmem>>[vector<16xi32>], vector<16xf32>, vector<16xi1>
      }
      %scan3A_112 = arith.constant 20 : i32
      %convert_element_type3A_113 = arith.extui %lt3A_68 : i1 to i32
      %cond3A_114 = arith.constant 0 : i32
      %cond3A_115 = arith.cmpi ne, %convert_element_type3A_113, %cond3A_114 : i32
      scf.if %cond3A_115 {
        %mul3A_116 = arith.constant 2 : i32
        %mul3A_117 = arith.muli %mul3A_116, %while3A_65 : i32
        %add3A_118 = arith.constant 3 : i32
        %add3A_119 = arith.addi %mul3A_117, %add3A_118 : i32
        %mul3A_120 = arith.constant 1600 : i32
        %mul3A_121 = arith.muli %add3A_119, %mul3A_120 : i32
        %add3A_122 = arith.addi %add3A_6, %mul3A_121 : i32
        %dma_start3A_123 = tpu.memref_slice %arg2[%add3A_122] : memref<1600000xf32, #tpu.memory_space<hbm>> -> memref<1600xf32, #tpu.memory_space<hbm>>
        %dma_start3A_124 = tpu.memref_slice %arg2[%add3A_122] : memref<1600000xf32, #tpu.memory_space<hbm>> -> memref<1600xf32, #tpu.memory_space<hbm>>
        tpu.enqueue_dma source(%dma_start3A_124 : memref<1600xf32, #tpu.memory_space<hbm>>) target(%arg19 : memref<1600xf32, #tpu.memory_space<vmem>>) target_semaphore(%arg28 : memref<!tpu.dma_semaphore, #tpu.memory_space<semaphore_mem>>)
        %dma_start3A_125 = tpu.memref_slice %arg3[%add3A_122] : memref<1600000xf32, #tpu.memory_space<hbm>> -> memref<1600xf32, #tpu.memory_space<hbm>>
        %dma_start3A_126 = tpu.memref_slice %arg3[%add3A_122] : memref<1600000xf32, #tpu.memory_space<hbm>> -> memref<1600xf32, #tpu.memory_space<hbm>>
        tpu.enqueue_dma source(%dma_start3A_126 : memref<1600xf32, #tpu.memory_space<hbm>>) target(%arg21 : memref<1600xf32, #tpu.memory_space<vmem>>) target_semaphore(%arg28 : memref<!tpu.dma_semaphore, #tpu.memory_space<semaphore_mem>>)
        %dma_start3A_127 = tpu.memref_slice %arg4[%add3A_122] : memref<1600000xf32, #tpu.memory_space<hbm>> -> memref<1600xf32, #tpu.memory_space<hbm>>
        %dma_start3A_128 = tpu.memref_slice %arg4[%add3A_122] : memref<1600000xf32, #tpu.memory_space<hbm>> -> memref<1600xf32, #tpu.memory_space<hbm>>
        tpu.enqueue_dma source(%dma_start3A_128 : memref<1600xf32, #tpu.memory_space<hbm>>) target(%arg23 : memref<1600xf32, #tpu.memory_space<vmem>>) target_semaphore(%arg28 : memref<!tpu.dma_semaphore, #tpu.memory_space<semaphore_mem>>)
        %dma_start3A_129 = tpu.memref_slice %arg6[%add3A_122] : memref<1600000xi32, #tpu.memory_space<hbm>> -> memref<1600xi32, #tpu.memory_space<hbm>>
        %dma_start3A_130 = tpu.memref_slice %arg6[%add3A_122] : memref<1600000xi32, #tpu.memory_space<hbm>> -> memref<1600xi32, #tpu.memory_space<hbm>>
        tpu.enqueue_dma source(%dma_start3A_130 : memref<1600xi32, #tpu.memory_space<hbm>>) target(%arg25 : memref<1600xi32, #tpu.memory_space<vmem>>) target_semaphore(%arg28 : memref<!tpu.dma_semaphore, #tpu.memory_space<semaphore_mem>>)
      } else {
      }
    }
    %while3A_57 = arith.constant 1 : i32
    scf.for %while3A_65 = %while3A_55 to %while3A_51 step %while3A_57  : i32 {
      %sub3A_66 = arith.constant 1 : i32
      %sub3A_67 = arith.subi %select_n3A, %sub3A_66 : i32
      %lt3A_68 = arith.cmpi slt, %while3A_65, %sub3A_67 : i32
      %dma_wait3A = arith.constant 0 : i32
      %dma_wait3A_69 = tpu.memref_slice %arg2[%dma_wait3A] : memref<1600000xf32, #tpu.memory_space<hbm>> -> memref<1600xf32, #tpu.memory_space<hbm>>
      %dma_wait3A_70 = arith.constant 0 : i32
      %dma_wait3A_71 = tpu.memref_slice %arg2[%dma_wait3A_70] : memref<1600000xf32, #tpu.memory_space<hbm>> -> memref<1600xf32, #tpu.memory_space<hbm>>
      tpu.wait_dma2 semaphore(%arg27 : memref<!tpu.dma_semaphore, #tpu.memory_space<semaphore_mem>>) src(%dma_wait3A_71 : memref<1600xf32, #tpu.memory_space<hbm>>) dst(%arg18 : memref<1600xf32, #tpu.memory_space<vmem>>)
      %dma_wait3A_72 = arith.constant 0 : i32
      %dma_wait3A_73 = tpu.memref_slice %arg3[%dma_wait3A_72] : memref<1600000xf32, #tpu.memory_space<hbm>> -> memref<1600xf32, #tpu.memory_space<hbm>>
      %dma_wait3A_74 = arith.constant 0 : i32
      %dma_wait3A_75 = tpu.memref_slice %arg3[%dma_wait3A_74] : memref<1600000xf32, #tpu.memory_space<hbm>> -> memref<1600xf32, #tpu.memory_space<hbm>>
      tpu.wait_dma2 semaphore(%arg27 : memref<!tpu.dma_semaphore, #tpu.memory_space<semaphore_mem>>) src(%dma_wait3A_75 : memref<1600xf32, #tpu.memory_space<hbm>>) dst(%arg20 : memref<1600xf32, #tpu.memory_space<vmem>>)
      %dma_wait3A_76 = arith.constant 0 : i32
      %dma_wait3A_77 = tpu.memref_slice %arg4[%dma_wait3A_76] : memref<1600000xf32, #tpu.memory_space<hbm>> -> memref<1600xf32, #tpu.memory_space<hbm>>
      %dma_wait3A_78 = arith.constant 0 : i32
      %dma_wait3A_79 = tpu.memref_slice %arg4[%dma_wait3A_78] : memref<1600000xf32, #tpu.memory_space<hbm>> -> memref<1600xf32, #tpu.memory_space<hbm>>
      tpu.wait_dma2 semaphore(%arg27 : memref<!tpu.dma_semaphore, #tpu.memory_space<semaphore_mem>>) src(%dma_wait3A_79 : memref<1600xf32, #tpu.memory_space<hbm>>) dst(%arg22 : memref<1600xf32, #tpu.memory_space<vmem>>)
      %dma_wait3A_80 = arith.constant 0 : i32
      %dma_wait3A_81 = tpu.memref_slice %arg6[%dma_wait3A_80] : memref<1600000xi32, #tpu.memory_space<hbm>> -> memref<1600xi32, #tpu.memory_space<hbm>>
      %dma_wait3A_82 = arith.constant 0 : i32
      %dma_wait3A_83 = tpu.memref_slice %arg6[%dma_wait3A_82] : memref<1600000xi32, #tpu.memory_space<hbm>> -> memref<1600xi32, #tpu.memory_space<hbm>>
      tpu.wait_dma2 semaphore(%arg27 : memref<!tpu.dma_semaphore, #tpu.memory_space<semaphore_mem>>) src(%dma_wait3A_83 : memref<1600xi32, #tpu.memory_space<hbm>>) dst(%arg24 : memref<1600xi32, #tpu.memory_space<vmem>>)
      %scan3A_84 = arith.constant 0 : i32
      %scan3A_85 = arith.constant 0 : i32
      %scan3A_86 = arith.constant 20 : i32
      %scan3A_87 = arith.addi %scan3A_85, %scan3A_86 : i32
      %scan3A_88 = arith.constant 1 : i32
      scf.for %scan3A_116 = %scan3A_85 to %scan3A_87 step %scan3A_88  : i32 {
        %mul3A_117 = arith.constant 5 : i32
        %mul3A_118 = arith.muli %scan3A_116, %mul3A_117 : i32
        %add3A_119 = arith.constant 0 : i32
        %add3A_120 = arith.addi %mul3A_118, %add3A_119 : i32
        %mul3A_121 = arith.constant 16 : i32
        %mul3A_122 = arith.muli %add3A_120, %mul3A_121 : i32
        %get3A_123 = arith.index_cast %mul3A_122 : i32 to index
        %get3A_124 = tpu.vector_load %arg18[%get3A_123] {strides = array<i32>} : memref<1600xf32, #tpu.memory_space<vmem>>, vector<16xf32>,
        %get3A_125 = arith.index_cast %mul3A_122 : i32 to index
        %get3A_126 = tpu.vector_load %arg20[%get3A_125] {strides = array<i32>} : memref<1600xf32, #tpu.memory_space<vmem>>, vector<16xf32>,
        %get3A_127 = arith.index_cast %mul3A_122 : i32 to index
        %get3A_128 = tpu.vector_load %arg22[%get3A_127] {strides = array<i32>} : memref<1600xf32, #tpu.memory_space<vmem>>, vector<16xf32>,
        %get3A_129 = arith.index_cast %mul3A_122 : i32 to index
        %get3A_130 = tpu.vector_load %arg24[%get3A_129] {strides = array<i32>} : memref<1600xi32, #tpu.memory_space<vmem>>, vector<16xi32>,
        %gather3A = tpu.vector_load_idx %arg9[%get3A_130] : memref<100000xi32, #tpu.memory_space<vmem>>[vector<16xi32>], vector<16xi32>,
        %le3A = vector.broadcast %squeeze3A : f32 to vector<16xf32>
        %le3A_131 = arith.cmpf ole, %get3A_126, %le3A : vector<16xf32>
        %lt3A_132 = vector.broadcast %squeeze3A : f32 to vector<16xf32>
        %lt3A_133 = arith.cmpf olt, %lt3A_132, %get3A_128 : vector<16xf32>
        %and3A = arith.andi %le3A_131, %lt3A_133 : vector<16xi1>
        tpu.vector_store_idx %arg10[%gather3A], %get3A_124 masked %and3A {add = true} : memref<1024xf32, #tpu.memory_space<vmem>>[vector<16xi32>], vector<16xf32>, vector<16xi1>
        %le3A_134 = vector.broadcast %squeeze3A_36 : f32 to vector<16xf32>
        %le3A_135 = arith.cmpf ole, %get3A_126, %le3A_134 : vector<16xf32>
        %lt3A_136 = vector.broadcast %squeeze3A_36 : f32 to vector<16xf32>
        %lt3A_137 = arith.cmpf olt, %lt3A_136, %get3A_128 : vector<16xf32>
        %and3A_138 = arith.andi %le3A_135, %lt3A_137 : vector<16xi1>
        tpu.vector_store_idx %arg11[%gather3A], %get3A_124 masked %and3A_138 {add = true} : memref<1024xf32, #tpu.memory_space<vmem>>[vector<16xi32>], vector<16xf32>, vector<16xi1>
        %le3A_139 = vector.broadcast %squeeze3A_38 : f32 to vector<16xf32>
        %le3A_140 = arith.cmpf ole, %get3A_126, %le3A_139 : vector<16xf32>
        %lt3A_141 = vector.broadcast %squeeze3A_38 : f32 to vector<16xf32>
        %lt3A_142 = arith.cmpf olt, %lt3A_141, %get3A_128 : vector<16xf32>
        %and3A_143 = arith.andi %le3A_140, %lt3A_142 : vector<16xi1>
        tpu.vector_store_idx %arg12[%gather3A], %get3A_124 masked %and3A_143 {add = true} : memref<1024xf32, #tpu.memory_space<vmem>>[vector<16xi32>], vector<16xf32>, vector<16xi1>
        %le3A_144 = vector.broadcast %squeeze3A_40 : f32 to vector<16xf32>
        %le3A_145 = arith.cmpf ole, %get3A_126, %le3A_144 : vector<16xf32>
        %lt3A_146 = vector.broadcast %squeeze3A_40 : f32 to vector<16xf32>
        %lt3A_147 = arith.cmpf olt, %lt3A_146, %get3A_128 : vector<16xf32>
        %and3A_148 = arith.andi %le3A_145, %lt3A_147 : vector<16xi1>
        tpu.vector_store_idx %arg13[%gather3A], %get3A_124 masked %and3A_148 {add = true} : memref<1024xf32, #tpu.memory_space<vmem>>[vector<16xi32>], vector<16xf32>, vector<16xi1>
        %le3A_149 = vector.broadcast %squeeze3A_42 : f32 to vector<16xf32>
        %le3A_150 = arith.cmpf ole, %get3A_126, %le3A_149 : vector<16xf32>
        %lt3A_151 = vector.broadcast %squeeze3A_42 : f32 to vector<16xf32>
        %lt3A_152 = arith.cmpf olt, %lt3A_151, %get3A_128 : vector<16xf32>
        %and3A_153 = arith.andi %le3A_150, %lt3A_152 : vector<16xi1>
        tpu.vector_store_idx %arg14[%gather3A], %get3A_124 masked %and3A_153 {add = true} : memref<1024xf32, #tpu.memory_space<vmem>>[vector<16xi32>], vector<16xf32>, vector<16xi1>
        %le3A_154 = vector.broadcast %squeeze3A_44 : f32 to vector<16xf32>
        %le3A_155 = arith.cmpf ole, %get3A_126, %le3A_154 : vector<16xf32>
        %lt3A_156 = vector.broadcast %squeeze3A_44 : f32 to vector<16xf32>
        %lt3A_157 = arith.cmpf olt, %lt3A_156, %get3A_128 : vector<16xf32>
        %and3A_158 = arith.andi %le3A_155, %lt3A_157 : vector<16xi1>
        tpu.vector_store_idx %arg15[%gather3A], %get3A_124 masked %and3A_158 {add = true} : memref<1024xf32, #tpu.memory_space<vmem>>[vector<16xi32>], vector<16xf32>, vector<16xi1>
        %le3A_159 = vector.broadcast %squeeze3A_46 : f32 to vector<16xf32>
        %le3A_160 = arith.cmpf ole, %get3A_126, %le3A_159 : vector<16xf32>
        %lt3A_161 = vector.broadcast %squeeze3A_46 : f32 to vector<16xf32>
        %lt3A_162 = arith.cmpf olt, %lt3A_161, %get3A_128 : vector<16xf32>
        %and3A_163 = arith.andi %le3A_160, %lt3A_162 : vector<16xi1>
        tpu.vector_store_idx %arg16[%gather3A], %get3A_124 masked %and3A_163 {add = true} : memref<1024xf32, #tpu.memory_space<vmem>>[vector<16xi32>], vector<16xf32>, vector<16xi1>
        %le3A_164 = vector.broadcast %squeeze3A_48 : f32 to vector<16xf32>
        %le3A_165 = arith.cmpf ole, %get3A_126, %le3A_164 : vector<16xf32>
        %lt3A_166 = vector.broadcast %squeeze3A_48 : f32 to vector<16xf32>
        %lt3A_167 = arith.cmpf olt, %lt3A_166, %get3A_128 : vector<16xf32>
        %and3A_168 = arith.andi %le3A_165, %lt3A_167 : vector<16xi1>
        tpu.vector_store_idx %arg17[%gather3A], %get3A_124 masked %and3A_168 {add = true} : memref<1024xf32, #tpu.memory_space<vmem>>[vector<16xi32>], vector<16xf32>, vector<16xi1>
        %mul3A_169 = arith.constant 5 : i32
        %mul3A_170 = arith.muli %scan3A_116, %mul3A_169 : i32
        %add3A_171 = arith.constant 1 : i32
        %add3A_172 = arith.addi %mul3A_170, %add3A_171 : i32
        %mul3A_173 = arith.constant 16 : i32
        %mul3A_174 = arith.muli %add3A_172, %mul3A_173 : i32
        %get3A_175 = arith.index_cast %mul3A_174 : i32 to index
        %get3A_176 = tpu.vector_load %arg18[%get3A_175] {strides = array<i32>} : memref<1600xf32, #tpu.memory_space<vmem>>, vector<16xf32>,
        %get3A_177 = arith.index_cast %mul3A_174 : i32 to index
        %get3A_178 = tpu.vector_load %arg20[%get3A_177] {strides = array<i32>} : memref<1600xf32, #tpu.memory_space<vmem>>, vector<16xf32>,
        %get3A_179 = arith.index_cast %mul3A_174 : i32 to index
        %get3A_180 = tpu.vector_load %arg22[%get3A_179] {strides = array<i32>} : memref<1600xf32, #tpu.memory_space<vmem>>, vector<16xf32>,
        %get3A_181 = arith.index_cast %mul3A_174 : i32 to index
        %get3A_182 = tpu.vector_load %arg24[%get3A_181] {strides = array<i32>} : memref<1600xi32, #tpu.memory_space<vmem>>, vector<16xi32>,
        %gather3A_183 = tpu.vector_load_idx %arg9[%get3A_182] : memref<100000xi32, #tpu.memory_space<vmem>>[vector<16xi32>], vector<16xi32>,
        %le3A_184 = vector.broadcast %squeeze3A : f32 to vector<16xf32>
        %le3A_185 = arith.cmpf ole, %get3A_178, %le3A_184 : vector<16xf32>
        %lt3A_186 = vector.broadcast %squeeze3A : f32 to vector<16xf32>
        %lt3A_187 = arith.cmpf olt, %lt3A_186, %get3A_180 : vector<16xf32>
        %and3A_188 = arith.andi %le3A_185, %lt3A_187 : vector<16xi1>
        tpu.vector_store_idx %arg10[%gather3A_183], %get3A_176 masked %and3A_188 {add = true} : memref<1024xf32, #tpu.memory_space<vmem>>[vector<16xi32>], vector<16xf32>, vector<16xi1>
        %le3A_189 = vector.broadcast %squeeze3A_36 : f32 to vector<16xf32>
        %le3A_190 = arith.cmpf ole, %get3A_178, %le3A_189 : vector<16xf32>
        %lt3A_191 = vector.broadcast %squeeze3A_36 : f32 to vector<16xf32>
        %lt3A_192 = arith.cmpf olt, %lt3A_191, %get3A_180 : vector<16xf32>
        %and3A_193 = arith.andi %le3A_190, %lt3A_192 : vector<16xi1>
        tpu.vector_store_idx %arg11[%gather3A_183], %get3A_176 masked %and3A_193 {add = true} : memref<1024xf32, #tpu.memory_space<vmem>>[vector<16xi32>], vector<16xf32>, vector<16xi1>
        %le3A_194 = vector.broadcast %squeeze3A_38 : f32 to vector<16xf32>
        %le3A_195 = arith.cmpf ole, %get3A_178, %le3A_194 : vector<16xf32>
        %lt3A_196 = vector.broadcast %squeeze3A_38 : f32 to vector<16xf32>
        %lt3A_197 = arith.cmpf olt, %lt3A_196, %get3A_180 : vector<16xf32>
        %and3A_198 = arith.andi %le3A_195, %lt3A_197 : vector<16xi1>
        tpu.vector_store_idx %arg12[%gather3A_183], %get3A_176 masked %and3A_198 {add = true} : memref<1024xf32, #tpu.memory_space<vmem>>[vector<16xi32>], vector<16xf32>, vector<16xi1>
        %le3A_199 = vector.broadcast %squeeze3A_40 : f32 to vector<16xf32>
        %le3A_200 = arith.cmpf ole, %get3A_178, %le3A_199 : vector<16xf32>
        %lt3A_201 = vector.broadcast %squeeze3A_40 : f32 to vector<16xf32>
        %lt3A_202 = arith.cmpf olt, %lt3A_201, %get3A_180 : vector<16xf32>
        %and3A_203 = arith.andi %le3A_200, %lt3A_202 : vector<16xi1>
        tpu.vector_store_idx %arg13[%gather3A_183], %get3A_176 masked %and3A_203 {add = true} : memref<1024xf32, #tpu.memory_space<vmem>>[vector<16xi32>], vector<16xf32>, vector<16xi1>
        %le3A_204 = vector.broadcast %squeeze3A_42 : f32 to vector<16xf32>
        %le3A_205 = arith.cmpf ole, %get3A_178, %le3A_204 : vector<16xf32>
        %lt3A_206 = vector.broadcast %squeeze3A_42 : f32 to vector<16xf32>
        %lt3A_207 = arith.cmpf olt, %lt3A_206, %get3A_180 : vector<16xf32>
        %and3A_208 = arith.andi %le3A_205, %lt3A_207 : vector<16xi1>
        tpu.vector_store_idx %arg14[%gather3A_183], %get3A_176 masked %and3A_208 {add = true} : memref<1024xf32, #tpu.memory_space<vmem>>[vector<16xi32>], vector<16xf32>, vector<16xi1>
        %le3A_209 = vector.broadcast %squeeze3A_44 : f32 to vector<16xf32>
        %le3A_210 = arith.cmpf ole, %get3A_178, %le3A_209 : vector<16xf32>
        %lt3A_211 = vector.broadcast %squeeze3A_44 : f32 to vector<16xf32>
        %lt3A_212 = arith.cmpf olt, %lt3A_211, %get3A_180 : vector<16xf32>
        %and3A_213 = arith.andi %le3A_210, %lt3A_212 : vector<16xi1>
        tpu.vector_store_idx %arg15[%gather3A_183], %get3A_176 masked %and3A_213 {add = true} : memref<1024xf32, #tpu.memory_space<vmem>>[vector<16xi32>], vector<16xf32>, vector<16xi1>
        %le3A_214 = vector.broadcast %squeeze3A_46 : f32 to vector<16xf32>
        %le3A_215 = arith.cmpf ole, %get3A_178, %le3A_214 : vector<16xf32>
        %lt3A_216 = vector.broadcast %squeeze3A_46 : f32 to vector<16xf32>
        %lt3A_217 = arith.cmpf olt, %lt3A_216, %get3A_180 : vector<16xf32>
        %and3A_218 = arith.andi %le3A_215, %lt3A_217 : vector<16xi1>
        tpu.vector_store_idx %arg16[%gather3A_183], %get3A_176 masked %and3A_218 {add = true} : memref<1024xf32, #tpu.memory_space<vmem>>[vector<16xi32>], vector<16xf32>, vector<16xi1>
        %le3A_219 = vector.broadcast %squeeze3A_48 : f32 to vector<16xf32>
        %le3A_220 = arith.cmpf ole, %get3A_178, %le3A_219 : vector<16xf32>
        %lt3A_221 = vector.broadcast %squeeze3A_48 : f32 to vector<16xf32>
        %lt3A_222 = arith.cmpf olt, %lt3A_221, %get3A_180 : vector<16xf32>
        %and3A_223 = arith.andi %le3A_220, %lt3A_222 : vector<16xi1>
        tpu.vector_store_idx %arg17[%gather3A_183], %get3A_176 masked %and3A_223 {add = true} : memref<1024xf32, #tpu.memory_space<vmem>>[vector<16xi32>], vector<16xf32>, vector<16xi1>
        %mul3A_224 = arith.constant 5 : i32
        %mul3A_225 = arith.muli %scan3A_116, %mul3A_224 : i32
        %add3A_226 = arith.constant 2 : i32
        %add3A_227 = arith.addi %mul3A_225, %add3A_226 : i32
        %mul3A_228 = arith.constant 16 : i32
        %mul3A_229 = arith.muli %add3A_227, %mul3A_228 : i32
        %get3A_230 = arith.index_cast %mul3A_229 : i32 to index
        %get3A_231 = tpu.vector_load %arg18[%get3A_230] {strides = array<i32>} : memref<1600xf32, #tpu.memory_space<vmem>>, vector<16xf32>,
        %get3A_232 = arith.index_cast %mul3A_229 : i32 to index
        %get3A_233 = tpu.vector_load %arg20[%get3A_232] {strides = array<i32>} : memref<1600xf32, #tpu.memory_space<vmem>>, vector<16xf32>,
        %get3A_234 = arith.index_cast %mul3A_229 : i32 to index
        %get3A_235 = tpu.vector_load %arg22[%get3A_234] {strides = array<i32>} : memref<1600xf32, #tpu.memory_space<vmem>>, vector<16xf32>,
        %get3A_236 = arith.index_cast %mul3A_229 : i32 to index
        %get3A_237 = tpu.vector_load %arg24[%get3A_236] {strides = array<i32>} : memref<1600xi32, #tpu.memory_space<vmem>>, vector<16xi32>,
        %gather3A_238 = tpu.vector_load_idx %arg9[%get3A_237] : memref<100000xi32, #tpu.memory_space<vmem>>[vector<16xi32>], vector<16xi32>,
        %le3A_239 = vector.broadcast %squeeze3A : f32 to vector<16xf32>
        %le3A_240 = arith.cmpf ole, %get3A_233, %le3A_239 : vector<16xf32>
        %lt3A_241 = vector.broadcast %squeeze3A : f32 to vector<16xf32>
        %lt3A_242 = arith.cmpf olt, %lt3A_241, %get3A_235 : vector<16xf32>
        %and3A_243 = arith.andi %le3A_240, %lt3A_242 : vector<16xi1>
        tpu.vector_store_idx %arg10[%gather3A_238], %get3A_231 masked %and3A_243 {add = true} : memref<1024xf32, #tpu.memory_space<vmem>>[vector<16xi32>], vector<16xf32>, vector<16xi1>
        %le3A_244 = vector.broadcast %squeeze3A_36 : f32 to vector<16xf32>
        %le3A_245 = arith.cmpf ole, %get3A_233, %le3A_244 : vector<16xf32>
        %lt3A_246 = vector.broadcast %squeeze3A_36 : f32 to vector<16xf32>
        %lt3A_247 = arith.cmpf olt, %lt3A_246, %get3A_235 : vector<16xf32>
        %and3A_248 = arith.andi %le3A_245, %lt3A_247 : vector<16xi1>
        tpu.vector_store_idx %arg11[%gather3A_238], %get3A_231 masked %and3A_248 {add = true} : memref<1024xf32, #tpu.memory_space<vmem>>[vector<16xi32>], vector<16xf32>, vector<16xi1>
        %le3A_249 = vector.broadcast %squeeze3A_38 : f32 to vector<16xf32>
        %le3A_250 = arith.cmpf ole, %get3A_233, %le3A_249 : vector<16xf32>
        %lt3A_251 = vector.broadcast %squeeze3A_38 : f32 to vector<16xf32>
        %lt3A_252 = arith.cmpf olt, %lt3A_251, %get3A_235 : vector<16xf32>
        %and3A_253 = arith.andi %le3A_250, %lt3A_252 : vector<16xi1>
        tpu.vector_store_idx %arg12[%gather3A_238], %get3A_231 masked %and3A_253 {add = true} : memref<1024xf32, #tpu.memory_space<vmem>>[vector<16xi32>], vector<16xf32>, vector<16xi1>
        %le3A_254 = vector.broadcast %squeeze3A_40 : f32 to vector<16xf32>
        %le3A_255 = arith.cmpf ole, %get3A_233, %le3A_254 : vector<16xf32>
        %lt3A_256 = vector.broadcast %squeeze3A_40 : f32 to vector<16xf32>
        %lt3A_257 = arith.cmpf olt, %lt3A_256, %get3A_235 : vector<16xf32>
        %and3A_258 = arith.andi %le3A_255, %lt3A_257 : vector<16xi1>
        tpu.vector_store_idx %arg13[%gather3A_238], %get3A_231 masked %and3A_258 {add = true} : memref<1024xf32, #tpu.memory_space<vmem>>[vector<16xi32>], vector<16xf32>, vector<16xi1>
        %le3A_259 = vector.broadcast %squeeze3A_42 : f32 to vector<16xf32>
        %le3A_260 = arith.cmpf ole, %get3A_233, %le3A_259 : vector<16xf32>
        %lt3A_261 = vector.broadcast %squeeze3A_42 : f32 to vector<16xf32>
        %lt3A_262 = arith.cmpf olt, %lt3A_261, %get3A_235 : vector<16xf32>
        %and3A_263 = arith.andi %le3A_260, %lt3A_262 : vector<16xi1>
        tpu.vector_store_idx %arg14[%gather3A_238], %get3A_231 masked %and3A_263 {add = true} : memref<1024xf32, #tpu.memory_space<vmem>>[vector<16xi32>], vector<16xf32>, vector<16xi1>
        %le3A_264 = vector.broadcast %squeeze3A_44 : f32 to vector<16xf32>
        %le3A_265 = arith.cmpf ole, %get3A_233, %le3A_264 : vector<16xf32>
        %lt3A_266 = vector.broadcast %squeeze3A_44 : f32 to vector<16xf32>
        %lt3A_267 = arith.cmpf olt, %lt3A_266, %get3A_235 : vector<16xf32>
        %and3A_268 = arith.andi %le3A_265, %lt3A_267 : vector<16xi1>
        tpu.vector_store_idx %arg15[%gather3A_238], %get3A_231 masked %and3A_268 {add = true} : memref<1024xf32, #tpu.memory_space<vmem>>[vector<16xi32>], vector<16xf32>, vector<16xi1>
        %le3A_269 = vector.broadcast %squeeze3A_46 : f32 to vector<16xf32>
        %le3A_270 = arith.cmpf ole, %get3A_233, %le3A_269 : vector<16xf32>
        %lt3A_271 = vector.broadcast %squeeze3A_46 : f32 to vector<16xf32>
        %lt3A_272 = arith.cmpf olt, %lt3A_271, %get3A_235 : vector<16xf32>
        %and3A_273 = arith.andi %le3A_270, %lt3A_272 : vector<16xi1>
        tpu.vector_store_idx %arg16[%gather3A_238], %get3A_231 masked %and3A_273 {add = true} : memref<1024xf32, #tpu.memory_space<vmem>>[vector<16xi32>], vector<16xf32>, vector<16xi1>
        %le3A_274 = vector.broadcast %squeeze3A_48 : f32 to vector<16xf32>
        %le3A_275 = arith.cmpf ole, %get3A_233, %le3A_274 : vector<16xf32>
        %lt3A_276 = vector.broadcast %squeeze3A_48 : f32 to vector<16xf32>
        %lt3A_277 = arith.cmpf olt, %lt3A_276, %get3A_235 : vector<16xf32>
        %and3A_278 = arith.andi %le3A_275, %lt3A_277 : vector<16xi1>
        tpu.vector_store_idx %arg17[%gather3A_238], %get3A_231 masked %and3A_278 {add = true} : memref<1024xf32, #tpu.memory_space<vmem>>[vector<16xi32>], vector<16xf32>, vector<16xi1>
        %mul3A_279 = arith.constant 5 : i32
        %mul3A_280 = arith.muli %scan3A_116, %mul3A_279 : i32
        %add3A_281 = arith.constant 3 : i32
        %add3A_282 = arith.addi %mul3A_280, %add3A_281 : i32
        %mul3A_283 = arith.constant 16 : i32
        %mul3A_284 = arith.muli %add3A_282, %mul3A_283 : i32
        %get3A_285 = arith.index_cast %mul3A_284 : i32 to index
        %get3A_286 = tpu.vector_load %arg18[%get3A_285] {strides = array<i32>} : memref<1600xf32, #tpu.memory_space<vmem>>, vector<16xf32>,
        %get3A_287 = arith.index_cast %mul3A_284 : i32 to index
        %get3A_288 = tpu.vector_load %arg20[%get3A_287] {strides = array<i32>} : memref<1600xf32, #tpu.memory_space<vmem>>, vector<16xf32>,
        %get3A_289 = arith.index_cast %mul3A_284 : i32 to index
        %get3A_290 = tpu.vector_load %arg22[%get3A_289] {strides = array<i32>} : memref<1600xf32, #tpu.memory_space<vmem>>, vector<16xf32>,
        %get3A_291 = arith.index_cast %mul3A_284 : i32 to index
        %get3A_292 = tpu.vector_load %arg24[%get3A_291] {strides = array<i32>} : memref<1600xi32, #tpu.memory_space<vmem>>, vector<16xi32>,
        %gather3A_293 = tpu.vector_load_idx %arg9[%get3A_292] : memref<100000xi32, #tpu.memory_space<vmem>>[vector<16xi32>], vector<16xi32>,
        %le3A_294 = vector.broadcast %squeeze3A : f32 to vector<16xf32>
        %le3A_295 = arith.cmpf ole, %get3A_288, %le3A_294 : vector<16xf32>
        %lt3A_296 = vector.broadcast %squeeze3A : f32 to vector<16xf32>
        %lt3A_297 = arith.cmpf olt, %lt3A_296, %get3A_290 : vector<16xf32>
        %and3A_298 = arith.andi %le3A_295, %lt3A_297 : vector<16xi1>
        tpu.vector_store_idx %arg10[%gather3A_293], %get3A_286 masked %and3A_298 {add = true} : memref<1024xf32, #tpu.memory_space<vmem>>[vector<16xi32>], vector<16xf32>, vector<16xi1>
        %le3A_299 = vector.broadcast %squeeze3A_36 : f32 to vector<16xf32>
        %le3A_300 = arith.cmpf ole, %get3A_288, %le3A_299 : vector<16xf32>
        %lt3A_301 = vector.broadcast %squeeze3A_36 : f32 to vector<16xf32>
        %lt3A_302 = arith.cmpf olt, %lt3A_301, %get3A_290 : vector<16xf32>
        %and3A_303 = arith.andi %le3A_300, %lt3A_302 : vector<16xi1>
        tpu.vector_store_idx %arg11[%gather3A_293], %get3A_286 masked %and3A_303 {add = true} : memref<1024xf32, #tpu.memory_space<vmem>>[vector<16xi32>], vector<16xf32>, vector<16xi1>
        %le3A_304 = vector.broadcast %squeeze3A_38 : f32 to vector<16xf32>
        %le3A_305 = arith.cmpf ole, %get3A_288, %le3A_304 : vector<16xf32>
        %lt3A_306 = vector.broadcast %squeeze3A_38 : f32 to vector<16xf32>
        %lt3A_307 = arith.cmpf olt, %lt3A_306, %get3A_290 : vector<16xf32>
        %and3A_308 = arith.andi %le3A_305, %lt3A_307 : vector<16xi1>
        tpu.vector_store_idx %arg12[%gather3A_293], %get3A_286 masked %and3A_308 {add = true} : memref<1024xf32, #tpu.memory_space<vmem>>[vector<16xi32>], vector<16xf32>, vector<16xi1>
        %le3A_309 = vector.broadcast %squeeze3A_40 : f32 to vector<16xf32>
        %le3A_310 = arith.cmpf ole, %get3A_288, %le3A_309 : vector<16xf32>
        %lt3A_311 = vector.broadcast %squeeze3A_40 : f32 to vector<16xf32>
        %lt3A_312 = arith.cmpf olt, %lt3A_311, %get3A_290 : vector<16xf32>
        %and3A_313 = arith.andi %le3A_310, %lt3A_312 : vector<16xi1>
        tpu.vector_store_idx %arg13[%gather3A_293], %get3A_286 masked %and3A_313 {add = true} : memref<1024xf32, #tpu.memory_space<vmem>>[vector<16xi32>], vector<16xf32>, vector<16xi1>
        %le3A_314 = vector.broadcast %squeeze3A_42 : f32 to vector<16xf32>
        %le3A_315 = arith.cmpf ole, %get3A_288, %le3A_314 : vector<16xf32>
        %lt3A_316 = vector.broadcast %squeeze3A_42 : f32 to vector<16xf32>
        %lt3A_317 = arith.cmpf olt, %lt3A_316, %get3A_290 : vector<16xf32>
        %and3A_318 = arith.andi %le3A_315, %lt3A_317 : vector<16xi1>
        tpu.vector_store_idx %arg14[%gather3A_293], %get3A_286 masked %and3A_318 {add = true} : memref<1024xf32, #tpu.memory_space<vmem>>[vector<16xi32>], vector<16xf32>, vector<16xi1>
        %le3A_319 = vector.broadcast %squeeze3A_44 : f32 to vector<16xf32>
        %le3A_320 = arith.cmpf ole, %get3A_288, %le3A_319 : vector<16xf32>
        %lt3A_321 = vector.broadcast %squeeze3A_44 : f32 to vector<16xf32>
        %lt3A_322 = arith.cmpf olt, %lt3A_321, %get3A_290 : vector<16xf32>
        %and3A_323 = arith.andi %le3A_320, %lt3A_322 : vector<16xi1>
        tpu.vector_store_idx %arg15[%gather3A_293], %get3A_286 masked %and3A_323 {add = true} : memref<1024xf32, #tpu.memory_space<vmem>>[vector<16xi32>], vector<16xf32>, vector<16xi1>
        %le3A_324 = vector.broadcast %squeeze3A_46 : f32 to vector<16xf32>
        %le3A_325 = arith.cmpf ole, %get3A_288, %le3A_324 : vector<16xf32>
        %lt3A_326 = vector.broadcast %squeeze3A_46 : f32 to vector<16xf32>
        %lt3A_327 = arith.cmpf olt, %lt3A_326, %get3A_290 : vector<16xf32>
        %and3A_328 = arith.andi %le3A_325, %lt3A_327 : vector<16xi1>
        tpu.vector_store_idx %arg16[%gather3A_293], %get3A_286 masked %and3A_328 {add = true} : memref<1024xf32, #tpu.memory_space<vmem>>[vector<16xi32>], vector<16xf32>, vector<16xi1>
        %le3A_329 = vector.broadcast %squeeze3A_48 : f32 to vector<16xf32>
        %le3A_330 = arith.cmpf ole, %get3A_288, %le3A_329 : vector<16xf32>
        %lt3A_331 = vector.broadcast %squeeze3A_48 : f32 to vector<16xf32>
        %lt3A_332 = arith.cmpf olt, %lt3A_331, %get3A_290 : vector<16xf32>
        %and3A_333 = arith.andi %le3A_330, %lt3A_332 : vector<16xi1>
        tpu.vector_store_idx %arg17[%gather3A_293], %get3A_286 masked %and3A_333 {add = true} : memref<1024xf32, #tpu.memory_space<vmem>>[vector<16xi32>], vector<16xf32>, vector<16xi1>
        %mul3A_334 = arith.constant 5 : i32
        %mul3A_335 = arith.muli %scan3A_116, %mul3A_334 : i32
        %add3A_336 = arith.constant 4 : i32
        %add3A_337 = arith.addi %mul3A_335, %add3A_336 : i32
        %mul3A_338 = arith.constant 16 : i32
        %mul3A_339 = arith.muli %add3A_337, %mul3A_338 : i32
        %get3A_340 = arith.index_cast %mul3A_339 : i32 to index
        %get3A_341 = tpu.vector_load %arg18[%get3A_340] {strides = array<i32>} : memref<1600xf32, #tpu.memory_space<vmem>>, vector<16xf32>,
        %get3A_342 = arith.index_cast %mul3A_339 : i32 to index
        %get3A_343 = tpu.vector_load %arg20[%get3A_342] {strides = array<i32>} : memref<1600xf32, #tpu.memory_space<vmem>>, vector<16xf32>,
        %get3A_344 = arith.index_cast %mul3A_339 : i32 to index
        %get3A_345 = tpu.vector_load %arg22[%get3A_344] {strides = array<i32>} : memref<1600xf32, #tpu.memory_space<vmem>>, vector<16xf32>,
        %get3A_346 = arith.index_cast %mul3A_339 : i32 to index
        %get3A_347 = tpu.vector_load %arg24[%get3A_346] {strides = array<i32>} : memref<1600xi32, #tpu.memory_space<vmem>>, vector<16xi32>,
        %gather3A_348 = tpu.vector_load_idx %arg9[%get3A_347] : memref<100000xi32, #tpu.memory_space<vmem>>[vector<16xi32>], vector<16xi32>,
        %le3A_349 = vector.broadcast %squeeze3A : f32 to vector<16xf32>
        %le3A_350 = arith.cmpf ole, %get3A_343, %le3A_349 : vector<16xf32>
        %lt3A_351 = vector.broadcast %squeeze3A : f32 to vector<16xf32>
        %lt3A_352 = arith.cmpf olt, %lt3A_351, %get3A_345 : vector<16xf32>
        %and3A_353 = arith.andi %le3A_350, %lt3A_352 : vector<16xi1>
        tpu.vector_store_idx %arg10[%gather3A_348], %get3A_341 masked %and3A_353 {add = true} : memref<1024xf32, #tpu.memory_space<vmem>>[vector<16xi32>], vector<16xf32>, vector<16xi1>
        %le3A_354 = vector.broadcast %squeeze3A_36 : f32 to vector<16xf32>
        %le3A_355 = arith.cmpf ole, %get3A_343, %le3A_354 : vector<16xf32>
        %lt3A_356 = vector.broadcast %squeeze3A_36 : f32 to vector<16xf32>
        %lt3A_357 = arith.cmpf olt, %lt3A_356, %get3A_345 : vector<16xf32>
        %and3A_358 = arith.andi %le3A_355, %lt3A_357 : vector<16xi1>
        tpu.vector_store_idx %arg11[%gather3A_348], %get3A_341 masked %and3A_358 {add = true} : memref<1024xf32, #tpu.memory_space<vmem>>[vector<16xi32>], vector<16xf32>, vector<16xi1>
        %le3A_359 = vector.broadcast %squeeze3A_38 : f32 to vector<16xf32>
        %le3A_360 = arith.cmpf ole, %get3A_343, %le3A_359 : vector<16xf32>
        %lt3A_361 = vector.broadcast %squeeze3A_38 : f32 to vector<16xf32>
        %lt3A_362 = arith.cmpf olt, %lt3A_361, %get3A_345 : vector<16xf32>
        %and3A_363 = arith.andi %le3A_360, %lt3A_362 : vector<16xi1>
        tpu.vector_store_idx %arg12[%gather3A_348], %get3A_341 masked %and3A_363 {add = true} : memref<1024xf32, #tpu.memory_space<vmem>>[vector<16xi32>], vector<16xf32>, vector<16xi1>
        %le3A_364 = vector.broadcast %squeeze3A_40 : f32 to vector<16xf32>
        %le3A_365 = arith.cmpf ole, %get3A_343, %le3A_364 : vector<16xf32>
        %lt3A_366 = vector.broadcast %squeeze3A_40 : f32 to vector<16xf32>
        %lt3A_367 = arith.cmpf olt, %lt3A_366, %get3A_345 : vector<16xf32>
        %and3A_368 = arith.andi %le3A_365, %lt3A_367 : vector<16xi1>
        tpu.vector_store_idx %arg13[%gather3A_348], %get3A_341 masked %and3A_368 {add = true} : memref<1024xf32, #tpu.memory_space<vmem>>[vector<16xi32>], vector<16xf32>, vector<16xi1>
        %le3A_369 = vector.broadcast %squeeze3A_42 : f32 to vector<16xf32>
        %le3A_370 = arith.cmpf ole, %get3A_343, %le3A_369 : vector<16xf32>
        %lt3A_371 = vector.broadcast %squeeze3A_42 : f32 to vector<16xf32>
        %lt3A_372 = arith.cmpf olt, %lt3A_371, %get3A_345 : vector<16xf32>
        %and3A_373 = arith.andi %le3A_370, %lt3A_372 : vector<16xi1>
        tpu.vector_store_idx %arg14[%gather3A_348], %get3A_341 masked %and3A_373 {add = true} : memref<1024xf32, #tpu.memory_space<vmem>>[vector<16xi32>], vector<16xf32>, vector<16xi1>
        %le3A_374 = vector.broadcast %squeeze3A_44 : f32 to vector<16xf32>
        %le3A_375 = arith.cmpf ole, %get3A_343, %le3A_374 : vector<16xf32>
        %lt3A_376 = vector.broadcast %squeeze3A_44 : f32 to vector<16xf32>
        %lt3A_377 = arith.cmpf olt, %lt3A_376, %get3A_345 : vector<16xf32>
        %and3A_378 = arith.andi %le3A_375, %lt3A_377 : vector<16xi1>
        tpu.vector_store_idx %arg15[%gather3A_348], %get3A_341 masked %and3A_378 {add = true} : memref<1024xf32, #tpu.memory_space<vmem>>[vector<16xi32>], vector<16xf32>, vector<16xi1>
        %le3A_379 = vector.broadcast %squeeze3A_46 : f32 to vector<16xf32>
        %le3A_380 = arith.cmpf ole, %get3A_343, %le3A_379 : vector<16xf32>
        %lt3A_381 = vector.broadcast %squeeze3A_46 : f32 to vector<16xf32>
        %lt3A_382 = arith.cmpf olt, %lt3A_381, %get3A_345 : vector<16xf32>
        %and3A_383 = arith.andi %le3A_380, %lt3A_382 : vector<16xi1>
        tpu.vector_store_idx %arg16[%gather3A_348], %get3A_341 masked %and3A_383 {add = true} : memref<1024xf32, #tpu.memory_space<vmem>>[vector<16xi32>], vector<16xf32>, vector<16xi1>
        %le3A_384 = vector.broadcast %squeeze3A_48 : f32 to vector<16xf32>
        %le3A_385 = arith.cmpf ole, %get3A_343, %le3A_384 : vector<16xf32>
        %lt3A_386 = vector.broadcast %squeeze3A_48 : f32 to vector<16xf32>
        %lt3A_387 = arith.cmpf olt, %lt3A_386, %get3A_345 : vector<16xf32>
        %and3A_388 = arith.andi %le3A_385, %lt3A_387 : vector<16xi1>
        tpu.vector_store_idx %arg17[%gather3A_348], %get3A_341 masked %and3A_388 {add = true} : memref<1024xf32, #tpu.memory_space<vmem>>[vector<16xi32>], vector<16xf32>, vector<16xi1>
      }
      %scan3A_89 = arith.constant 20 : i32
      %convert_element_type3A = arith.extui %lt3A_68 : i1 to i32
      %cond3A = arith.constant 0 : i32
      %cond3A_90 = arith.cmpi ne, %convert_element_type3A, %cond3A : i32
      scf.if %cond3A_90 {
        %mul3A_116 = arith.constant 2 : i32
        %mul3A_117 = arith.muli %mul3A_116, %while3A_65 : i32
        %add3A_118 = arith.constant 2 : i32
        %add3A_119 = arith.addi %mul3A_117, %add3A_118 : i32
        %mul3A_120 = arith.constant 1600 : i32
        %mul3A_121 = arith.muli %add3A_119, %mul3A_120 : i32
        %add3A_122 = arith.addi %add3A_6, %mul3A_121 : i32
        %dma_start3A_123 = tpu.memref_slice %arg2[%add3A_122] : memref<1600000xf32, #tpu.memory_space<hbm>> -> memref<1600xf32, #tpu.memory_space<hbm>>
        %dma_start3A_124 = tpu.memref_slice %arg2[%add3A_122] : memref<1600000xf32, #tpu.memory_space<hbm>> -> memref<1600xf32, #tpu.memory_space<hbm>>
        tpu.enqueue_dma source(%dma_start3A_124 : memref<1600xf32, #tpu.memory_space<hbm>>) target(%arg18 : memref<1600xf32, #tpu.memory_space<vmem>>) target_semaphore(%arg27 : memref<!tpu.dma_semaphore, #tpu.memory_space<semaphore_mem>>)
        %dma_start3A_125 = tpu.memref_slice %arg3[%add3A_122] : memref<1600000xf32, #tpu.memory_space<hbm>> -> memref<1600xf32, #tpu.memory_space<hbm>>
        %dma_start3A_126 = tpu.memref_slice %arg3[%add3A_122] : memref<1600000xf32, #tpu.memory_space<hbm>> -> memref<1600xf32, #tpu.memory_space<hbm>>
        tpu.enqueue_dma source(%dma_start3A_126 : memref<1600xf32, #tpu.memory_space<hbm>>) target(%arg20 : memref<1600xf32, #tpu.memory_space<vmem>>) target_semaphore(%arg27 : memref<!tpu.dma_semaphore, #tpu.memory_space<semaphore_mem>>)
        %dma_start3A_127 = tpu.memref_slice %arg4[%add3A_122] : memref<1600000xf32, #tpu.memory_space<hbm>> -> memref<1600xf32, #tpu.memory_space<hbm>>
        %dma_start3A_128 = tpu.memref_slice %arg4[%add3A_122] : memref<1600000xf32, #tpu.memory_space<hbm>> -> memref<1600xf32, #tpu.memory_space<hbm>>
        tpu.enqueue_dma source(%dma_start3A_128 : memref<1600xf32, #tpu.memory_space<hbm>>) target(%arg22 : memref<1600xf32, #tpu.memory_space<vmem>>) target_semaphore(%arg27 : memref<!tpu.dma_semaphore, #tpu.memory_space<semaphore_mem>>)
        %dma_start3A_129 = tpu.memref_slice %arg6[%add3A_122] : memref<1600000xi32, #tpu.memory_space<hbm>> -> memref<1600xi32, #tpu.memory_space<hbm>>
        %dma_start3A_130 = tpu.memref_slice %arg6[%add3A_122] : memref<1600000xi32, #tpu.memory_space<hbm>> -> memref<1600xi32, #tpu.memory_space<hbm>>
        tpu.enqueue_dma source(%dma_start3A_130 : memref<1600xi32, #tpu.memory_space<hbm>>) target(%arg24 : memref<1600xi32, #tpu.memory_space<vmem>>) target_semaphore(%arg27 : memref<!tpu.dma_semaphore, #tpu.memory_space<semaphore_mem>>)
      } else {
      }
      %dma_wait3A_91 = arith.constant 0 : i32
      %dma_wait3A_92 = tpu.memref_slice %arg2[%dma_wait3A_91] : memref<1600000xf32, #tpu.memory_space<hbm>> -> memref<1600xf32, #tpu.memory_space<hbm>>
      %dma_wait3A_93 = arith.constant 0 : i32
      %dma_wait3A_94 = tpu.memref_slice %arg2[%dma_wait3A_93] : memref<1600000xf32, #tpu.memory_space<hbm>> -> memref<1600xf32, #tpu.memory_space<hbm>>
      tpu.wait_dma2 semaphore(%arg28 : memref<!tpu.dma_semaphore, #tpu.memory_space<semaphore_mem>>) src(%dma_wait3A_94 : memref<1600xf32, #tpu.memory_space<hbm>>) dst(%arg19 : memref<1600xf32, #tpu.memory_space<vmem>>)
      %dma_wait3A_95 = arith.constant 0 : i32
      %dma_wait3A_96 = tpu.memref_slice %arg3[%dma_wait3A_95] : memref<1600000xf32, #tpu.memory_space<hbm>> -> memref<1600xf32, #tpu.memory_space<hbm>>
      %dma_wait3A_97 = arith.constant 0 : i32
      %dma_wait3A_98 = tpu.memref_slice %arg3[%dma_wait3A_97] : memref<1600000xf32, #tpu.memory_space<hbm>> -> memref<1600xf32, #tpu.memory_space<hbm>>
      tpu.wait_dma2 semaphore(%arg28 : memref<!tpu.dma_semaphore, #tpu.memory_space<semaphore_mem>>) src(%dma_wait3A_98 : memref<1600xf32, #tpu.memory_space<hbm>>) dst(%arg21 : memref<1600xf32, #tpu.memory_space<vmem>>)
      %dma_wait3A_99 = arith.constant 0 : i32
      %dma_wait3A_100 = tpu.memref_slice %arg4[%dma_wait3A_99] : memref<1600000xf32, #tpu.memory_space<hbm>> -> memref<1600xf32, #tpu.memory_space<hbm>>
      %dma_wait3A_101 = arith.constant 0 : i32
      %dma_wait3A_102 = tpu.memref_slice %arg4[%dma_wait3A_101] : memref<1600000xf32, #tpu.memory_space<hbm>> -> memref<1600xf32, #tpu.memory_space<hbm>>
      tpu.wait_dma2 semaphore(%arg28 : memref<!tpu.dma_semaphore, #tpu.memory_space<semaphore_mem>>) src(%dma_wait3A_102 : memref<1600xf32, #tpu.memory_space<hbm>>) dst(%arg23 : memref<1600xf32, #tpu.memory_space<vmem>>)
      %dma_wait3A_103 = arith.constant 0 : i32
      %dma_wait3A_104 = tpu.memref_slice %arg6[%dma_wait3A_103] : memref<1600000xi32, #tpu.memory_space<hbm>> -> memref<1600xi32, #tpu.memory_space<hbm>>
      %dma_wait3A_105 = arith.constant 0 : i32
      %dma_wait3A_106 = tpu.memref_slice %arg6[%dma_wait3A_105] : memref<1600000xi32, #tpu.memory_space<hbm>> -> memref<1600xi32, #tpu.memory_space<hbm>>
      tpu.wait_dma2 semaphore(%arg28 : memref<!tpu.dma_semaphore, #tpu.memory_space<semaphore_mem>>) src(%dma_wait3A_106 : memref<1600xi32, #tpu.memory_space<hbm>>) dst(%arg25 : memref<1600xi32, #tpu.memory_space<vmem>>)
      %scan3A_107 = arith.constant 0 : i32
      %scan3A_108 = arith.constant 0 : i32
      %scan3A_109 = arith.constant 20 : i32
      %scan3A_110 = arith.addi %scan3A_108, %scan3A_109 : i32
      %scan3A_111 = arith.constant 1 : i32
      scf.for %scan3A_116 = %scan3A_108 to %scan3A_110 step %scan3A_111  : i32 {
        %mul3A_117 = arith.constant 5 : i32
        %mul3A_118 = arith.muli %scan3A_116, %mul3A_117 : i32
        %add3A_119 = arith.constant 0 : i32
        %add3A_120 = arith.addi %mul3A_118, %add3A_119 : i32
        %mul3A_121 = arith.constant 16 : i32
        %mul3A_122 = arith.muli %add3A_120, %mul3A_121 : i32
        %get3A_123 = arith.index_cast %mul3A_122 : i32 to index
        %get3A_124 = tpu.vector_load %arg19[%get3A_123] {strides = array<i32>} : memref<1600xf32, #tpu.memory_space<vmem>>, vector<16xf32>,
        %get3A_125 = arith.index_cast %mul3A_122 : i32 to index
        %get3A_126 = tpu.vector_load %arg21[%get3A_125] {strides = array<i32>} : memref<1600xf32, #tpu.memory_space<vmem>>, vector<16xf32>,
        %get3A_127 = arith.index_cast %mul3A_122 : i32 to index
        %get3A_128 = tpu.vector_load %arg23[%get3A_127] {strides = array<i32>} : memref<1600xf32, #tpu.memory_space<vmem>>, vector<16xf32>,
        %get3A_129 = arith.index_cast %mul3A_122 : i32 to index
        %get3A_130 = tpu.vector_load %arg25[%get3A_129] {strides = array<i32>} : memref<1600xi32, #tpu.memory_space<vmem>>, vector<16xi32>,
        %gather3A = tpu.vector_load_idx %arg9[%get3A_130] : memref<100000xi32, #tpu.memory_space<vmem>>[vector<16xi32>], vector<16xi32>,
        %le3A = vector.broadcast %squeeze3A : f32 to vector<16xf32>
        %le3A_131 = arith.cmpf ole, %get3A_126, %le3A : vector<16xf32>
        %lt3A_132 = vector.broadcast %squeeze3A : f32 to vector<16xf32>
        %lt3A_133 = arith.cmpf olt, %lt3A_132, %get3A_128 : vector<16xf32>
        %and3A = arith.andi %le3A_131, %lt3A_133 : vector<16xi1>
        tpu.vector_store_idx %arg10[%gather3A], %get3A_124 masked %and3A {add = true} : memref<1024xf32, #tpu.memory_space<vmem>>[vector<16xi32>], vector<16xf32>, vector<16xi1>
        %le3A_134 = vector.broadcast %squeeze3A_36 : f32 to vector<16xf32>
        %le3A_135 = arith.cmpf ole, %get3A_126, %le3A_134 : vector<16xf32>
        %lt3A_136 = vector.broadcast %squeeze3A_36 : f32 to vector<16xf32>
        %lt3A_137 = arith.cmpf olt, %lt3A_136, %get3A_128 : vector<16xf32>
        %and3A_138 = arith.andi %le3A_135, %lt3A_137 : vector<16xi1>
        tpu.vector_store_idx %arg11[%gather3A], %get3A_124 masked %and3A_138 {add = true} : memref<1024xf32, #tpu.memory_space<vmem>>[vector<16xi32>], vector<16xf32>, vector<16xi1>
        %le3A_139 = vector.broadcast %squeeze3A_38 : f32 to vector<16xf32>
        %le3A_140 = arith.cmpf ole, %get3A_126, %le3A_139 : vector<16xf32>
        %lt3A_141 = vector.broadcast %squeeze3A_38 : f32 to vector<16xf32>
        %lt3A_142 = arith.cmpf olt, %lt3A_141, %get3A_128 : vector<16xf32>
        %and3A_143 = arith.andi %le3A_140, %lt3A_142 : vector<16xi1>
        tpu.vector_store_idx %arg12[%gather3A], %get3A_124 masked %and3A_143 {add = true} : memref<1024xf32, #tpu.memory_space<vmem>>[vector<16xi32>], vector<16xf32>, vector<16xi1>
        %le3A_144 = vector.broadcast %squeeze3A_40 : f32 to vector<16xf32>
        %le3A_145 = arith.cmpf ole, %get3A_126, %le3A_144 : vector<16xf32>
        %lt3A_146 = vector.broadcast %squeeze3A_40 : f32 to vector<16xf32>
        %lt3A_147 = arith.cmpf olt, %lt3A_146, %get3A_128 : vector<16xf32>
        %and3A_148 = arith.andi %le3A_145, %lt3A_147 : vector<16xi1>
        tpu.vector_store_idx %arg13[%gather3A], %get3A_124 masked %and3A_148 {add = true} : memref<1024xf32, #tpu.memory_space<vmem>>[vector<16xi32>], vector<16xf32>, vector<16xi1>
        %le3A_149 = vector.broadcast %squeeze3A_42 : f32 to vector<16xf32>
        %le3A_150 = arith.cmpf ole, %get3A_126, %le3A_149 : vector<16xf32>
        %lt3A_151 = vector.broadcast %squeeze3A_42 : f32 to vector<16xf32>
        %lt3A_152 = arith.cmpf olt, %lt3A_151, %get3A_128 : vector<16xf32>
        %and3A_153 = arith.andi %le3A_150, %lt3A_152 : vector<16xi1>
        tpu.vector_store_idx %arg14[%gather3A], %get3A_124 masked %and3A_153 {add = true} : memref<1024xf32, #tpu.memory_space<vmem>>[vector<16xi32>], vector<16xf32>, vector<16xi1>
        %le3A_154 = vector.broadcast %squeeze3A_44 : f32 to vector<16xf32>
        %le3A_155 = arith.cmpf ole, %get3A_126, %le3A_154 : vector<16xf32>
        %lt3A_156 = vector.broadcast %squeeze3A_44 : f32 to vector<16xf32>
        %lt3A_157 = arith.cmpf olt, %lt3A_156, %get3A_128 : vector<16xf32>
        %and3A_158 = arith.andi %le3A_155, %lt3A_157 : vector<16xi1>
        tpu.vector_store_idx %arg15[%gather3A], %get3A_124 masked %and3A_158 {add = true} : memref<1024xf32, #tpu.memory_space<vmem>>[vector<16xi32>], vector<16xf32>, vector<16xi1>
        %le3A_159 = vector.broadcast %squeeze3A_46 : f32 to vector<16xf32>
        %le3A_160 = arith.cmpf ole, %get3A_126, %le3A_159 : vector<16xf32>
        %lt3A_161 = vector.broadcast %squeeze3A_46 : f32 to vector<16xf32>
        %lt3A_162 = arith.cmpf olt, %lt3A_161, %get3A_128 : vector<16xf32>
        %and3A_163 = arith.andi %le3A_160, %lt3A_162 : vector<16xi1>
        tpu.vector_store_idx %arg16[%gather3A], %get3A_124 masked %and3A_163 {add = true} : memref<1024xf32, #tpu.memory_space<vmem>>[vector<16xi32>], vector<16xf32>, vector<16xi1>
        %le3A_164 = vector.broadcast %squeeze3A_48 : f32 to vector<16xf32>
        %le3A_165 = arith.cmpf ole, %get3A_126, %le3A_164 : vector<16xf32>
        %lt3A_166 = vector.broadcast %squeeze3A_48 : f32 to vector<16xf32>
        %lt3A_167 = arith.cmpf olt, %lt3A_166, %get3A_128 : vector<16xf32>
        %and3A_168 = arith.andi %le3A_165, %lt3A_167 : vector<16xi1>
        tpu.vector_store_idx %arg17[%gather3A], %get3A_124 masked %and3A_168 {add = true} : memref<1024xf32, #tpu.memory_space<vmem>>[vector<16xi32>], vector<16xf32>, vector<16xi1>
        %mul3A_169 = arith.constant 5 : i32
        %mul3A_170 = arith.muli %scan3A_116, %mul3A_169 : i32
        %add3A_171 = arith.constant 1 : i32
        %add3A_172 = arith.addi %mul3A_170, %add3A_171 : i32
        %mul3A_173 = arith.constant 16 : i32
        %mul3A_174 = arith.muli %add3A_172, %mul3A_173 : i32
        %get3A_175 = arith.index_cast %mul3A_174 : i32 to index
        %get3A_176 = tpu.vector_load %arg19[%get3A_175] {strides = array<i32>} : memref<1600xf32, #tpu.memory_space<vmem>>, vector<16xf32>,
        %get3A_177 = arith.index_cast %mul3A_174 : i32 to index
        %get3A_178 = tpu.vector_load %arg21[%get3A_177] {strides = array<i32>} : memref<1600xf32, #tpu.memory_space<vmem>>, vector<16xf32>,
        %get3A_179 = arith.index_cast %mul3A_174 : i32 to index
        %get3A_180 = tpu.vector_load %arg23[%get3A_179] {strides = array<i32>} : memref<1600xf32, #tpu.memory_space<vmem>>, vector<16xf32>,
        %get3A_181 = arith.index_cast %mul3A_174 : i32 to index
        %get3A_182 = tpu.vector_load %arg25[%get3A_181] {strides = array<i32>} : memref<1600xi32, #tpu.memory_space<vmem>>, vector<16xi32>,
        %gather3A_183 = tpu.vector_load_idx %arg9[%get3A_182] : memref<100000xi32, #tpu.memory_space<vmem>>[vector<16xi32>], vector<16xi32>,
        %le3A_184 = vector.broadcast %squeeze3A : f32 to vector<16xf32>
        %le3A_185 = arith.cmpf ole, %get3A_178, %le3A_184 : vector<16xf32>
        %lt3A_186 = vector.broadcast %squeeze3A : f32 to vector<16xf32>
        %lt3A_187 = arith.cmpf olt, %lt3A_186, %get3A_180 : vector<16xf32>
        %and3A_188 = arith.andi %le3A_185, %lt3A_187 : vector<16xi1>
        tpu.vector_store_idx %arg10[%gather3A_183], %get3A_176 masked %and3A_188 {add = true} : memref<1024xf32, #tpu.memory_space<vmem>>[vector<16xi32>], vector<16xf32>, vector<16xi1>
        %le3A_189 = vector.broadcast %squeeze3A_36 : f32 to vector<16xf32>
        %le3A_190 = arith.cmpf ole, %get3A_178, %le3A_189 : vector<16xf32>
        %lt3A_191 = vector.broadcast %squeeze3A_36 : f32 to vector<16xf32>
        %lt3A_192 = arith.cmpf olt, %lt3A_191, %get3A_180 : vector<16xf32>
        %and3A_193 = arith.andi %le3A_190, %lt3A_192 : vector<16xi1>
        tpu.vector_store_idx %arg11[%gather3A_183], %get3A_176 masked %and3A_193 {add = true} : memref<1024xf32, #tpu.memory_space<vmem>>[vector<16xi32>], vector<16xf32>, vector<16xi1>
        %le3A_194 = vector.broadcast %squeeze3A_38 : f32 to vector<16xf32>
        %le3A_195 = arith.cmpf ole, %get3A_178, %le3A_194 : vector<16xf32>
        %lt3A_196 = vector.broadcast %squeeze3A_38 : f32 to vector<16xf32>
        %lt3A_197 = arith.cmpf olt, %lt3A_196, %get3A_180 : vector<16xf32>
        %and3A_198 = arith.andi %le3A_195, %lt3A_197 : vector<16xi1>
        tpu.vector_store_idx %arg12[%gather3A_183], %get3A_176 masked %and3A_198 {add = true} : memref<1024xf32, #tpu.memory_space<vmem>>[vector<16xi32>], vector<16xf32>, vector<16xi1>
        %le3A_199 = vector.broadcast %squeeze3A_40 : f32 to vector<16xf32>
        %le3A_200 = arith.cmpf ole, %get3A_178, %le3A_199 : vector<16xf32>
        %lt3A_201 = vector.broadcast %squeeze3A_40 : f32 to vector<16xf32>
        %lt3A_202 = arith.cmpf olt, %lt3A_201, %get3A_180 : vector<16xf32>
        %and3A_203 = arith.andi %le3A_200, %lt3A_202 : vector<16xi1>
        tpu.vector_store_idx %arg13[%gather3A_183], %get3A_176 masked %and3A_203 {add = true} : memref<1024xf32, #tpu.memory_space<vmem>>[vector<16xi32>], vector<16xf32>, vector<16xi1>
        %le3A_204 = vector.broadcast %squeeze3A_42 : f32 to vector<16xf32>
        %le3A_205 = arith.cmpf ole, %get3A_178, %le3A_204 : vector<16xf32>
        %lt3A_206 = vector.broadcast %squeeze3A_42 : f32 to vector<16xf32>
        %lt3A_207 = arith.cmpf olt, %lt3A_206, %get3A_180 : vector<16xf32>
        %and3A_208 = arith.andi %le3A_205, %lt3A_207 : vector<16xi1>
        tpu.vector_store_idx %arg14[%gather3A_183], %get3A_176 masked %and3A_208 {add = true} : memref<1024xf32, #tpu.memory_space<vmem>>[vector<16xi32>], vector<16xf32>, vector<16xi1>
        %le3A_209 = vector.broadcast %squeeze3A_44 : f32 to vector<16xf32>
        %le3A_210 = arith.cmpf ole, %get3A_178, %le3A_209 : vector<16xf32>
        %lt3A_211 = vector.broadcast %squeeze3A_44 : f32 to vector<16xf32>
        %lt3A_212 = arith.cmpf olt, %lt3A_211, %get3A_180 : vector<16xf32>
        %and3A_213 = arith.andi %le3A_210, %lt3A_212 : vector<16xi1>
        tpu.vector_store_idx %arg15[%gather3A_183], %get3A_176 masked %and3A_213 {add = true} : memref<1024xf32, #tpu.memory_space<vmem>>[vector<16xi32>], vector<16xf32>, vector<16xi1>
        %le3A_214 = vector.broadcast %squeeze3A_46 : f32 to vector<16xf32>
        %le3A_215 = arith.cmpf ole, %get3A_178, %le3A_214 : vector<16xf32>
        %lt3A_216 = vector.broadcast %squeeze3A_46 : f32 to vector<16xf32>
        %lt3A_217 = arith.cmpf olt, %lt3A_216, %get3A_180 : vector<16xf32>
        %and3A_218 = arith.andi %le3A_215, %lt3A_217 : vector<16xi1>
        tpu.vector_store_idx %arg16[%gather3A_183], %get3A_176 masked %and3A_218 {add = true} : memref<1024xf32, #tpu.memory_space<vmem>>[vector<16xi32>], vector<16xf32>, vector<16xi1>
        %le3A_219 = vector.broadcast %squeeze3A_48 : f32 to vector<16xf32>
        %le3A_220 = arith.cmpf ole, %get3A_178, %le3A_219 : vector<16xf32>
        %lt3A_221 = vector.broadcast %squeeze3A_48 : f32 to vector<16xf32>
        %lt3A_222 = arith.cmpf olt, %lt3A_221, %get3A_180 : vector<16xf32>
        %and3A_223 = arith.andi %le3A_220, %lt3A_222 : vector<16xi1>
        tpu.vector_store_idx %arg17[%gather3A_183], %get3A_176 masked %and3A_223 {add = true} : memref<1024xf32, #tpu.memory_space<vmem>>[vector<16xi32>], vector<16xf32>, vector<16xi1>
        %mul3A_224 = arith.constant 5 : i32
        %mul3A_225 = arith.muli %scan3A_116, %mul3A_224 : i32
        %add3A_226 = arith.constant 2 : i32
        %add3A_227 = arith.addi %mul3A_225, %add3A_226 : i32
        %mul3A_228 = arith.constant 16 : i32
        %mul3A_229 = arith.muli %add3A_227, %mul3A_228 : i32
        %get3A_230 = arith.index_cast %mul3A_229 : i32 to index
        %get3A_231 = tpu.vector_load %arg19[%get3A_230] {strides = array<i32>} : memref<1600xf32, #tpu.memory_space<vmem>>, vector<16xf32>,
        %get3A_232 = arith.index_cast %mul3A_229 : i32 to index
        %get3A_233 = tpu.vector_load %arg21[%get3A_232] {strides = array<i32>} : memref<1600xf32, #tpu.memory_space<vmem>>, vector<16xf32>,
        %get3A_234 = arith.index_cast %mul3A_229 : i32 to index
        %get3A_235 = tpu.vector_load %arg23[%get3A_234] {strides = array<i32>} : memref<1600xf32, #tpu.memory_space<vmem>>, vector<16xf32>,
        %get3A_236 = arith.index_cast %mul3A_229 : i32 to index
        %get3A_237 = tpu.vector_load %arg25[%get3A_236] {strides = array<i32>} : memref<1600xi32, #tpu.memory_space<vmem>>, vector<16xi32>,
        %gather3A_238 = tpu.vector_load_idx %arg9[%get3A_237] : memref<100000xi32, #tpu.memory_space<vmem>>[vector<16xi32>], vector<16xi32>,
        %le3A_239 = vector.broadcast %squeeze3A : f32 to vector<16xf32>
        %le3A_240 = arith.cmpf ole, %get3A_233, %le3A_239 : vector<16xf32>
        %lt3A_241 = vector.broadcast %squeeze3A : f32 to vector<16xf32>
        %lt3A_242 = arith.cmpf olt, %lt3A_241, %get3A_235 : vector<16xf32>
        %and3A_243 = arith.andi %le3A_240, %lt3A_242 : vector<16xi1>
        tpu.vector_store_idx %arg10[%gather3A_238], %get3A_231 masked %and3A_243 {add = true} : memref<1024xf32, #tpu.memory_space<vmem>>[vector<16xi32>], vector<16xf32>, vector<16xi1>
        %le3A_244 = vector.broadcast %squeeze3A_36 : f32 to vector<16xf32>
        %le3A_245 = arith.cmpf ole, %get3A_233, %le3A_244 : vector<16xf32>
        %lt3A_246 = vector.broadcast %squeeze3A_36 : f32 to vector<16xf32>
        %lt3A_247 = arith.cmpf olt, %lt3A_246, %get3A_235 : vector<16xf32>
        %and3A_248 = arith.andi %le3A_245, %lt3A_247 : vector<16xi1>
        tpu.vector_store_idx %arg11[%gather3A_238], %get3A_231 masked %and3A_248 {add = true} : memref<1024xf32, #tpu.memory_space<vmem>>[vector<16xi32>], vector<16xf32>, vector<16xi1>
        %le3A_249 = vector.broadcast %squeeze3A_38 : f32 to vector<16xf32>
        %le3A_250 = arith.cmpf ole, %get3A_233, %le3A_249 : vector<16xf32>
        %lt3A_251 = vector.broadcast %squeeze3A_38 : f32 to vector<16xf32>
        %lt3A_252 = arith.cmpf olt, %lt3A_251, %get3A_235 : vector<16xf32>
        %and3A_253 = arith.andi %le3A_250, %lt3A_252 : vector<16xi1>
        tpu.vector_store_idx %arg12[%gather3A_238], %get3A_231 masked %and3A_253 {add = true} : memref<1024xf32, #tpu.memory_space<vmem>>[vector<16xi32>], vector<16xf32>, vector<16xi1>
        %le3A_254 = vector.broadcast %squeeze3A_40 : f32 to vector<16xf32>
        %le3A_255 = arith.cmpf ole, %get3A_233, %le3A_254 : vector<16xf32>
        %lt3A_256 = vector.broadcast %squeeze3A_40 : f32 to vector<16xf32>
        %lt3A_257 = arith.cmpf olt, %lt3A_256, %get3A_235 : vector<16xf32>
        %and3A_258 = arith.andi %le3A_255, %lt3A_257 : vector<16xi1>
        tpu.vector_store_idx %arg13[%gather3A_238], %get3A_231 masked %and3A_258 {add = true} : memref<1024xf32, #tpu.memory_space<vmem>>[vector<16xi32>], vector<16xf32>, vector<16xi1>
        %le3A_259 = vector.broadcast %squeeze3A_42 : f32 to vector<16xf32>
        %le3A_260 = arith.cmpf ole, %get3A_233, %le3A_259 : vector<16xf32>
        %lt3A_261 = vector.broadcast %squeeze3A_42 : f32 to vector<16xf32>
        %lt3A_262 = arith.cmpf olt, %lt3A_261, %get3A_235 : vector<16xf32>
        %and3A_263 = arith.andi %le3A_260, %lt3A_262 : vector<16xi1>
        tpu.vector_store_idx %arg14[%gather3A_238], %get3A_231 masked %and3A_263 {add = true} : memref<1024xf32, #tpu.memory_space<vmem>>[vector<16xi32>], vector<16xf32>, vector<16xi1>
        %le3A_264 = vector.broadcast %squeeze3A_44 : f32 to vector<16xf32>
        %le3A_265 = arith.cmpf ole, %get3A_233, %le3A_264 : vector<16xf32>
        %lt3A_266 = vector.broadcast %squeeze3A_44 : f32 to vector<16xf32>
        %lt3A_267 = arith.cmpf olt, %lt3A_266, %get3A_235 : vector<16xf32>
        %and3A_268 = arith.andi %le3A_265, %lt3A_267 : vector<16xi1>
        tpu.vector_store_idx %arg15[%gather3A_238], %get3A_231 masked %and3A_268 {add = true} : memref<1024xf32, #tpu.memory_space<vmem>>[vector<16xi32>], vector<16xf32>, vector<16xi1>
        %le3A_269 = vector.broadcast %squeeze3A_46 : f32 to vector<16xf32>
        %le3A_270 = arith.cmpf ole, %get3A_233, %le3A_269 : vector<16xf32>
        %lt3A_271 = vector.broadcast %squeeze3A_46 : f32 to vector<16xf32>
        %lt3A_272 = arith.cmpf olt, %lt3A_271, %get3A_235 : vector<16xf32>
        %and3A_273 = arith.andi %le3A_270, %lt3A_272 : vector<16xi1>
        tpu.vector_store_idx %arg16[%gather3A_238], %get3A_231 masked %and3A_273 {add = true} : memref<1024xf32, #tpu.memory_space<vmem>>[vector<16xi32>], vector<16xf32>, vector<16xi1>
        %le3A_274 = vector.broadcast %squeeze3A_48 : f32 to vector<16xf32>
        %le3A_275 = arith.cmpf ole, %get3A_233, %le3A_274 : vector<16xf32>
        %lt3A_276 = vector.broadcast %squeeze3A_48 : f32 to vector<16xf32>
        %lt3A_277 = arith.cmpf olt, %lt3A_276, %get3A_235 : vector<16xf32>
        %and3A_278 = arith.andi %le3A_275, %lt3A_277 : vector<16xi1>
        tpu.vector_store_idx %arg17[%gather3A_238], %get3A_231 masked %and3A_278 {add = true} : memref<1024xf32, #tpu.memory_space<vmem>>[vector<16xi32>], vector<16xf32>, vector<16xi1>
        %mul3A_279 = arith.constant 5 : i32
        %mul3A_280 = arith.muli %scan3A_116, %mul3A_279 : i32
        %add3A_281 = arith.constant 3 : i32
        %add3A_282 = arith.addi %mul3A_280, %add3A_281 : i32
        %mul3A_283 = arith.constant 16 : i32
        %mul3A_284 = arith.muli %add3A_282, %mul3A_283 : i32
        %get3A_285 = arith.index_cast %mul3A_284 : i32 to index
        %get3A_286 = tpu.vector_load %arg19[%get3A_285] {strides = array<i32>} : memref<1600xf32, #tpu.memory_space<vmem>>, vector<16xf32>,
        %get3A_287 = arith.index_cast %mul3A_284 : i32 to index
        %get3A_288 = tpu.vector_load %arg21[%get3A_287] {strides = array<i32>} : memref<1600xf32, #tpu.memory_space<vmem>>, vector<16xf32>,
        %get3A_289 = arith.index_cast %mul3A_284 : i32 to index
        %get3A_290 = tpu.vector_load %arg23[%get3A_289] {strides = array<i32>} : memref<1600xf32, #tpu.memory_space<vmem>>, vector<16xf32>,
        %get3A_291 = arith.index_cast %mul3A_284 : i32 to index
        %get3A_292 = tpu.vector_load %arg25[%get3A_291] {strides = array<i32>} : memref<1600xi32, #tpu.memory_space<vmem>>, vector<16xi32>,
        %gather3A_293 = tpu.vector_load_idx %arg9[%get3A_292] : memref<100000xi32, #tpu.memory_space<vmem>>[vector<16xi32>], vector<16xi32>,
        %le3A_294 = vector.broadcast %squeeze3A : f32 to vector<16xf32>
        %le3A_295 = arith.cmpf ole, %get3A_288, %le3A_294 : vector<16xf32>
        %lt3A_296 = vector.broadcast %squeeze3A : f32 to vector<16xf32>
        %lt3A_297 = arith.cmpf olt, %lt3A_296, %get3A_290 : vector<16xf32>
        %and3A_298 = arith.andi %le3A_295, %lt3A_297 : vector<16xi1>
        tpu.vector_store_idx %arg10[%gather3A_293], %get3A_286 masked %and3A_298 {add = true} : memref<1024xf32, #tpu.memory_space<vmem>>[vector<16xi32>], vector<16xf32>, vector<16xi1>
        %le3A_299 = vector.broadcast %squeeze3A_36 : f32 to vector<16xf32>
        %le3A_300 = arith.cmpf ole, %get3A_288, %le3A_299 : vector<16xf32>
        %lt3A_301 = vector.broadcast %squeeze3A_36 : f32 to vector<16xf32>
        %lt3A_302 = arith.cmpf olt, %lt3A_301, %get3A_290 : vector<16xf32>
        %and3A_303 = arith.andi %le3A_300, %lt3A_302 : vector<16xi1>
        tpu.vector_store_idx %arg11[%gather3A_293], %get3A_286 masked %and3A_303 {add = true} : memref<1024xf32, #tpu.memory_space<vmem>>[vector<16xi32>], vector<16xf32>, vector<16xi1>
        %le3A_304 = vector.broadcast %squeeze3A_38 : f32 to vector<16xf32>
        %le3A_305 = arith.cmpf ole, %get3A_288, %le3A_304 : vector<16xf32>
        %lt3A_306 = vector.broadcast %squeeze3A_38 : f32 to vector<16xf32>
        %lt3A_307 = arith.cmpf olt, %lt3A_306, %get3A_290 : vector<16xf32>
        %and3A_308 = arith.andi %le3A_305, %lt3A_307 : vector<16xi1>
        tpu.vector_store_idx %arg12[%gather3A_293], %get3A_286 masked %and3A_308 {add = true} : memref<1024xf32, #tpu.memory_space<vmem>>[vector<16xi32>], vector<16xf32>, vector<16xi1>
        %le3A_309 = vector.broadcast %squeeze3A_40 : f32 to vector<16xf32>
        %le3A_310 = arith.cmpf ole, %get3A_288, %le3A_309 : vector<16xf32>
        %lt3A_311 = vector.broadcast %squeeze3A_40 : f32 to vector<16xf32>
        %lt3A_312 = arith.cmpf olt, %lt3A_311, %get3A_290 : vector<16xf32>
        %and3A_313 = arith.andi %le3A_310, %lt3A_312 : vector<16xi1>
        tpu.vector_store_idx %arg13[%gather3A_293], %get3A_286 masked %and3A_313 {add = true} : memref<1024xf32, #tpu.memory_space<vmem>>[vector<16xi32>], vector<16xf32>, vector<16xi1>
        %le3A_314 = vector.broadcast %squeeze3A_42 : f32 to vector<16xf32>
        %le3A_315 = arith.cmpf ole, %get3A_288, %le3A_314 : vector<16xf32>
        %lt3A_316 = vector.broadcast %squeeze3A_42 : f32 to vector<16xf32>
        %lt3A_317 = arith.cmpf olt, %lt3A_316, %get3A_290 : vector<16xf32>
        %and3A_318 = arith.andi %le3A_315, %lt3A_317 : vector<16xi1>
        tpu.vector_store_idx %arg14[%gather3A_293], %get3A_286 masked %and3A_318 {add = true} : memref<1024xf32, #tpu.memory_space<vmem>>[vector<16xi32>], vector<16xf32>, vector<16xi1>
        %le3A_319 = vector.broadcast %squeeze3A_44 : f32 to vector<16xf32>
        %le3A_320 = arith.cmpf ole, %get3A_288, %le3A_319 : vector<16xf32>
        %lt3A_321 = vector.broadcast %squeeze3A_44 : f32 to vector<16xf32>
        %lt3A_322 = arith.cmpf olt, %lt3A_321, %get3A_290 : vector<16xf32>
        %and3A_323 = arith.andi %le3A_320, %lt3A_322 : vector<16xi1>
        tpu.vector_store_idx %arg15[%gather3A_293], %get3A_286 masked %and3A_323 {add = true} : memref<1024xf32, #tpu.memory_space<vmem>>[vector<16xi32>], vector<16xf32>, vector<16xi1>
        %le3A_324 = vector.broadcast %squeeze3A_46 : f32 to vector<16xf32>
        %le3A_325 = arith.cmpf ole, %get3A_288, %le3A_324 : vector<16xf32>
        %lt3A_326 = vector.broadcast %squeeze3A_46 : f32 to vector<16xf32>
        %lt3A_327 = arith.cmpf olt, %lt3A_326, %get3A_290 : vector<16xf32>
        %and3A_328 = arith.andi %le3A_325, %lt3A_327 : vector<16xi1>
        tpu.vector_store_idx %arg16[%gather3A_293], %get3A_286 masked %and3A_328 {add = true} : memref<1024xf32, #tpu.memory_space<vmem>>[vector<16xi32>], vector<16xf32>, vector<16xi1>
        %le3A_329 = vector.broadcast %squeeze3A_48 : f32 to vector<16xf32>
        %le3A_330 = arith.cmpf ole, %get3A_288, %le3A_329 : vector<16xf32>
        %lt3A_331 = vector.broadcast %squeeze3A_48 : f32 to vector<16xf32>
        %lt3A_332 = arith.cmpf olt, %lt3A_331, %get3A_290 : vector<16xf32>
        %and3A_333 = arith.andi %le3A_330, %lt3A_332 : vector<16xi1>
        tpu.vector_store_idx %arg17[%gather3A_293], %get3A_286 masked %and3A_333 {add = true} : memref<1024xf32, #tpu.memory_space<vmem>>[vector<16xi32>], vector<16xf32>, vector<16xi1>
        %mul3A_334 = arith.constant 5 : i32
        %mul3A_335 = arith.muli %scan3A_116, %mul3A_334 : i32
        %add3A_336 = arith.constant 4 : i32
        %add3A_337 = arith.addi %mul3A_335, %add3A_336 : i32
        %mul3A_338 = arith.constant 16 : i32
        %mul3A_339 = arith.muli %add3A_337, %mul3A_338 : i32
        %get3A_340 = arith.index_cast %mul3A_339 : i32 to index
        %get3A_341 = tpu.vector_load %arg19[%get3A_340] {strides = array<i32>} : memref<1600xf32, #tpu.memory_space<vmem>>, vector<16xf32>,
        %get3A_342 = arith.index_cast %mul3A_339 : i32 to index
        %get3A_343 = tpu.vector_load %arg21[%get3A_342] {strides = array<i32>} : memref<1600xf32, #tpu.memory_space<vmem>>, vector<16xf32>,
        %get3A_344 = arith.index_cast %mul3A_339 : i32 to index
        %get3A_345 = tpu.vector_load %arg23[%get3A_344] {strides = array<i32>} : memref<1600xf32, #tpu.memory_space<vmem>>, vector<16xf32>,
        %get3A_346 = arith.index_cast %mul3A_339 : i32 to index
        %get3A_347 = tpu.vector_load %arg25[%get3A_346] {strides = array<i32>} : memref<1600xi32, #tpu.memory_space<vmem>>, vector<16xi32>,
        %gather3A_348 = tpu.vector_load_idx %arg9[%get3A_347] : memref<100000xi32, #tpu.memory_space<vmem>>[vector<16xi32>], vector<16xi32>,
        %le3A_349 = vector.broadcast %squeeze3A : f32 to vector<16xf32>
        %le3A_350 = arith.cmpf ole, %get3A_343, %le3A_349 : vector<16xf32>
        %lt3A_351 = vector.broadcast %squeeze3A : f32 to vector<16xf32>
        %lt3A_352 = arith.cmpf olt, %lt3A_351, %get3A_345 : vector<16xf32>
        %and3A_353 = arith.andi %le3A_350, %lt3A_352 : vector<16xi1>
        tpu.vector_store_idx %arg10[%gather3A_348], %get3A_341 masked %and3A_353 {add = true} : memref<1024xf32, #tpu.memory_space<vmem>>[vector<16xi32>], vector<16xf32>, vector<16xi1>
        %le3A_354 = vector.broadcast %squeeze3A_36 : f32 to vector<16xf32>
        %le3A_355 = arith.cmpf ole, %get3A_343, %le3A_354 : vector<16xf32>
        %lt3A_356 = vector.broadcast %squeeze3A_36 : f32 to vector<16xf32>
        %lt3A_357 = arith.cmpf olt, %lt3A_356, %get3A_345 : vector<16xf32>
        %and3A_358 = arith.andi %le3A_355, %lt3A_357 : vector<16xi1>
        tpu.vector_store_idx %arg11[%gather3A_348], %get3A_341 masked %and3A_358 {add = true} : memref<1024xf32, #tpu.memory_space<vmem>>[vector<16xi32>], vector<16xf32>, vector<16xi1>
        %le3A_359 = vector.broadcast %squeeze3A_38 : f32 to vector<16xf32>
        %le3A_360 = arith.cmpf ole, %get3A_343, %le3A_359 : vector<16xf32>
        %lt3A_361 = vector.broadcast %squeeze3A_38 : f32 to vector<16xf32>
        %lt3A_362 = arith.cmpf olt, %lt3A_361, %get3A_345 : vector<16xf32>
        %and3A_363 = arith.andi %le3A_360, %lt3A_362 : vector<16xi1>
        tpu.vector_store_idx %arg12[%gather3A_348], %get3A_341 masked %and3A_363 {add = true} : memref<1024xf32, #tpu.memory_space<vmem>>[vector<16xi32>], vector<16xf32>, vector<16xi1>
        %le3A_364 = vector.broadcast %squeeze3A_40 : f32 to vector<16xf32>
        %le3A_365 = arith.cmpf ole, %get3A_343, %le3A_364 : vector<16xf32>
        %lt3A_366 = vector.broadcast %squeeze3A_40 : f32 to vector<16xf32>
        %lt3A_367 = arith.cmpf olt, %lt3A_366, %get3A_345 : vector<16xf32>
        %and3A_368 = arith.andi %le3A_365, %lt3A_367 : vector<16xi1>
        tpu.vector_store_idx %arg13[%gather3A_348], %get3A_341 masked %and3A_368 {add = true} : memref<1024xf32, #tpu.memory_space<vmem>>[vector<16xi32>], vector<16xf32>, vector<16xi1>
        %le3A_369 = vector.broadcast %squeeze3A_42 : f32 to vector<16xf32>
        %le3A_370 = arith.cmpf ole, %get3A_343, %le3A_369 : vector<16xf32>
        %lt3A_371 = vector.broadcast %squeeze3A_42 : f32 to vector<16xf32>
        %lt3A_372 = arith.cmpf olt, %lt3A_371, %get3A_345 : vector<16xf32>
        %and3A_373 = arith.andi %le3A_370, %lt3A_372 : vector<16xi1>
        tpu.vector_store_idx %arg14[%gather3A_348], %get3A_341 masked %and3A_373 {add = true} : memref<1024xf32, #tpu.memory_space<vmem>>[vector<16xi32>], vector<16xf32>, vector<16xi1>
        %le3A_374 = vector.broadcast %squeeze3A_44 : f32 to vector<16xf32>
        %le3A_375 = arith.cmpf ole, %get3A_343, %le3A_374 : vector<16xf32>
        %lt3A_376 = vector.broadcast %squeeze3A_44 : f32 to vector<16xf32>
        %lt3A_377 = arith.cmpf olt, %lt3A_376, %get3A_345 : vector<16xf32>
        %and3A_378 = arith.andi %le3A_375, %lt3A_377 : vector<16xi1>
        tpu.vector_store_idx %arg15[%gather3A_348], %get3A_341 masked %and3A_378 {add = true} : memref<1024xf32, #tpu.memory_space<vmem>>[vector<16xi32>], vector<16xf32>, vector<16xi1>
        %le3A_379 = vector.broadcast %squeeze3A_46 : f32 to vector<16xf32>
        %le3A_380 = arith.cmpf ole, %get3A_343, %le3A_379 : vector<16xf32>
        %lt3A_381 = vector.broadcast %squeeze3A_46 : f32 to vector<16xf32>
        %lt3A_382 = arith.cmpf olt, %lt3A_381, %get3A_345 : vector<16xf32>
        %and3A_383 = arith.andi %le3A_380, %lt3A_382 : vector<16xi1>
        tpu.vector_store_idx %arg16[%gather3A_348], %get3A_341 masked %and3A_383 {add = true} : memref<1024xf32, #tpu.memory_space<vmem>>[vector<16xi32>], vector<16xf32>, vector<16xi1>
        %le3A_384 = vector.broadcast %squeeze3A_48 : f32 to vector<16xf32>
        %le3A_385 = arith.cmpf ole, %get3A_343, %le3A_384 : vector<16xf32>
        %lt3A_386 = vector.broadcast %squeeze3A_48 : f32 to vector<16xf32>
        %lt3A_387 = arith.cmpf olt, %lt3A_386, %get3A_345 : vector<16xf32>
        %and3A_388 = arith.andi %le3A_385, %lt3A_387 : vector<16xi1>
        tpu.vector_store_idx %arg17[%gather3A_348], %get3A_341 masked %and3A_388 {add = true} : memref<1024xf32, #tpu.memory_space<vmem>>[vector<16xi32>], vector<16xf32>, vector<16xi1>
      }
      %scan3A_112 = arith.constant 20 : i32
      %convert_element_type3A_113 = arith.extui %lt3A_68 : i1 to i32
      %cond3A_114 = arith.constant 0 : i32
      %cond3A_115 = arith.cmpi ne, %convert_element_type3A_113, %cond3A_114 : i32
      scf.if %cond3A_115 {
        %mul3A_116 = arith.constant 2 : i32
        %mul3A_117 = arith.muli %mul3A_116, %while3A_65 : i32
        %add3A_118 = arith.constant 3 : i32
        %add3A_119 = arith.addi %mul3A_117, %add3A_118 : i32
        %mul3A_120 = arith.constant 1600 : i32
        %mul3A_121 = arith.muli %add3A_119, %mul3A_120 : i32
        %add3A_122 = arith.addi %add3A_6, %mul3A_121 : i32
        %dma_start3A_123 = tpu.memref_slice %arg2[%add3A_122] : memref<1600000xf32, #tpu.memory_space<hbm>> -> memref<1600xf32, #tpu.memory_space<hbm>>
        %dma_start3A_124 = tpu.memref_slice %arg2[%add3A_122] : memref<1600000xf32, #tpu.memory_space<hbm>> -> memref<1600xf32, #tpu.memory_space<hbm>>
        tpu.enqueue_dma source(%dma_start3A_124 : memref<1600xf32, #tpu.memory_space<hbm>>) target(%arg19 : memref<1600xf32, #tpu.memory_space<vmem>>) target_semaphore(%arg28 : memref<!tpu.dma_semaphore, #tpu.memory_space<semaphore_mem>>)
        %dma_start3A_125 = tpu.memref_slice %arg3[%add3A_122] : memref<1600000xf32, #tpu.memory_space<hbm>> -> memref<1600xf32, #tpu.memory_space<hbm>>
        %dma_start3A_126 = tpu.memref_slice %arg3[%add3A_122] : memref<1600000xf32, #tpu.memory_space<hbm>> -> memref<1600xf32, #tpu.memory_space<hbm>>
        tpu.enqueue_dma source(%dma_start3A_126 : memref<1600xf32, #tpu.memory_space<hbm>>) target(%arg21 : memref<1600xf32, #tpu.memory_space<vmem>>) target_semaphore(%arg28 : memref<!tpu.dma_semaphore, #tpu.memory_space<semaphore_mem>>)
        %dma_start3A_127 = tpu.memref_slice %arg4[%add3A_122] : memref<1600000xf32, #tpu.memory_space<hbm>> -> memref<1600xf32, #tpu.memory_space<hbm>>
        %dma_start3A_128 = tpu.memref_slice %arg4[%add3A_122] : memref<1600000xf32, #tpu.memory_space<hbm>> -> memref<1600xf32, #tpu.memory_space<hbm>>
        tpu.enqueue_dma source(%dma_start3A_128 : memref<1600xf32, #tpu.memory_space<hbm>>) target(%arg23 : memref<1600xf32, #tpu.memory_space<vmem>>) target_semaphore(%arg28 : memref<!tpu.dma_semaphore, #tpu.memory_space<semaphore_mem>>)
        %dma_start3A_129 = tpu.memref_slice %arg6[%add3A_122] : memref<1600000xi32, #tpu.memory_space<hbm>> -> memref<1600xi32, #tpu.memory_space<hbm>>
        %dma_start3A_130 = tpu.memref_slice %arg6[%add3A_122] : memref<1600000xi32, #tpu.memory_space<hbm>> -> memref<1600xi32, #tpu.memory_space<hbm>>
        tpu.enqueue_dma source(%dma_start3A_130 : memref<1600xi32, #tpu.memory_space<hbm>>) target(%arg25 : memref<1600xi32, #tpu.memory_space<vmem>>) target_semaphore(%arg28 : memref<!tpu.dma_semaphore, #tpu.memory_space<semaphore_mem>>)
      } else {
      }
    }
    %run_scoped3A = arith.constant 0 : i32
    "tpu.region"() ({
      %run_scoped3A_65 = tpu.sem_alloc : memref<!tpu.dma_semaphore, #tpu.memory_space<semaphore_mem>>
      %dma_start3A_66 = arith.constant 0 : i32
      %dma_start3A_67 = tpu.memref_slice %arg8[%add3A, %run_scoped3A, %dma_start3A_66] : memref<32x8x1024xf32, #tpu.memory_space<hbm>> -> memref<1x1x1024xf32, #tpu.memory_space<hbm>>
      %dma_start3A_68 = tpu.memref_squeeze %dma_start3A_67 : memref<1x1x1024xf32, #tpu.memory_space<hbm>> -> memref<1024xf32, #tpu.memory_space<hbm>>
      %dma_start3A_69 = arith.constant 0 : i32
      %dma_start3A_70 = tpu.memref_slice %arg8[%add3A, %run_scoped3A, %dma_start3A_69] : memref<32x8x1024xf32, #tpu.memory_space<hbm>> -> memref<1x1x1024xf32, #tpu.memory_space<hbm>>
      %dma_start3A_71 = tpu.memref_squeeze %dma_start3A_70 : memref<1x1x1024xf32, #tpu.memory_space<hbm>> -> memref<1024xf32, #tpu.memory_space<hbm>>
      tpu.enqueue_dma source(%arg10 : memref<1024xf32, #tpu.memory_space<vmem>>) target(%dma_start3A_71 : memref<1024xf32, #tpu.memory_space<hbm>>) target_semaphore(%run_scoped3A_65 : memref<!tpu.dma_semaphore, #tpu.memory_space<semaphore_mem>>)
      %dma_wait3A = arith.constant 0 : i32
      %dma_wait3A_72 = tpu.memref_slice %arg8[%add3A, %run_scoped3A, %dma_wait3A] : memref<32x8x1024xf32, #tpu.memory_space<hbm>> -> memref<1x1x1024xf32, #tpu.memory_space<hbm>>
      %dma_wait3A_73 = tpu.memref_squeeze %dma_wait3A_72 : memref<1x1x1024xf32, #tpu.memory_space<hbm>> -> memref<1024xf32, #tpu.memory_space<hbm>>
      %dma_wait3A_74 = arith.constant 0 : i32
      %dma_wait3A_75 = tpu.memref_slice %arg8[%add3A, %run_scoped3A, %dma_wait3A_74] : memref<32x8x1024xf32, #tpu.memory_space<hbm>> -> memref<1x1x1024xf32, #tpu.memory_space<hbm>>
      %dma_wait3A_76 = tpu.memref_squeeze %dma_wait3A_75 : memref<1x1x1024xf32, #tpu.memory_space<hbm>> -> memref<1024xf32, #tpu.memory_space<hbm>>
      tpu.wait_dma2 semaphore(%run_scoped3A_65 : memref<!tpu.dma_semaphore, #tpu.memory_space<semaphore_mem>>) src(%arg10 : memref<1024xf32, #tpu.memory_space<vmem>>) dst(%dma_wait3A_76 : memref<1024xf32, #tpu.memory_space<hbm>>)
      tpu.yield
    }) : () -> ()
    %run_scoped3A_58 = arith.constant 1 : i32
    "tpu.region"() ({
      %run_scoped3A_65 = tpu.sem_alloc : memref<!tpu.dma_semaphore, #tpu.memory_space<semaphore_mem>>
      %dma_start3A_66 = arith.constant 0 : i32
      %dma_start3A_67 = tpu.memref_slice %arg8[%add3A, %run_scoped3A_58, %dma_start3A_66] : memref<32x8x1024xf32, #tpu.memory_space<hbm>> -> memref<1x1x1024xf32, #tpu.memory_space<hbm>>
      %dma_start3A_68 = tpu.memref_squeeze %dma_start3A_67 : memref<1x1x1024xf32, #tpu.memory_space<hbm>> -> memref<1024xf32, #tpu.memory_space<hbm>>
      %dma_start3A_69 = arith.constant 0 : i32
      %dma_start3A_70 = tpu.memref_slice %arg8[%add3A, %run_scoped3A_58, %dma_start3A_69] : memref<32x8x1024xf32, #tpu.memory_space<hbm>> -> memref<1x1x1024xf32, #tpu.memory_space<hbm>>
      %dma_start3A_71 = tpu.memref_squeeze %dma_start3A_70 : memref<1x1x1024xf32, #tpu.memory_space<hbm>> -> memref<1024xf32, #tpu.memory_space<hbm>>
      tpu.enqueue_dma source(%arg11 : memref<1024xf32, #tpu.memory_space<vmem>>) target(%dma_start3A_71 : memref<1024xf32, #tpu.memory_space<hbm>>) target_semaphore(%run_scoped3A_65 : memref<!tpu.dma_semaphore, #tpu.memory_space<semaphore_mem>>)
      %dma_wait3A = arith.constant 0 : i32
      %dma_wait3A_72 = tpu.memref_slice %arg8[%add3A, %run_scoped3A_58, %dma_wait3A] : memref<32x8x1024xf32, #tpu.memory_space<hbm>> -> memref<1x1x1024xf32, #tpu.memory_space<hbm>>
      %dma_wait3A_73 = tpu.memref_squeeze %dma_wait3A_72 : memref<1x1x1024xf32, #tpu.memory_space<hbm>> -> memref<1024xf32, #tpu.memory_space<hbm>>
      %dma_wait3A_74 = arith.constant 0 : i32
      %dma_wait3A_75 = tpu.memref_slice %arg8[%add3A, %run_scoped3A_58, %dma_wait3A_74] : memref<32x8x1024xf32, #tpu.memory_space<hbm>> -> memref<1x1x1024xf32, #tpu.memory_space<hbm>>
      %dma_wait3A_76 = tpu.memref_squeeze %dma_wait3A_75 : memref<1x1x1024xf32, #tpu.memory_space<hbm>> -> memref<1024xf32, #tpu.memory_space<hbm>>
      tpu.wait_dma2 semaphore(%run_scoped3A_65 : memref<!tpu.dma_semaphore, #tpu.memory_space<semaphore_mem>>) src(%arg11 : memref<1024xf32, #tpu.memory_space<vmem>>) dst(%dma_wait3A_76 : memref<1024xf32, #tpu.memory_space<hbm>>)
      tpu.yield
    }) : () -> ()
    %run_scoped3A_59 = arith.constant 2 : i32
    "tpu.region"() ({
      %run_scoped3A_65 = tpu.sem_alloc : memref<!tpu.dma_semaphore, #tpu.memory_space<semaphore_mem>>
      %dma_start3A_66 = arith.constant 0 : i32
      %dma_start3A_67 = tpu.memref_slice %arg8[%add3A, %run_scoped3A_59, %dma_start3A_66] : memref<32x8x1024xf32, #tpu.memory_space<hbm>> -> memref<1x1x1024xf32, #tpu.memory_space<hbm>>
      %dma_start3A_68 = tpu.memref_squeeze %dma_start3A_67 : memref<1x1x1024xf32, #tpu.memory_space<hbm>> -> memref<1024xf32, #tpu.memory_space<hbm>>
      %dma_start3A_69 = arith.constant 0 : i32
      %dma_start3A_70 = tpu.memref_slice %arg8[%add3A, %run_scoped3A_59, %dma_start3A_69] : memref<32x8x1024xf32, #tpu.memory_space<hbm>> -> memref<1x1x1024xf32, #tpu.memory_space<hbm>>
      %dma_start3A_71 = tpu.memref_squeeze %dma_start3A_70 : memref<1x1x1024xf32, #tpu.memory_space<hbm>> -> memref<1024xf32, #tpu.memory_space<hbm>>
      tpu.enqueue_dma source(%arg12 : memref<1024xf32, #tpu.memory_space<vmem>>) target(%dma_start3A_71 : memref<1024xf32, #tpu.memory_space<hbm>>) target_semaphore(%run_scoped3A_65 : memref<!tpu.dma_semaphore, #tpu.memory_space<semaphore_mem>>)
      %dma_wait3A = arith.constant 0 : i32
      %dma_wait3A_72 = tpu.memref_slice %arg8[%add3A, %run_scoped3A_59, %dma_wait3A] : memref<32x8x1024xf32, #tpu.memory_space<hbm>> -> memref<1x1x1024xf32, #tpu.memory_space<hbm>>
      %dma_wait3A_73 = tpu.memref_squeeze %dma_wait3A_72 : memref<1x1x1024xf32, #tpu.memory_space<hbm>> -> memref<1024xf32, #tpu.memory_space<hbm>>
      %dma_wait3A_74 = arith.constant 0 : i32
      %dma_wait3A_75 = tpu.memref_slice %arg8[%add3A, %run_scoped3A_59, %dma_wait3A_74] : memref<32x8x1024xf32, #tpu.memory_space<hbm>> -> memref<1x1x1024xf32, #tpu.memory_space<hbm>>
      %dma_wait3A_76 = tpu.memref_squeeze %dma_wait3A_75 : memref<1x1x1024xf32, #tpu.memory_space<hbm>> -> memref<1024xf32, #tpu.memory_space<hbm>>
      tpu.wait_dma2 semaphore(%run_scoped3A_65 : memref<!tpu.dma_semaphore, #tpu.memory_space<semaphore_mem>>) src(%arg12 : memref<1024xf32, #tpu.memory_space<vmem>>) dst(%dma_wait3A_76 : memref<1024xf32, #tpu.memory_space<hbm>>)
      tpu.yield
    }) : () -> ()
    %run_scoped3A_60 = arith.constant 3 : i32
    "tpu.region"() ({
      %run_scoped3A_65 = tpu.sem_alloc : memref<!tpu.dma_semaphore, #tpu.memory_space<semaphore_mem>>
      %dma_start3A_66 = arith.constant 0 : i32
      %dma_start3A_67 = tpu.memref_slice %arg8[%add3A, %run_scoped3A_60, %dma_start3A_66] : memref<32x8x1024xf32, #tpu.memory_space<hbm>> -> memref<1x1x1024xf32, #tpu.memory_space<hbm>>
      %dma_start3A_68 = tpu.memref_squeeze %dma_start3A_67 : memref<1x1x1024xf32, #tpu.memory_space<hbm>> -> memref<1024xf32, #tpu.memory_space<hbm>>
      %dma_start3A_69 = arith.constant 0 : i32
      %dma_start3A_70 = tpu.memref_slice %arg8[%add3A, %run_scoped3A_60, %dma_start3A_69] : memref<32x8x1024xf32, #tpu.memory_space<hbm>> -> memref<1x1x1024xf32, #tpu.memory_space<hbm>>
      %dma_start3A_71 = tpu.memref_squeeze %dma_start3A_70 : memref<1x1x1024xf32, #tpu.memory_space<hbm>> -> memref<1024xf32, #tpu.memory_space<hbm>>
      tpu.enqueue_dma source(%arg13 : memref<1024xf32, #tpu.memory_space<vmem>>) target(%dma_start3A_71 : memref<1024xf32, #tpu.memory_space<hbm>>) target_semaphore(%run_scoped3A_65 : memref<!tpu.dma_semaphore, #tpu.memory_space<semaphore_mem>>)
      %dma_wait3A = arith.constant 0 : i32
      %dma_wait3A_72 = tpu.memref_slice %arg8[%add3A, %run_scoped3A_60, %dma_wait3A] : memref<32x8x1024xf32, #tpu.memory_space<hbm>> -> memref<1x1x1024xf32, #tpu.memory_space<hbm>>
      %dma_wait3A_73 = tpu.memref_squeeze %dma_wait3A_72 : memref<1x1x1024xf32, #tpu.memory_space<hbm>> -> memref<1024xf32, #tpu.memory_space<hbm>>
      %dma_wait3A_74 = arith.constant 0 : i32
      %dma_wait3A_75 = tpu.memref_slice %arg8[%add3A, %run_scoped3A_60, %dma_wait3A_74] : memref<32x8x1024xf32, #tpu.memory_space<hbm>> -> memref<1x1x1024xf32, #tpu.memory_space<hbm>>
      %dma_wait3A_76 = tpu.memref_squeeze %dma_wait3A_75 : memref<1x1x1024xf32, #tpu.memory_space<hbm>> -> memref<1024xf32, #tpu.memory_space<hbm>>
      tpu.wait_dma2 semaphore(%run_scoped3A_65 : memref<!tpu.dma_semaphore, #tpu.memory_space<semaphore_mem>>) src(%arg13 : memref<1024xf32, #tpu.memory_space<vmem>>) dst(%dma_wait3A_76 : memref<1024xf32, #tpu.memory_space<hbm>>)
      tpu.yield
    }) : () -> ()
    %run_scoped3A_61 = arith.constant 4 : i32
    "tpu.region"() ({
      %run_scoped3A_65 = tpu.sem_alloc : memref<!tpu.dma_semaphore, #tpu.memory_space<semaphore_mem>>
      %dma_start3A_66 = arith.constant 0 : i32
      %dma_start3A_67 = tpu.memref_slice %arg8[%add3A, %run_scoped3A_61, %dma_start3A_66] : memref<32x8x1024xf32, #tpu.memory_space<hbm>> -> memref<1x1x1024xf32, #tpu.memory_space<hbm>>
      %dma_start3A_68 = tpu.memref_squeeze %dma_start3A_67 : memref<1x1x1024xf32, #tpu.memory_space<hbm>> -> memref<1024xf32, #tpu.memory_space<hbm>>
      %dma_start3A_69 = arith.constant 0 : i32
      %dma_start3A_70 = tpu.memref_slice %arg8[%add3A, %run_scoped3A_61, %dma_start3A_69] : memref<32x8x1024xf32, #tpu.memory_space<hbm>> -> memref<1x1x1024xf32, #tpu.memory_space<hbm>>
      %dma_start3A_71 = tpu.memref_squeeze %dma_start3A_70 : memref<1x1x1024xf32, #tpu.memory_space<hbm>> -> memref<1024xf32, #tpu.memory_space<hbm>>
      tpu.enqueue_dma source(%arg14 : memref<1024xf32, #tpu.memory_space<vmem>>) target(%dma_start3A_71 : memref<1024xf32, #tpu.memory_space<hbm>>) target_semaphore(%run_scoped3A_65 : memref<!tpu.dma_semaphore, #tpu.memory_space<semaphore_mem>>)
      %dma_wait3A = arith.constant 0 : i32
      %dma_wait3A_72 = tpu.memref_slice %arg8[%add3A, %run_scoped3A_61, %dma_wait3A] : memref<32x8x1024xf32, #tpu.memory_space<hbm>> -> memref<1x1x1024xf32, #tpu.memory_space<hbm>>
      %dma_wait3A_73 = tpu.memref_squeeze %dma_wait3A_72 : memref<1x1x1024xf32, #tpu.memory_space<hbm>> -> memref<1024xf32, #tpu.memory_space<hbm>>
      %dma_wait3A_74 = arith.constant 0 : i32
      %dma_wait3A_75 = tpu.memref_slice %arg8[%add3A, %run_scoped3A_61, %dma_wait3A_74] : memref<32x8x1024xf32, #tpu.memory_space<hbm>> -> memref<1x1x1024xf32, #tpu.memory_space<hbm>>
      %dma_wait3A_76 = tpu.memref_squeeze %dma_wait3A_75 : memref<1x1x1024xf32, #tpu.memory_space<hbm>> -> memref<1024xf32, #tpu.memory_space<hbm>>
      tpu.wait_dma2 semaphore(%run_scoped3A_65 : memref<!tpu.dma_semaphore, #tpu.memory_space<semaphore_mem>>) src(%arg14 : memref<1024xf32, #tpu.memory_space<vmem>>) dst(%dma_wait3A_76 : memref<1024xf32, #tpu.memory_space<hbm>>)
      tpu.yield
    }) : () -> ()
    %run_scoped3A_62 = arith.constant 5 : i32
    "tpu.region"() ({
      %run_scoped3A_65 = tpu.sem_alloc : memref<!tpu.dma_semaphore, #tpu.memory_space<semaphore_mem>>
      %dma_start3A_66 = arith.constant 0 : i32
      %dma_start3A_67 = tpu.memref_slice %arg8[%add3A, %run_scoped3A_62, %dma_start3A_66] : memref<32x8x1024xf32, #tpu.memory_space<hbm>> -> memref<1x1x1024xf32, #tpu.memory_space<hbm>>
      %dma_start3A_68 = tpu.memref_squeeze %dma_start3A_67 : memref<1x1x1024xf32, #tpu.memory_space<hbm>> -> memref<1024xf32, #tpu.memory_space<hbm>>
      %dma_start3A_69 = arith.constant 0 : i32
      %dma_start3A_70 = tpu.memref_slice %arg8[%add3A, %run_scoped3A_62, %dma_start3A_69] : memref<32x8x1024xf32, #tpu.memory_space<hbm>> -> memref<1x1x1024xf32, #tpu.memory_space<hbm>>
      %dma_start3A_71 = tpu.memref_squeeze %dma_start3A_70 : memref<1x1x1024xf32, #tpu.memory_space<hbm>> -> memref<1024xf32, #tpu.memory_space<hbm>>
      tpu.enqueue_dma source(%arg15 : memref<1024xf32, #tpu.memory_space<vmem>>) target(%dma_start3A_71 : memref<1024xf32, #tpu.memory_space<hbm>>) target_semaphore(%run_scoped3A_65 : memref<!tpu.dma_semaphore, #tpu.memory_space<semaphore_mem>>)
      %dma_wait3A = arith.constant 0 : i32
      %dma_wait3A_72 = tpu.memref_slice %arg8[%add3A, %run_scoped3A_62, %dma_wait3A] : memref<32x8x1024xf32, #tpu.memory_space<hbm>> -> memref<1x1x1024xf32, #tpu.memory_space<hbm>>
      %dma_wait3A_73 = tpu.memref_squeeze %dma_wait3A_72 : memref<1x1x1024xf32, #tpu.memory_space<hbm>> -> memref<1024xf32, #tpu.memory_space<hbm>>
      %dma_wait3A_74 = arith.constant 0 : i32
      %dma_wait3A_75 = tpu.memref_slice %arg8[%add3A, %run_scoped3A_62, %dma_wait3A_74] : memref<32x8x1024xf32, #tpu.memory_space<hbm>> -> memref<1x1x1024xf32, #tpu.memory_space<hbm>>
      %dma_wait3A_76 = tpu.memref_squeeze %dma_wait3A_75 : memref<1x1x1024xf32, #tpu.memory_space<hbm>> -> memref<1024xf32, #tpu.memory_space<hbm>>
      tpu.wait_dma2 semaphore(%run_scoped3A_65 : memref<!tpu.dma_semaphore, #tpu.memory_space<semaphore_mem>>) src(%arg15 : memref<1024xf32, #tpu.memory_space<vmem>>) dst(%dma_wait3A_76 : memref<1024xf32, #tpu.memory_space<hbm>>)
      tpu.yield
    }) : () -> ()
    %run_scoped3A_63 = arith.constant 6 : i32
    "tpu.region"() ({
      %run_scoped3A_65 = tpu.sem_alloc : memref<!tpu.dma_semaphore, #tpu.memory_space<semaphore_mem>>
      %dma_start3A_66 = arith.constant 0 : i32
      %dma_start3A_67 = tpu.memref_slice %arg8[%add3A, %run_scoped3A_63, %dma_start3A_66] : memref<32x8x1024xf32, #tpu.memory_space<hbm>> -> memref<1x1x1024xf32, #tpu.memory_space<hbm>>
      %dma_start3A_68 = tpu.memref_squeeze %dma_start3A_67 : memref<1x1x1024xf32, #tpu.memory_space<hbm>> -> memref<1024xf32, #tpu.memory_space<hbm>>
      %dma_start3A_69 = arith.constant 0 : i32
      %dma_start3A_70 = tpu.memref_slice %arg8[%add3A, %run_scoped3A_63, %dma_start3A_69] : memref<32x8x1024xf32, #tpu.memory_space<hbm>> -> memref<1x1x1024xf32, #tpu.memory_space<hbm>>
      %dma_start3A_71 = tpu.memref_squeeze %dma_start3A_70 : memref<1x1x1024xf32, #tpu.memory_space<hbm>> -> memref<1024xf32, #tpu.memory_space<hbm>>
      tpu.enqueue_dma source(%arg16 : memref<1024xf32, #tpu.memory_space<vmem>>) target(%dma_start3A_71 : memref<1024xf32, #tpu.memory_space<hbm>>) target_semaphore(%run_scoped3A_65 : memref<!tpu.dma_semaphore, #tpu.memory_space<semaphore_mem>>)
      %dma_wait3A = arith.constant 0 : i32
      %dma_wait3A_72 = tpu.memref_slice %arg8[%add3A, %run_scoped3A_63, %dma_wait3A] : memref<32x8x1024xf32, #tpu.memory_space<hbm>> -> memref<1x1x1024xf32, #tpu.memory_space<hbm>>
      %dma_wait3A_73 = tpu.memref_squeeze %dma_wait3A_72 : memref<1x1x1024xf32, #tpu.memory_space<hbm>> -> memref<1024xf32, #tpu.memory_space<hbm>>
      %dma_wait3A_74 = arith.constant 0 : i32
      %dma_wait3A_75 = tpu.memref_slice %arg8[%add3A, %run_scoped3A_63, %dma_wait3A_74] : memref<32x8x1024xf32, #tpu.memory_space<hbm>> -> memref<1x1x1024xf32, #tpu.memory_space<hbm>>
      %dma_wait3A_76 = tpu.memref_squeeze %dma_wait3A_75 : memref<1x1x1024xf32, #tpu.memory_space<hbm>> -> memref<1024xf32, #tpu.memory_space<hbm>>
      tpu.wait_dma2 semaphore(%run_scoped3A_65 : memref<!tpu.dma_semaphore, #tpu.memory_space<semaphore_mem>>) src(%arg16 : memref<1024xf32, #tpu.memory_space<vmem>>) dst(%dma_wait3A_76 : memref<1024xf32, #tpu.memory_space<hbm>>)
      tpu.yield
    }) : () -> ()
    %run_scoped3A_64 = arith.constant 7 : i32
    "tpu.region"() ({
      %run_scoped3A_65 = tpu.sem_alloc : memref<!tpu.dma_semaphore, #tpu.memory_space<semaphore_mem>>
      %dma_start3A_66 = arith.constant 0 : i32
      %dma_start3A_67 = tpu.memref_slice %arg8[%add3A, %run_scoped3A_64, %dma_start3A_66] : memref<32x8x1024xf32, #tpu.memory_space<hbm>> -> memref<1x1x1024xf32, #tpu.memory_space<hbm>>
      %dma_start3A_68 = tpu.memref_squeeze %dma_start3A_67 : memref<1x1x1024xf32, #tpu.memory_space<hbm>> -> memref<1024xf32, #tpu.memory_space<hbm>>
      %dma_start3A_69 = arith.constant 0 : i32
      %dma_start3A_70 = tpu.memref_slice %arg8[%add3A, %run_scoped3A_64, %dma_start3A_69] : memref<32x8x1024xf32, #tpu.memory_space<hbm>> -> memref<1x1x1024xf32, #tpu.memory_space<hbm>>
      %dma_start3A_71 = tpu.memref_squeeze %dma_start3A_70 : memref<1x1x1024xf32, #tpu.memory_space<hbm>> -> memref<1024xf32, #tpu.memory_space<hbm>>
      tpu.enqueue_dma source(%arg17 : memref<1024xf32, #tpu.memory_space<vmem>>) target(%dma_start3A_71 : memref<1024xf32, #tpu.memory_space<hbm>>) target_semaphore(%run_scoped3A_65 : memref<!tpu.dma_semaphore, #tpu.memory_space<semaphore_mem>>)
      %dma_wait3A = arith.constant 0 : i32
      %dma_wait3A_72 = tpu.memref_slice %arg8[%add3A, %run_scoped3A_64, %dma_wait3A] : memref<32x8x1024xf32, #tpu.memory_space<hbm>> -> memref<1x1x1024xf32, #tpu.memory_space<hbm>>
      %dma_wait3A_73 = tpu.memref_squeeze %dma_wait3A_72 : memref<1x1x1024xf32, #tpu.memory_space<hbm>> -> memref<1024xf32, #tpu.memory_space<hbm>>
      %dma_wait3A_74 = arith.constant 0 : i32
      %dma_wait3A_75 = tpu.memref_slice %arg8[%add3A, %run_scoped3A_64, %dma_wait3A_74] : memref<32x8x1024xf32, #tpu.memory_space<hbm>> -> memref<1x1x1024xf32, #tpu.memory_space<hbm>>
      %dma_wait3A_76 = tpu.memref_squeeze %dma_wait3A_75 : memref<1x1x1024xf32, #tpu.memory_space<hbm>> -> memref<1024xf32, #tpu.memory_space<hbm>>
      tpu.wait_dma2 semaphore(%run_scoped3A_65 : memref<!tpu.dma_semaphore, #tpu.memory_space<semaphore_mem>>) src(%arg17 : memref<1024xf32, #tpu.memory_space<vmem>>) dst(%dma_wait3A_76 : memref<1024xf32, #tpu.memory_space<hbm>>)
      tpu.yield
    }) : () -> ()
    return
  }
}

module attributes {stable_mosaic.version = 14 : i64} {
  func.func @_sum_body(%arg0: memref<32x8x1024xf32, #tpu.memory_space<vmem>>, %arg1: memref<8x1000xf32, #tpu.memory_space<vmem>>) attributes {dimension_semantics = [], scalar_prefetch = 0 : i64, scratch_operands = 0 : i64, tpu.core_type = #tpu.core_type<tc>} {
    %get3A = arith.constant 0 : index
    %get3A_0 = arith.constant 0 : index
    %get3A_1 = arith.constant 0 : index
    %get3A_2 = vector.load %arg0[%get3A, %get3A_0, %get3A_1] : memref<32x8x1024xf32, #tpu.memory_space<vmem>>, vector<32x8x1024xf32>
    %reduce_sum3A = arith.constant dense<0.000000e+00> : vector<8x1024xf32>
    %reduce_sum3A_3 = vector.multi_reduction <add>, %get3A_2, %reduce_sum3A [0] : vector<32x8x1024xf32> to vector<8x1024xf32>
    %slice3A = vector.extract_strided_slice %reduce_sum3A_3 {offsets = [0, 0], sizes = [8, 1000], strides = [1, 1]} : vector<8x1024xf32> to vector<8x1000xf32>
    %swap3A = arith.constant 0 : index
    %swap3A_4 = arith.constant 0 : index
    %swap3A_5 = vector.load %arg1[%swap3A, %swap3A_4] : memref<8x1000xf32, #tpu.memory_space<vmem>>, vector<8x1000xf32>
    tpu.vector_store %arg1[%swap3A, %swap3A_4], %slice3A {strides = array<i32>} : memref<8x1000xf32, #tpu.memory_space<vmem>>, vector<8x1000xf32>,
    return
  }
}

</mosaic_0001>

<sc_bundles>
// kernel: kernel.4.cloned.1.call-start
scs
__scs_entry_jumppad:
0x0: {  	(pc) =	sbr.rel $0x88, $3  }
0x1: {  	(tag) =	ssettag $0x0;
	lr =	simm.s32 $0x1  }
0x2: {  	[smem:$0x3F9B] =	sst lr;
	_ =	strace $0xD0000000  }
0x3: {  	_ = 	snop  }
0x4: {  	_ = 	snop  }
0x5: {  	_ = 	snop  }
0x6: {  	_ = 	snop  }
0x7: {  	_ = 	snop  }
__scs_overlays_trampoline_lowered:
0x8: {  	[smem:$0x3FAA] =	sst s0  }
0x9: {  	[smem:$0x3FAB] =	sst s1  }
0xa: {  	[smem:$0x3FAC] =	sst s2  }
0xb: {  	[smem:$0x3FAD] =	sst s3  }
0xc: {  	[smem:$0x3FAE] =	sst s4  }
0xd: {  	[smem:$0x3FAF] =	sst s5  }
0xe: {  	[smem:$0x3FB0] =	sst s6  }
0xf: {  	[smem:$0x3FB1] =	sst s7  }
0x10: {  	[smem:$0x3FB2] =	sst s8  }
0x11: {  	[smem:$0x3FB3] =	sst s9;
	s0 =	simm.s32 @!p0 $0x0  }
0x12: {  	s1 =	sld [smem:$0x3F99];
	s0 =	simm.s32 @p0 $0x1  }
0x13: {  	[smem:$0x3FB4] =	sst s0;
	s0 =	simm.s32 @!p1 $0x0  }
0x14: {  	s2 =	sld [smem:$0x3F98];
	s0 =	simm.s32 @p1 $0x1  }
0x15: {  	[smem:$0x3FB5] =	sst s0;
	s0 =	simm.s32 @!p2 $0x0  }
0x16: {  	s3 =	sld [smem:$0x3FDB];
	s0 =	simm.s32 @p2 $0x1  }
0x17: {  	s4 =	simm.s32 $0x1BF5;
	[smem:$0x3FB7] =	sst s0  }
0x18: {  	s0 =	sld [smem:$0x3F9A];
	_ =	swait.ge [sflag:s4], $0x0  }
0x19: {  	s7 =	sld [smem:$0x3F9B]  }
0x1a: {  	s8 =	sadd.s32 $0xFFFFE003, lr  }
0x1b: {  	s9 =	sadd.s32 $0xFFFFFEF7, lr;
	s5 =	simm.s32 $0xFFFFFFFF;
	p2 =	slt.u32 s8, $0xFFFFF086  }
0x1c: {  	p1 =	slt.u32 s9, $0xF7A;
	s5 =	simm.s32 @!p2 $0x0  }
0x1d: {  	s5 =	simm.s32 @p1 $0x1;
	p0 =	seq.s32 s7, s2  }
0x1e: {  	s7 =	smul.u32 @!p0 $0xF7A, s2;
	p2 =	seq.s32 @!p0 s5, $0x0  }
0x1f: {  	s9 =	smul.u32 $0xF7A, s1;
	s8 =	simm.s32 @!p0 $0x1BF5;
	p2 =	por !p2, p0  }
0x20: {  	[sflag:s8] =	ssyncset.s32 @!p0 $0xFFFFF086;
	s6 =	sadd.s32 @!p0 s3, s7;
	s7 =	simm.s32 @!p0 $0x108  }
0x21: {  	s3 =	sadd.s32 s3, s9;
	s6 =	sadd.s32 @!p0 $0x88, s6;
	s7 =	simm.s32 @p2 $0x1082  }
0x22: {  	[simem:s7], [sflag:s8] =	dma.local @!p0 [hbm:s6], $0xF7A  }
0x23: {  	s9 =	sor.u32 $0xD0000000, s2;
	s6 =	simm.s32 $0x108;
	_ =	swait.ge @!p0 [sflag:s8], $0x0  }
0x24: {  	s3 =	sadd.s32 $0x88, s3;
	s6 =	simm.s32 @!p1 $0x1082;
	[sflag:s4] =	ssyncset.s32 $0xFFFFF086  }
0x25: {  	[simem:s6], [sflag:s4] =	dma.local [hbm:s3], $0xF7A  }
0x26: {  	[smem:$0x3F9B] =	sst s1;
	(tag) =	ssettag s2;
	_ =	strace s9  }
0x27: {  	s1 =	sld [smem:$0x3FAB]  }
0x28: {  	s2 =	sld [smem:$0x3FAC]  }
0x29: {  	s4 =	sld [smem:$0x3FAE]  }
0x2a: {  	p0 =	seq.s32 s5, $0x0;
	s5 =	sld [smem:$0x3FAF]  }
0x2b: {  	s6 =	sld [smem:$0x3FB0]  }
0x2c: {  	s7 =	sld [smem:$0x3FB1]  }
0x2d: {  	s3 =	simm.s32 $0x108;
	s8 =	sld [smem:$0x3FB2]  }
0x2e: {  	s3 =	simm.s32 @!p0 $0x1082;
	s9 =	sld [smem:$0x3FB3]  }
0x2f: {  	lr =	sadd.s32 s0, s3;
	s0 =	sld [smem:$0x3FAA]  }
0x30: {  	s3 =	sld [smem:$0x3FAD]  }
0x31: {  	[smem:$0x3FB6] =	sst s10  }
0x32: {  	s10 =	sld [smem:$0x3FB4];
	_ =	sdelay $0x3  }
0x33: {  	p0 =	seq.s32 s10, $0x1;
	s10 =	sld [smem:$0x3FB6];
	_ =	sdelay $0x3  }
0x34: {  	[smem:$0x3FB6] =	sst s10  }
0x35: {  	s10 =	sld [smem:$0x3FB5];
	_ =	sdelay $0x3  }
0x36: {  	p1 =	seq.s32 s10, $0x1;
	s10 =	sld [smem:$0x3FB6];
	_ =	sdelay $0x3  }
0x37: {  	[smem:$0x3FB6] =	sst s10  }
0x38: {  	s10 =	sld [smem:$0x3FB7]  }
0x39: {  	_ = 	snop;
	(pc) =	sbr.ind lr, $3  }
0x3a: {  	_ = 	snop  }
0x3b: {  	_ = 	snop  }
0x3c: {  	p2 =	seq.s32 s10, $0x1;
	s10 =	sld [smem:$0x3FB6]  }
0x3d: {  	_ =	shalt  }
0x3e: {  	_ =	shalt  }
0x3f: {  	_ =	shalt  }
0x40: {  	_ =	shalt  }
0x41: {  	_ =	shalt  }
0x42: {  	_ =	shalt  }
0x43: {  	_ =	shalt  }
0x44: {  	_ =	shalt  }
0x45: {  	_ =	shalt  }
0x46: {  	_ =	shalt  }
0x47: {  	_ =	shalt  }
0x48: {  	_ =	shalt  }
0x49: {  	_ =	shalt  }
0x4a: {  	_ =	shalt  }
0x4b: {  	_ =	shalt  }
0x4c: {  	_ =	shalt  }
0x4d: {  	_ =	shalt  }
0x4e: {  	_ =	shalt  }
0x4f: {  	_ =	shalt  }
0x50: {  	_ =	shalt  }
0x51: {  	_ =	shalt  }
0x52: {  	_ =	shalt  }
0x53: {  	_ =	shalt  }
0x54: {  	_ =	shalt  }
0x55: {  	_ =	shalt  }
0x56: {  	_ =	shalt  }
0x57: {  	_ =	shalt  }
0x58: {  	_ =	shalt  }
0x59: {  	_ =	shalt  }
0x5a: {  	_ =	shalt  }
0x5b: {  	_ =	shalt  }
0x5c: {  	_ =	shalt  }
0x5d: {  	_ =	shalt  }
0x5e: {  	_ =	shalt  }
0x5f: {  	_ =	shalt  }
0x60: {  	_ =	shalt  }
0x61: {  	_ =	shalt  }
0x62: {  	_ =	shalt  }
0x63: {  	_ =	shalt  }
0x64: {  	_ =	shalt  }
0x65: {  	_ =	shalt  }
0x66: {  	_ =	shalt  }
0x67: {  	_ =	shalt  }
0x68: {  	_ =	shalt  }
0x69: {  	_ =	shalt  }
0x6a: {  	_ =	shalt  }
0x6b: {  	_ =	shalt  }
0x6c: {  	_ =	shalt  }
0x6d: {  	_ =	shalt  }
0x6e: {  	_ =	shalt  }
0x6f: {  	_ =	shalt  }
0x70: {  	_ =	shalt  }
0x71: {  	_ =	shalt  }
0x72: {  	_ =	shalt  }
0x73: {  	_ =	shalt  }
0x74: {  	_ =	shalt  }
0x75: {  	_ =	shalt  }
0x76: {  	_ =	shalt  }
0x77: {  	_ =	shalt  }
0x78: {  	_ =	shalt  }
0x79: {  	_ =	shalt  }
0x7a: {  	_ =	shalt  }
0x7b: {  	_ =	shalt  }
0x7c: {  	_ =	shalt  }
0x7d: {  	_ =	shalt  }
0x7e: {  	_ =	shalt  }
0x7f: {  	_ =	shalt  }
0x80: {  	_ =	shalt  }
0x81: {  	_ =	shalt  }
0x82: {  	_ =	shalt  }
0x83: {  	_ =	shalt  }
0x84: {  	_ =	shalt  }
0x85: {  	_ =	shalt  }
0x86: {  	_ =	shalt  }
0x87: {  	_ =	shalt  }
.Lfunc_end0:
.L_simem_size_0:
called_computation_lowered:
.L_overlay_start_0:
0x88: {  	s2 =	sld [smem:$0x3FD9]  }
0x89: {  	s3 =	sld [smem:$0x3FFE];
	_ =	sdelay $0x1  }
0x8a: {  	s1 =	srdreg.scid  }
0x8b: {  	s0 =	sand.u32 $0x1, s1  }
0x8c: {  	s17 =	sshll.u32 s0, $0xA;
	s2 =	sadd.s32 s3, s2  }
0x8d: {  	s2 =	sadd.s32 s2, s17  }
0x8e: {  	[smem:$0x3FC2] =	sst s2  }
0x8f: {  	_ = 	snop  }
0x90: {  	s2 =	sld [smem:$0x3FC9]  }
0x91: {  	s18 =	sld [smem:$0x3FC8]  }
0x92: {  	s4 =	sld [smem:$0x3FC7]  }
0x93: {  	s5 =	sld [smem:$0x3FC6]  }
0x94: {  	s6 =	sld [smem:$0x3FC5]  }
0x95: {  	s7 =	sld [smem:$0x3FC4];
	(tm) =	ssettm $0x1  }
0x96: {  	s8 =	sld [smem:$0x3FFB];
	_ =	sdelay $0x3  }
0x97: {  	_ =	strace s8  }
0x98: {  	s8 =	sld [smem:$0x3FFC];
	_ =	sdelay $0x3  }
0x99: {  	_ =	strace s8  }
0x9a: {  	s8 =	sld [smem:$0x3FFD];
	_ =	sdelay $0x3  }
0x9b: {  	_ =	strace s8  }
0x9c: {  	_ =	strace $0x8FFFFFFF  }
0x9d: {  	s19 =	sld [smem:$0x3FDB];
	_ =	sdelay $0x1  }
0x9e: {  	s9 =	simm.s32 $_scs_section_size  }
0x9f: {  	s10 =	simm.s32 $_size__tile_overlayer_lowered;
	s11 =	simm.s32 $_tile_overlayer_lowered  }
0xa0: {  	s22 =	simm.s32 $0x1BFF;
	s21 =	sshll.u32 s11, $0x1;
	s8 =	sadd.s32 s9, s19  }
0xa1: {  	s12 =	simm.s32 $0x0;
	s20 =	sshll.u32 s10, $0x1;
	s10 =	sadd.s32 s21, s8  }
0xa2: {  	[timem:s12], [sflag:s22] =	dma.local [hbm:s10], s20  }
0xa3: {  	_ =	swait.ge [sflag:s22], s20  }
0xa4: {  	s9 =	ssub.s32 $0x0, s20;
	[sflag:s22] =	ssyncset.done $0x0  }
0xa5: {  	[sflag:s22] =	ssyncadd.s32 s9;
	_ =	sdelay $0x1  }
0xa6: {  	s23 =	simm.s32 $0x1B8B  }
0xa7: {  	_ =	swait.ge [sflag:s23], $0x1  }
0xa8: {  	[sflag:s23] =	ssyncset.done $0x0  }
0xa9: {  	s25 =	simm.s32 $0x1B8E;
	s24 =	sld [smem:$0x3FFE];
	[sflag:s23] =	ssyncadd.s32 $0xFFFFFFFF  }
0xaa: {  	s26 =	simm.s32 $execute0_lowered;
	[smem:$0x3FD2] =	sst s25  }
0xab: {  	s10 =	sshll.u32 s26, $0x1;
	_ =	strace $0x80000046;
	[dreg:$0x1] =	wrdreg $0xFFFFFFFF  }
0xac: {  	s28 =	simm.s32 $_size_execute0_lowered;
	s8 =	sadd.s32 s8, s10;
	[dreg:$0x0] =	wrdreg $0x0  }
0xad: {  	s10 =	sshll.u32 s28, $0x1;
	[dreg:$0x2] =	wrdreg s8  }
0xae: {  	[dreg:$0x3] =	wrdreg s10  }
0xaf: {  	[dreg:$0x4] =	wrdreg $0xC0  }
0xb0: {  	_ =	task [dreg:s12], $0x5FFFF  }
0xb1: {  	[dreg:$0x1] =	wrdreg $0xFFFFFFFF  }
0xb2: {  	[dreg:$0x0] =	wrdreg $0x60  }
0xb3: {  	[dreg:$0x2] =	wrdreg s2  }
0xb4: {  	[dreg:$0x3] =	wrdreg s18  }
0xb5: {  	[dreg:$0x4] =	wrdreg s4  }
0xb6: {  	[dreg:$0x5] =	wrdreg s5  }
0xb7: {  	[dreg:$0x6] =	wrdreg s6  }
0xb8: {  	[dreg:$0x7] =	wrdreg s7  }
0xb9: {  	[dreg:$0x8] =	wrdreg s24  }
0xba: {  	[dreg:$0x9] =	wrdreg $0x9  }
0xbb: {  	_ =	task.clear_ibuf [dreg:s12], $0xAFFFF;
	_ =	strace $0x90000046  }
0xbc: {  	s29 =	simm.s32 $0x9;
	_ =	strace $0x80000048  }
0xbd: {  	_ =	swait.ge [sflag:s29], $0x1  }
0xbe: {  	[sflag:s29] =	ssyncadd.s32 $0xFFFFFFFF  }
0xbf: {  	_ =	strace $0x90000048  }
0xc0: {  	_ =	sfence  }
0xc1: {  	s30 =	sld [smem:$0x0];
	_ =	sdelay $0x2  }
0xc2: {  	s31 =	sshll.u32 s1, $0xD;
	s1 =	sshrl.u32 s1, $0x2  }
0xc3: {  	s3 =	sand.u32 $0x4000, s31;
	s1 =	sadd.s32 s1, s30  }
0xc4: {  	s0 =	sor.u32 s3, s0;
	s1 =	sshll.u32 s1, $0x11  }
0xc5: {  	s0 =	sor.u32 s1, s0  }
0xc6: {  	s0 =	sadd.s32 $0x8F2B, s0  }
0xc7: {  	[sflag:s0] =	ssyncadd.remote.s32 $0x1  }
0xc8: {  	_ =	sfence.sel $0xFFFF  }
0xc9: {  	[dreg:$0x0] =	wrdreg $0xFFFFFFFF;
	(pc) =	sbr.abs _section_cstart, $3  }
0xca: {  	[dreg:$0x1] =	wrdreg $0xFFFFFFFF  }
0xcb: {  	_ =	task.clear_ibuf [dreg:s12], $0x2FFFF;
	_ =	strace $0x9FFFFFFF  }
0xcc: {  	(tm) =	ssettm $0x7FFFFFFF  }
0xcd: {  	_ =	shalt  }
tec
execute0_lowered:
.L_overlay_start_1:
0x0: {  	(tag) =	ssettag $0x1  }
0x1: {  	s0 =	rddreg [dreg:$0x0]  }
0x2: {  	s1 =	rddreg [dreg:$0x1]  }
0x3: {  	s2 =	rddreg [dreg:$0x2]  }
0x4: {  	s5 =	rddreg [dreg:$0x4]  }
0x5: {  	s3 =	srdreg.scid;
	s10 =	stileid.u32  }
0x6: {  	s4 =	rddreg [dreg:$0x6];
	s8 =	simm.s32 $0x0;
	s31 =	simm.s32 $0x3  }
0x7: {  	s3 =	sand.u32 $0x1, s3;
	s6 =	sshll.u32 s10, $0x1;
	[smem:$0x7FF] =	sst s8  }
0x8: {  	p0 =	slt.u32 s10, $0x6;
	s10 =	simm.s32 $0x18F00;
	s6 =	sor.u32 s3, s6  }
0x9: {  	s7 =	smin.u32 s6, $0xC;
	s9 =	smul.u32 $0xC800, s6;
	s6 =	sshll.u32 s6, $0xA  }
0xa: {  	s3 =	ssub.s32 $0x2, s3;
	_ =	strace $0x80000047;
	s4 =	sadd.s32 s6, s4  }
0xb: {  	s12 =	sshrl.u32 s3, $0x1;
	s7 =	smul.u32 $0xFFFFF380, s7;
	s21 =	sadd.s32 $0x600, s4  }
0xc: {  	s3 =	ssub.s32 s3, s12;
	s22 =	sadd.s32 $0x610, s4;
	[dreg:$0x10] =	wrdreg s21  }
0xd: {  	s12 =	simm.s32 $0x19700;
	s23 =	sadd.s32 $0x620, s4;
	[dreg:$0x11] =	wrdreg s22  }
0xe: {  	s24 =	sadd.s32 $0x630, s4;
	s25 =	sadd.s32 $0x640, s4;
	[dreg:$0x12] =	wrdreg s23  }
0xf: {  	s26 =	sadd.s32 $0x650, s4;
	s28 =	sadd.s32 $0x660, s4;
	[dreg:$0x13] =	wrdreg s24  }
0x10: {  	s4 =	sadd.s32 $0x670, s4;
	s29 =	smax.u32 s3, $0x1;
	[dreg:$0x14] =	wrdreg s25  }
0x11: {  	s3 =	simm.s32 $0x18700;
	s7 =	sadd.s32 s9, s7;
	[dreg:$0x15] =	wrdreg s26  }
0x12: {  	s9 =	simm.s32 $0xF;
	[dreg:$0x16] =	wrdreg s28;
	s13 =	sshrl.u32 s7, $0x3  }
0x13: {  	[dreg:$0x17] =	wrdreg s4;
	s4 =	simm.s32 $0x18B00;
	s14 =	sadd.s32 s0, s13  }
0x14: {  	s21 =	simm.s32 $0x0;
	s15 =	sadd.s32 s1, s13;
	[dreg:$0x8] =	wrdreg s14  }
0x15: {  	s9 =	simm.s32 @!p0 $0x10;
	s11 =	sadd.s32 s2, s13;
	[dreg:$0x9] =	wrdreg s15  }
0x16: {  	s16 =	sadd.s32 $0xC8, s13;
	s6 =	sadd.s32 s5, s13;
	[dreg:$0xa] =	wrdreg s11  }
0x17: {  	s30 =	sadd.s32 $0xFFFFFFFF, s9;
	s13 =	simm.s32 $0x19B00;
	[dreg:$0xb] =	wrdreg s6  }
0x18: {  	s17 =	sadd.s32 s0, s16;
	s18 =	sadd.s32 s1, s16;
	s19 =	sadd.s32 s2, s16  }
0x19: {  	s20 =	sadd.s32 s5, s16;
	s6 =	simm.s32 $0x1;
	[dreg:$0xc] =	wrdreg s17  }
0x1a: {  	s11 =	simm.s32 $0x19300;
	s14 =	simm.s32 $0x19F00;
	[dreg:$0xd] =	wrdreg s18  }
0x1b: {  	s15 =	simm.s32 $0x1A300;
	s16 =	simm.s32 $0x2;
	[dreg:$0xe] =	wrdreg s19  }
0x1c: {  	[dreg:$0xf] =	wrdreg s20;
	s18 =	sadd.s32 $0xC80, s7;
	s19 =	sadd.s32 $0x12C0, s7  }
0x1d: {  	v0 =	vimm.f32 $0.0e+00;
	s7 =	simm.s32 $0x4;
	s17 =	simm.s32 $0x80;
	s20 =	simm.s32 $0x400  }
.LBB2_1:
0x1e: {  	s22 =	rddreg [dreg:$0x8];
	s23 =	simm.s32 $0x1A700  }
0x1f: {  	[tilespmem:s23], [sflag:$0x1] =	stream.linear.gather [hbm4b:s22+s8], $0x640, $0x38;
	[tilespmem:$0x1DB80] =	vst v63  }
0x20: {  	s24 =	rddreg [dreg:$0x9];
	s25 =	simm.s32 $0x1B400  }
0x21: {  	[tilespmem:s25], [sflag:$0x1] =	stream.linear.gather [hbm4b:s24+s8], $0x640, $0x38;
	[tilespmem:$0x1DB80] =	vst v63  }
0x22: {  	s26 =	rddreg [dreg:$0xa];
	s28 =	simm.s32 $0x1C100  }
0x23: {  	[tilespmem:s28], [sflag:$0x1] =	stream.linear.gather [hbm4b:s26+s8], $0x640, $0x38;
	[tilespmem:$0x1DB80] =	vst v63  }
0x24: {  	s24 =	rddreg [dreg:$0xb];
	s25 =	simm.s32 $0x1CE00  }
0x25: {  	[tilespmem:s25], [sflag:$0x1] =	stream.linear.gather [hbm4b:s24+s8], $0x640, $0x38;
	[tilespmem:$0x1DB80] =	vst v63  }
0x26: {  	s26 =	rddreg [dreg:$0xc];
	s28 =	simm.s32 $0x1AD80  }
0x27: {  	[tilespmem:s28], [sflag:$0x2] =	stream.linear.gather [hbm4b:s26+s8], $0x640, $0x38;
	[tilespmem:$0x1DB80] =	vst v63  }
0x28: {  	s24 =	rddreg [dreg:$0xd];
	s25 =	simm.s32 $0x1BA80  }
0x29: {  	[tilespmem:s25], [sflag:$0x2] =	stream.linear.gather [hbm4b:s24+s8], $0x640, $0x38;
	[tilespmem:$0x1DB80] =	vst v63  }
0x2a: {  	s26 =	rddreg [dreg:$0xe];
	s28 =	simm.s32 $0x1C780  }
0x2b: {  	[tilespmem:s28], [sflag:$0x2] =	stream.linear.gather [hbm4b:s26+s8], $0x640, $0x38;
	[tilespmem:$0x1DB80] =	vst v63  }
0x2c: {  	s23 =	rddreg [dreg:$0xf];
	s24 =	simm.s32 $0x1D480  }
0x2d: {  	[tilespmem:s24], [sflag:$0x2] =	stream.linear.gather [hbm4b:s23+s8], $0x640, $0x38;
	[tilespmem:$0x1DB80] =	vst v63  }
0x2e: {  	s25 =	rddreg [dreg:$0x5]  }
0x2f: {  	[tilespmem:s8], [sflag:$0x3] =	stream.linear.gather [hbm4b:s25+s8], $0x18700, $0x38;
	[tilespmem:$0x1DB80] =	vst v63  }
0x30: {  	s26 =	rddreg [dreg:$0x3];
	s28 =	simm.s32 $0x1DB00  }
0x31: {  	[tilespmem:s28], [sflag:$0x4] =	stream.linear.gather [hbm4b:s26+s8], $0x8, $0x38;
	[tilespmem:$0x1DB80] =	vst v63  }
0x32: {  	_ =	swait.ge [sflag:s7], $0x8  }
0x33: {  	[sflag:s7] =	ssyncset.done $0x0  }
0x34: {  	s22 =	simm.s32 $0x0;
	s23 =	simm.s32 $0x40;
	[sflag:s7] =	ssyncadd.s32 $0xFFFFFFF8  }
.LBB2_2:
0x35: {  	p0 =	sne.s32 s23, $0xFC0;
	[tilespmem:s22+$0x1A300] =	vst v0  }
0x36: {  	[tilespmem:s22+$0x18700] =	vst v0  }
0x37: {  	[tilespmem:s22+$0x18B00] =	vst v0  }
.Ltmp0:
0x38: {  	[tilespmem:s22+$0x18F00] =	vst v0;
	(pc) =	sbr.rel @p0 .LBB2_2-.Ltmp0, $4  }
0x39: {  	[tilespmem:s22+$0x19300] =	vst v0  }
0x3a: {  	[tilespmem:s22+$0x19700] =	vst v0  }
0x3b: {  	[tilespmem:s22+$0x19B00] =	vst v0  }
0x3c: {  	[tilespmem:s22+$0x19F00] =	vst v0;
	s22 =	sshra.s32 s23, $0x2;
	s23 =	sadd.s32 $0x40, s23  }
0x3d: {  	[tilespmem:s22+$0x1A300] =	vst v0  }
0x3e: {  	[tilespmem:s22+$0x18700] =	vst v0  }
0x3f: {  	[tilespmem:s22+$0x18B00] =	vst v0  }
0x40: {  	[tilespmem:s22+$0x18F00] =	vst v0  }
0x41: {  	[tilespmem:s22+$0x19300] =	vst v0  }
0x42: {  	[tilespmem:s22+$0x19700] =	vst v0  }
0x43: {  	[tilespmem:s22+$0x19B00] =	vst v0  }
0x44: {  	[tilespmem:s22+$0x19F00] =	vst v0  }
0x45: {  	_ =	swait.ge [sflag:s31], $0x18700  }
0x46: {  	[sflag:s31] =	ssyncset.done $0x0  }
0x47: {  	[sflag:s31] =	ssyncadd.s32 $0xFFFE7900  }
0x48: {  	v8 =	vld [tilespmem:$0x1DB00];
	_ =	sdelay $0x4  }
0x49: {  	v1 =	vbroadcast v8, $0x0;
	v2 =	vbroadcast v8, $0x1  }
0x4a: {  	v3 =	vbroadcast v8, $0x2;
	v4 =	vbroadcast v8, $0x3  }
0x4b: {  	v5 =	vbroadcast v8, $0x4;
	v6 =	vbroadcast v8, $0x5  }
0x4c: {  	s22 =	simm.s32 $0x0;
	v7 =	vbroadcast v8, $0x6;
	v8 =	vbroadcast v8, $0x7  }
.LBB2_4:
0x4d: {  	_ =	swait.ge [sflag:s6], $0x640  }
0x4e: {  	[sflag:s6] =	ssyncset.done $0x0  }
0x4f: {  	[sflag:s6] =	ssyncadd.s32 $0xFFFFF9C0  }
0x50: {  	_ =	swait.ge [sflag:s6], $0x640  }
0x51: {  	[sflag:s6] =	ssyncset.done $0x0  }
0x52: {  	[sflag:s6] =	ssyncadd.s32 $0xFFFFF9C0  }
0x53: {  	_ =	swait.ge [sflag:s6], $0x640  }
0x54: {  	[sflag:s6] =	ssyncset.done $0x0  }
0x55: {  	[sflag:s6] =	ssyncadd.s32 $0xFFFFF9C0  }
0x56: {  	_ =	swait.ge [sflag:s6], $0x640  }
0x57: {  	[sflag:s6] =	ssyncset.done $0x0  }
0x58: {  	s23 =	simm.s32 $0x0;
	[sflag:s6] =	ssyncadd.s32 $0xFFFFF9C0  }
.LBB2_5:
0x59: {  	s24 =	sshra.s32 s23, $0x2  }
0x5a: {  	v9 =	vld [tilespmem:s24+$0x1CE00];
	_ =	sdelay $0x2  }
0x5b: {  	v10 =	vld [tilespmem:s24+$0x1B400]  }
0x5c: {  	v11 =	vld [tilespmem:s24+$0x1C100];
	_ =	sdelay $0x3  }
0x5d: {  	v9 =	vld.idx.msk [tilespmem:v9+s8+$0x0], $0xffff  }
0x5e: {  	vm0 =	vle.f32 v10, v1;
	vm1 =	vlt.f32 v1, v11  }
0x5f: {  	vm6 =	vle.f32 v10, v2;
	vm2 =	vlt.f32 v2, v11;
	vm0 =	vmand vm0, vm1  }
0x60: {  	v12 =	vld [tilespmem:s24+$0x1A700];
	vm7 =	vle.f32 v10, v3;
	vm3 =	vlt.f32 v3, v11;
	vm1 =	vmand vm6, vm2  }
0x61: {  	vm8 =	vle.f32 v10, v4;
	vm4 =	vlt.f32 v4, v11;
	vm2 =	vmand vm7, vm3  }
0x62: {  	vm9 =	vle.f32 v10, v5;
	vm5 =	vlt.f32 v5, v11;
	vm3 =	vmand vm8, vm4  }
0x63: {  	vm10 =	vle.f32 v10, v6;
	vm4 =	vmand vm9, vm5;
	vm6 =	vlt.f32 v6, v11  }
0x64: {  	vm11 =	vle.f32 v10, v7;
	vm7 =	vlt.f32 v7, v11;
	vm5 =	vmand vm10, vm6  }
0x65: {  	vm13 =	vle.f32 v10, v8;
	vm14 =	vlt.f32 v8, v11;
	vm12 =	vmand vm11, vm7;
	[tilespmem:v9+s3+$0x0] =	vst.idx.add.f32.msk vm0, v12  }
0x66: {  	vm15 =	vmand vm13, vm14;
	[tilespmem:v9+s4+$0x0] =	vst.idx.add.f32.msk vm1, v12  }
0x67: {  	[tilespmem:v9+s10+$0x0] =	vst.idx.add.f32.msk vm2, v12  }
0x68: {  	[tilespmem:v9+s11+$0x0] =	vst.idx.add.f32.msk vm3, v12  }
0x69: {  	[tilespmem:v9+s12+$0x0] =	vst.idx.add.f32.msk vm4, v12  }
0x6a: {  	[tilespmem:v9+s13+$0x0] =	vst.idx.add.f32.msk vm5, v12  }
0x6b: {  	[tilespmem:v9+s14+$0x0] =	vst.idx.add.f32.msk vm12, v12  }
0x6c: {  	[tilespmem:v9+s15+$0x0] =	vst.idx.add.f32.msk vm15, v12  }
0x6d: {  	v9 =	vld [tilespmem:s24+$0x1CE10];
	_ =	sdelay $0x2  }
0x6e: {  	v10 =	vld [tilespmem:s24+$0x1B410]  }
0x6f: {  	v11 =	vld [tilespmem:s24+$0x1C110];
	_ =	sdelay $0x3  }
0x70: {  	v9 =	vld.idx.msk [tilespmem:v9+s8+$0x0], $0xffff  }
0x71: {  	vm5 =	vle.f32 v10, v1;
	vm6 =	vlt.f32 v1, v11  }
0x72: {  	vm7 =	vle.f32 v10, v2;
	vm8 =	vlt.f32 v2, v11;
	vm0 =	vmand vm5, vm6  }
0x73: {  	v12 =	vld [tilespmem:s24+$0x1A710];
	vm9 =	vle.f32 v10, v3;
	vm10 =	vlt.f32 v3, v11;
	vm1 =	vmand vm7, vm8  }
0x74: {  	vm11 =	vle.f32 v10, v4;
	vm12 =	vlt.f32 v4, v11;
	vm2 =	vmand vm9, vm10  }
0x75: {  	vm13 =	vle.f32 v10, v5;
	vm14 =	vlt.f32 v5, v11;
	vm3 =	vmand vm11, vm12  }
0x76: {  	vm15 =	vle.f32 v10, v6;
	vm4 =	vmand vm13, vm14;
	vm9 =	vlt.f32 v6, v11  }
0x77: {  	vm10 =	vle.f32 v10, v7;
	vm11 =	vlt.f32 v7, v11;
	vm5 =	vmand vm15, vm9  }
0x78: {  	vm13 =	vle.f32 v10, v8;
	vm14 =	vlt.f32 v8, v11;
	vm12 =	vmand vm10, vm11;
	[tilespmem:v9+s3+$0x0] =	vst.idx.add.f32.msk vm0, v12  }
0x79: {  	vm15 =	vmand vm13, vm14;
	[tilespmem:v9+s4+$0x0] =	vst.idx.add.f32.msk vm1, v12  }
0x7a: {  	[tilespmem:v9+s10+$0x0] =	vst.idx.add.f32.msk vm2, v12  }
0x7b: {  	[tilespmem:v9+s11+$0x0] =	vst.idx.add.f32.msk vm3, v12  }
0x7c: {  	[tilespmem:v9+s12+$0x0] =	vst.idx.add.f32.msk vm4, v12  }
0x7d: {  	[tilespmem:v9+s13+$0x0] =	vst.idx.add.f32.msk vm5, v12  }
0x7e: {  	[tilespmem:v9+s14+$0x0] =	vst.idx.add.f32.msk vm12, v12  }
0x7f: {  	[tilespmem:v9+s15+$0x0] =	vst.idx.add.f32.msk vm15, v12  }
0x80: {  	v9 =	vld [tilespmem:s24+$0x1CE20];
	_ =	sdelay $0x2  }
0x81: {  	v10 =	vld [tilespmem:s24+$0x1B420]  }
0x82: {  	v11 =	vld [tilespmem:s24+$0x1C120];
	_ =	sdelay $0x3  }
0x83: {  	v9 =	vld.idx.msk [tilespmem:v9+s8+$0x0], $0xffff  }
0x84: {  	vm5 =	vle.f32 v10, v1;
	vm6 =	vlt.f32 v1, v11  }
0x85: {  	vm7 =	vle.f32 v10, v2;
	vm8 =	vlt.f32 v2, v11;
	vm0 =	vmand vm5, vm6  }
0x86: {  	v12 =	vld [tilespmem:s24+$0x1A720];
	vm9 =	vle.f32 v10, v3;
	vm10 =	vlt.f32 v3, v11;
	vm1 =	vmand vm7, vm8  }
0x87: {  	vm11 =	vle.f32 v10, v4;
	vm12 =	vlt.f32 v4, v11;
	vm2 =	vmand vm9, vm10  }
0x88: {  	vm13 =	vle.f32 v10, v5;
	vm14 =	vlt.f32 v5, v11;
	vm3 =	vmand vm11, vm12  }
0x89: {  	vm15 =	vle.f32 v10, v6;
	vm4 =	vmand vm13, vm14;
	vm9 =	vlt.f32 v6, v11  }
0x8a: {  	vm10 =	vle.f32 v10, v7;
	vm11 =	vlt.f32 v7, v11;
	vm5 =	vmand vm15, vm9  }
0x8b: {  	vm13 =	vle.f32 v10, v8;
	vm14 =	vlt.f32 v8, v11;
	vm12 =	vmand vm10, vm11;
	[tilespmem:v9+s3+$0x0] =	vst.idx.add.f32.msk vm0, v12  }
0x8c: {  	vm15 =	vmand vm13, vm14;
	[tilespmem:v9+s4+$0x0] =	vst.idx.add.f32.msk vm1, v12  }
0x8d: {  	[tilespmem:v9+s10+$0x0] =	vst.idx.add.f32.msk vm2, v12  }
0x8e: {  	[tilespmem:v9+s11+$0x0] =	vst.idx.add.f32.msk vm3, v12  }
0x8f: {  	[tilespmem:v9+s12+$0x0] =	vst.idx.add.f32.msk vm4, v12  }
0x90: {  	[tilespmem:v9+s13+$0x0] =	vst.idx.add.f32.msk vm5, v12  }
0x91: {  	[tilespmem:v9+s14+$0x0] =	vst.idx.add.f32.msk vm12, v12  }
0x92: {  	[tilespmem:v9+s15+$0x0] =	vst.idx.add.f32.msk vm15, v12  }
0x93: {  	v9 =	vld [tilespmem:s24+$0x1CE30];
	_ =	sdelay $0x2  }
0x94: {  	v10 =	vld [tilespmem:s24+$0x1B430]  }
0x95: {  	v11 =	vld [tilespmem:s24+$0x1C130];
	_ =	sdelay $0x3  }
0x96: {  	v9 =	vld.idx.msk [tilespmem:v9+s8+$0x0], $0xffff  }
0x97: {  	vm5 =	vle.f32 v10, v1;
	vm6 =	vlt.f32 v1, v11  }
0x98: {  	vm7 =	vle.f32 v10, v2;
	vm8 =	vlt.f32 v2, v11;
	vm0 =	vmand vm5, vm6  }
0x99: {  	v12 =	vld [tilespmem:s24+$0x1A730];
	vm9 =	vle.f32 v10, v3;
	vm10 =	vlt.f32 v3, v11;
	vm1 =	vmand vm7, vm8  }
0x9a: {  	vm11 =	vle.f32 v10, v4;
	vm12 =	vlt.f32 v4, v11;
	vm2 =	vmand vm9, vm10  }
0x9b: {  	vm13 =	vle.f32 v10, v5;
	vm14 =	vlt.f32 v5, v11;
	vm3 =	vmand vm11, vm12  }
0x9c: {  	vm15 =	vle.f32 v10, v6;
	vm4 =	vmand vm13, vm14;
	vm9 =	vlt.f32 v6, v11  }
0x9d: {  	vm10 =	vle.f32 v10, v7;
	vm11 =	vlt.f32 v7, v11;
	vm5 =	vmand vm15, vm9  }
0x9e: {  	vm13 =	vle.f32 v10, v8;
	vm14 =	vlt.f32 v8, v11;
	vm12 =	vmand vm10, vm11;
	[tilespmem:v9+s3+$0x0] =	vst.idx.add.f32.msk vm0, v12  }
0x9f: {  	vm15 =	vmand vm13, vm14;
	[tilespmem:v9+s4+$0x0] =	vst.idx.add.f32.msk vm1, v12  }
0xa0: {  	[tilespmem:v9+s10+$0x0] =	vst.idx.add.f32.msk vm2, v12  }
0xa1: {  	[tilespmem:v9+s11+$0x0] =	vst.idx.add.f32.msk vm3, v12  }
0xa2: {  	[tilespmem:v9+s12+$0x0] =	vst.idx.add.f32.msk vm4, v12  }
0xa3: {  	[tilespmem:v9+s13+$0x0] =	vst.idx.add.f32.msk vm5, v12  }
0xa4: {  	[tilespmem:v9+s14+$0x0] =	vst.idx.add.f32.msk vm12, v12  }
0xa5: {  	[tilespmem:v9+s15+$0x0] =	vst.idx.add.f32.msk vm15, v12  }
0xa6: {  	v9 =	vld [tilespmem:s24+$0x1CE40];
	_ =	sdelay $0x2  }
0xa7: {  	v10 =	vld [tilespmem:s24+$0x1B440]  }
0xa8: {  	v11 =	vld [tilespmem:s24+$0x1C140];
	_ =	sdelay $0x3  }
0xa9: {  	v9 =	vld.idx.msk [tilespmem:v9+s8+$0x0], $0xffff  }
0xaa: {  	vm5 =	vle.f32 v10, v1;
	vm6 =	vlt.f32 v1, v11  }
0xab: {  	vm7 =	vle.f32 v10, v2;
	vm8 =	vlt.f32 v2, v11;
	vm0 =	vmand vm5, vm6  }
0xac: {  	v12 =	vld [tilespmem:s24+$0x1A740];
	vm9 =	vle.f32 v10, v3;
	vm10 =	vlt.f32 v3, v11;
	vm1 =	vmand vm7, vm8  }
0xad: {  	vm11 =	vle.f32 v10, v4;
	vm12 =	vlt.f32 v4, v11;
	vm2 =	vmand vm9, vm10  }
0xae: {  	vm13 =	vle.f32 v10, v5;
	vm14 =	vlt.f32 v5, v11;
	vm3 =	vmand vm11, vm12  }
0xaf: {  	vm15 =	vle.f32 v10, v6;
	vm4 =	vmand vm13, vm14;
	vm9 =	vlt.f32 v6, v11  }
0xb0: {  	vm10 =	vle.f32 v10, v7;
	vm11 =	vlt.f32 v7, v11;
	vm5 =	vmand vm15, vm9  }
0xb1: {  	vm13 =	vle.f32 v10, v8;
	vm14 =	vlt.f32 v8, v11;
	vm12 =	vmand vm10, vm11;
	[tilespmem:v9+s3+$0x0] =	vst.idx.add.f32.msk vm0, v12  }
0xb2: {  	vm15 =	vmand vm13, vm14;
	[tilespmem:v9+s4+$0x0] =	vst.idx.add.f32.msk vm1, v12  }
0xb3: {  	p0 =	sne.s32 s23, $0x17C0;
	[tilespmem:v9+s10+$0x0] =	vst.idx.add.f32.msk vm2, v12  }
.Ltmp1:
0xb4: {  	[tilespmem:v9+s11+$0x0] =	vst.idx.add.f32.msk vm3, v12;
	(pc) =	sbr.rel @p0 .LBB2_5-.Ltmp1, $4  }
0xb5: {  	[tilespmem:v9+s12+$0x0] =	vst.idx.add.f32.msk vm4, v12  }
0xb6: {  	[tilespmem:v9+s13+$0x0] =	vst.idx.add.f32.msk vm5, v12  }
0xb7: {  	[tilespmem:v9+s14+$0x0] =	vst.idx.add.f32.msk vm12, v12  }
0xb8: {  	s23 =	sadd.s32 $0x140, s23;
	[tilespmem:v9+s15+$0x0] =	vst.idx.add.f32.msk vm15, v12  }
0xb9: {  	p0 =	sge.s32 s22, s30  }
0xba: {  	s23 =	smul.u32 @!p0 $0xC80, s22;
	_ =	sdelay $0x1  }
0xbb: {  	s24 =	sadd.s32 @!p0 s23, s18  }
0xbc: {  	s24 =	sshrl.u32 @!p0 s24, $0x3  }
0xbd: {  	s26 =	simm.s32 @!p0 $0x0;
	s28 =	simm.s32 @!p0 $0x1A700;
	s25 =	sadd.s32 @!p0 s0, s24  }
0xbe: {  	[tilespmem:s28], [sflag:$0x1] =	stream.linear.gather @!p0 [hbm4b:s25+s26], $0x640, $0x38;
	[tilespmem:$0x1DB80] =	vst v63  }
0xbf: {  	s25 =	sadd.s32 @!p0 s1, s24;
	s28 =	simm.s32 @!p0 $0x1B400  }
0xc0: {  	[tilespmem:s28], [sflag:$0x1] =	stream.linear.gather @!p0 [hbm4b:s25+s26], $0x640, $0x38;
	[tilespmem:$0x1DB80] =	vst v63  }
0xc1: {  	s25 =	sadd.s32 @!p0 s2, s24;
	s28 =	simm.s32 @!p0 $0x1C100  }
0xc2: {  	[tilespmem:s28], [sflag:$0x1] =	stream.linear.gather @!p0 [hbm4b:s25+s26], $0x640, $0x38;
	[tilespmem:$0x1DB80] =	vst v63  }
0xc3: {  	s24 =	sadd.s32 @!p0 s5, s24;
	s25 =	simm.s32 @!p0 $0x1CE00  }
0xc4: {  	[tilespmem:s25], [sflag:$0x1] =	stream.linear.gather @!p0 [hbm4b:s24+s26], $0x640, $0x38;
	[tilespmem:$0x1DB80] =	vst v63  }
0xc5: {  	_ =	swait.ge [sflag:s16], $0x640  }
0xc6: {  	[sflag:s16] =	ssyncset.done $0x0  }
0xc7: {  	[sflag:s16] =	ssyncadd.s32 $0xFFFFF9C0  }
0xc8: {  	_ =	swait.ge [sflag:s16], $0x640  }
0xc9: {  	[sflag:s16] =	ssyncset.done $0x0  }
0xca: {  	[sflag:s16] =	ssyncadd.s32 $0xFFFFF9C0  }
0xcb: {  	_ =	swait.ge [sflag:s16], $0x640  }
0xcc: {  	[sflag:s16] =	ssyncset.done $0x0  }
0xcd: {  	[sflag:s16] =	ssyncadd.s32 $0xFFFFF9C0  }
0xce: {  	_ =	swait.ge [sflag:s16], $0x640  }
0xcf: {  	[sflag:s16] =	ssyncset.done $0x0  }
0xd0: {  	s24 =	simm.s32 $0x0;
	[sflag:s16] =	ssyncadd.s32 $0xFFFFF9C0  }
.LBB2_7:
0xd1: {  	s25 =	sshra.s32 s24, $0x2  }
0xd2: {  	v9 =	vld [tilespmem:s25+$0x1D480];
	_ =	sdelay $0x2  }
0xd3: {  	v10 =	vld [tilespmem:s25+$0x1BA80]  }
0xd4: {  	v11 =	vld [tilespmem:s25+$0x1C780];
	_ =	sdelay $0x3  }
0xd5: {  	v9 =	vld.idx.msk [tilespmem:v9+s8+$0x0], $0xffff  }
0xd6: {  	vm0 =	vle.f32 v10, v1;
	vm1 =	vlt.f32 v1, v11  }
0xd7: {  	vm6 =	vle.f32 v10, v2;
	vm2 =	vlt.f32 v2, v11;
	vm0 =	vmand vm0, vm1  }
0xd8: {  	v12 =	vld [tilespmem:s25+$0x1AD80];
	vm7 =	vle.f32 v10, v3;
	vm3 =	vlt.f32 v3, v11;
	vm1 =	vmand vm6, vm2  }
0xd9: {  	vm8 =	vle.f32 v10, v4;
	vm4 =	vlt.f32 v4, v11;
	vm2 =	vmand vm7, vm3  }
0xda: {  	vm9 =	vle.f32 v10, v5;
	vm5 =	vlt.f32 v5, v11;
	vm3 =	vmand vm8, vm4  }
0xdb: {  	vm10 =	vle.f32 v10, v6;
	vm4 =	vmand vm9, vm5;
	vm6 =	vlt.f32 v6, v11  }
0xdc: {  	vm11 =	vle.f32 v10, v7;
	vm7 =	vlt.f32 v7, v11;
	vm5 =	vmand vm10, vm6  }
0xdd: {  	vm13 =	vle.f32 v10, v8;
	vm14 =	vlt.f32 v8, v11;
	vm12 =	vmand vm11, vm7;
	[tilespmem:v9+s3+$0x0] =	vst.idx.add.f32.msk vm0, v12  }
0xde: {  	vm15 =	vmand vm13, vm14;
	[tilespmem:v9+s4+$0x0] =	vst.idx.add.f32.msk vm1, v12  }
0xdf: {  	[tilespmem:v9+s10+$0x0] =	vst.idx.add.f32.msk vm2, v12  }
0xe0: {  	[tilespmem:v9+s11+$0x0] =	vst.idx.add.f32.msk vm3, v12  }
0xe1: {  	[tilespmem:v9+s12+$0x0] =	vst.idx.add.f32.msk vm4, v12  }
0xe2: {  	[tilespmem:v9+s13+$0x0] =	vst.idx.add.f32.msk vm5, v12  }
0xe3: {  	[tilespmem:v9+s14+$0x0] =	vst.idx.add.f32.msk vm12, v12  }
0xe4: {  	[tilespmem:v9+s15+$0x0] =	vst.idx.add.f32.msk vm15, v12  }
0xe5: {  	v9 =	vld [tilespmem:s25+$0x1D490];
	_ =	sdelay $0x2  }
0xe6: {  	v10 =	vld [tilespmem:s25+$0x1BA90]  }
0xe7: {  	v11 =	vld [tilespmem:s25+$0x1C790];
	_ =	sdelay $0x3  }
0xe8: {  	v9 =	vld.idx.msk [tilespmem:v9+s8+$0x0], $0xffff  }
0xe9: {  	vm5 =	vle.f32 v10, v1;
	vm6 =	vlt.f32 v1, v11  }
0xea: {  	vm7 =	vle.f32 v10, v2;
	vm8 =	vlt.f32 v2, v11;
	vm0 =	vmand vm5, vm6  }
0xeb: {  	v12 =	vld [tilespmem:s25+$0x1AD90];
	vm9 =	vle.f32 v10, v3;
	vm10 =	vlt.f32 v3, v11;
	vm1 =	vmand vm7, vm8  }
0xec: {  	vm11 =	vle.f32 v10, v4;
	vm12 =	vlt.f32 v4, v11;
	vm2 =	vmand vm9, vm10  }
0xed: {  	vm13 =	vle.f32 v10, v5;
	vm14 =	vlt.f32 v5, v11;
	vm3 =	vmand vm11, vm12  }
0xee: {  	vm15 =	vle.f32 v10, v6;
	vm4 =	vmand vm13, vm14;
	vm9 =	vlt.f32 v6, v11  }
0xef: {  	vm10 =	vle.f32 v10, v7;
	vm11 =	vlt.f32 v7, v11;
	vm5 =	vmand vm15, vm9  }
0xf0: {  	vm13 =	vle.f32 v10, v8;
	vm14 =	vlt.f32 v8, v11;
	vm12 =	vmand vm10, vm11;
	[tilespmem:v9+s3+$0x0] =	vst.idx.add.f32.msk vm0, v12  }
0xf1: {  	vm15 =	vmand vm13, vm14;
	[tilespmem:v9+s4+$0x0] =	vst.idx.add.f32.msk vm1, v12  }
0xf2: {  	[tilespmem:v9+s10+$0x0] =	vst.idx.add.f32.msk vm2, v12  }
0xf3: {  	[tilespmem:v9+s11+$0x0] =	vst.idx.add.f32.msk vm3, v12  }
0xf4: {  	[tilespmem:v9+s12+$0x0] =	vst.idx.add.f32.msk vm4, v12  }
0xf5: {  	[tilespmem:v9+s13+$0x0] =	vst.idx.add.f32.msk vm5, v12  }
0xf6: {  	[tilespmem:v9+s14+$0x0] =	vst.idx.add.f32.msk vm12, v12  }
0xf7: {  	[tilespmem:v9+s15+$0x0] =	vst.idx.add.f32.msk vm15, v12  }
0xf8: {  	v9 =	vld [tilespmem:s25+$0x1D4A0];
	_ =	sdelay $0x2  }
0xf9: {  	v10 =	vld [tilespmem:s25+$0x1BAA0]  }
0xfa: {  	v11 =	vld [tilespmem:s25+$0x1C7A0];
	_ =	sdelay $0x3  }
0xfb: {  	v9 =	vld.idx.msk [tilespmem:v9+s8+$0x0], $0xffff  }
0xfc: {  	vm5 =	vle.f32 v10, v1;
	vm6 =	vlt.f32 v1, v11  }
0xfd: {  	vm7 =	vle.f32 v10, v2;
	vm8 =	vlt.f32 v2, v11;
	vm0 =	vmand vm5, vm6  }
0xfe: {  	v12 =	vld [tilespmem:s25+$0x1ADA0];
	vm9 =	vle.f32 v10, v3;
	vm10 =	vlt.f32 v3, v11;
	vm1 =	vmand vm7, vm8  }
0xff: {  	vm11 =	vle.f32 v10, v4;
	vm12 =	vlt.f32 v4, v11;
	vm2 =	vmand vm9, vm10  }
0x100: {  	vm13 =	vle.f32 v10, v5;
	vm14 =	vlt.f32 v5, v11;
	vm3 =	vmand vm11, vm12  }
0x101: {  	vm15 =	vle.f32 v10, v6;
	vm4 =	vmand vm13, vm14;
	vm9 =	vlt.f32 v6, v11  }
0x102: {  	vm10 =	vle.f32 v10, v7;
	vm11 =	vlt.f32 v7, v11;
	vm5 =	vmand vm15, vm9  }
0x103: {  	vm13 =	vle.f32 v10, v8;
	vm14 =	vlt.f32 v8, v11;
	vm12 =	vmand vm10, vm11;
	[tilespmem:v9+s3+$0x0] =	vst.idx.add.f32.msk vm0, v12  }
0x104: {  	vm15 =	vmand vm13, vm14;
	[tilespmem:v9+s4+$0x0] =	vst.idx.add.f32.msk vm1, v12  }
0x105: {  	[tilespmem:v9+s10+$0x0] =	vst.idx.add.f32.msk vm2, v12  }
0x106: {  	[tilespmem:v9+s11+$0x0] =	vst.idx.add.f32.msk vm3, v12  }
0x107: {  	[tilespmem:v9+s12+$0x0] =	vst.idx.add.f32.msk vm4, v12  }
0x108: {  	[tilespmem:v9+s13+$0x0] =	vst.idx.add.f32.msk vm5, v12  }
0x109: {  	[tilespmem:v9+s14+$0x0] =	vst.idx.add.f32.msk vm12, v12  }
0x10a: {  	[tilespmem:v9+s15+$0x0] =	vst.idx.add.f32.msk vm15, v12  }
0x10b: {  	v9 =	vld [tilespmem:s25+$0x1D4B0];
	_ =	sdelay $0x2  }
0x10c: {  	v10 =	vld [tilespmem:s25+$0x1BAB0]  }
0x10d: {  	v11 =	vld [tilespmem:s25+$0x1C7B0];
	_ =	sdelay $0x3  }
0x10e: {  	v9 =	vld.idx.msk [tilespmem:v9+s8+$0x0], $0xffff  }
0x10f: {  	vm5 =	vle.f32 v10, v1;
	vm6 =	vlt.f32 v1, v11  }
0x110: {  	vm7 =	vle.f32 v10, v2;
	vm8 =	vlt.f32 v2, v11;
	vm0 =	vmand vm5, vm6  }
0x111: {  	v12 =	vld [tilespmem:s25+$0x1ADB0];
	vm9 =	vle.f32 v10, v3;
	vm10 =	vlt.f32 v3, v11;
	vm1 =	vmand vm7, vm8  }
0x112: {  	vm11 =	vle.f32 v10, v4;
	vm12 =	vlt.f32 v4, v11;
	vm2 =	vmand vm9, vm10  }
0x113: {  	vm13 =	vle.f32 v10, v5;
	vm14 =	vlt.f32 v5, v11;
	vm3 =	vmand vm11, vm12  }
0x114: {  	vm15 =	vle.f32 v10, v6;
	vm4 =	vmand vm13, vm14;
	vm9 =	vlt.f32 v6, v11  }
0x115: {  	vm10 =	vle.f32 v10, v7;
	vm11 =	vlt.f32 v7, v11;
	vm5 =	vmand vm15, vm9  }
0x116: {  	vm13 =	vle.f32 v10, v8;
	vm14 =	vlt.f32 v8, v11;
	vm12 =	vmand vm10, vm11;
	[tilespmem:v9+s3+$0x0] =	vst.idx.add.f32.msk vm0, v12  }
0x117: {  	vm15 =	vmand vm13, vm14;
	[tilespmem:v9+s4+$0x0] =	vst.idx.add.f32.msk vm1, v12  }
0x118: {  	[tilespmem:v9+s10+$0x0] =	vst.idx.add.f32.msk vm2, v12  }
0x119: {  	[tilespmem:v9+s11+$0x0] =	vst.idx.add.f32.msk vm3, v12  }
0x11a: {  	[tilespmem:v9+s12+$0x0] =	vst.idx.add.f32.msk vm4, v12  }
0x11b: {  	[tilespmem:v9+s13+$0x0] =	vst.idx.add.f32.msk vm5, v12  }
0x11c: {  	[tilespmem:v9+s14+$0x0] =	vst.idx.add.f32.msk vm12, v12  }
0x11d: {  	[tilespmem:v9+s15+$0x0] =	vst.idx.add.f32.msk vm15, v12  }
0x11e: {  	v9 =	vld [tilespmem:s25+$0x1D4C0];
	_ =	sdelay $0x2  }
0x11f: {  	v10 =	vld [tilespmem:s25+$0x1BAC0]  }
0x120: {  	v11 =	vld [tilespmem:s25+$0x1C7C0];
	_ =	sdelay $0x3  }
0x121: {  	v9 =	vld.idx.msk [tilespmem:v9+s8+$0x0], $0xffff  }
0x122: {  	vm5 =	vle.f32 v10, v1;
	vm6 =	vlt.f32 v1, v11  }
0x123: {  	vm7 =	vle.f32 v10, v2;
	vm8 =	vlt.f32 v2, v11;
	vm0 =	vmand vm5, vm6  }
0x124: {  	v12 =	vld [tilespmem:s25+$0x1ADC0];
	vm9 =	vle.f32 v10, v3;
	vm10 =	vlt.f32 v3, v11;
	vm1 =	vmand vm7, vm8  }
0x125: {  	vm11 =	vle.f32 v10, v4;
	vm12 =	vlt.f32 v4, v11;
	vm2 =	vmand vm9, vm10  }
0x126: {  	vm13 =	vle.f32 v10, v5;
	vm14 =	vlt.f32 v5, v11;
	vm3 =	vmand vm11, vm12  }
0x127: {  	vm15 =	vle.f32 v10, v6;
	vm4 =	vmand vm13, vm14;
	vm9 =	vlt.f32 v6, v11  }
0x128: {  	vm10 =	vle.f32 v10, v7;
	vm11 =	vlt.f32 v7, v11;
	vm5 =	vmand vm15, vm9  }
0x129: {  	vm13 =	vle.f32 v10, v8;
	vm14 =	vlt.f32 v8, v11;
	vm12 =	vmand vm10, vm11;
	[tilespmem:v9+s3+$0x0] =	vst.idx.add.f32.msk vm0, v12  }
0x12a: {  	vm15 =	vmand vm13, vm14;
	[tilespmem:v9+s4+$0x0] =	vst.idx.add.f32.msk vm1, v12  }
0x12b: {  	p1 =	sne.s32 s24, $0x17C0;
	[tilespmem:v9+s10+$0x0] =	vst.idx.add.f32.msk vm2, v12  }
.Ltmp2:
0x12c: {  	[tilespmem:v9+s11+$0x0] =	vst.idx.add.f32.msk vm3, v12;
	(pc) =	sbr.rel @p1 .LBB2_7-.Ltmp2, $4  }
0x12d: {  	[tilespmem:v9+s12+$0x0] =	vst.idx.add.f32.msk vm4, v12  }
0x12e: {  	[tilespmem:v9+s13+$0x0] =	vst.idx.add.f32.msk vm5, v12  }
0x12f: {  	[tilespmem:v9+s14+$0x0] =	vst.idx.add.f32.msk vm12, v12  }
0x130: {  	s24 =	sadd.s32 $0x140, s24;
	[tilespmem:v9+s15+$0x0] =	vst.idx.add.f32.msk vm15, v12  }
0x131: {  	s23 =	sadd.s32 @!p0 s23, s19  }
0x132: {  	s23 =	sshrl.u32 @!p0 s23, $0x3  }
0x133: {  	s25 =	simm.s32 @!p0 $0x0;
	s26 =	simm.s32 @!p0 $0x1AD80;
	s24 =	sadd.s32 @!p0 s0, s23  }
0x134: {  	[tilespmem:s26], [sflag:$0x2] =	stream.linear.gather @!p0 [hbm4b:s24+s25], $0x640, $0x38;
	[tilespmem:$0x1DB80] =	vst v63  }
0x135: {  	s24 =	sadd.s32 @!p0 s1, s23;
	s26 =	simm.s32 @!p0 $0x1BA80  }
0x136: {  	[tilespmem:s26], [sflag:$0x2] =	stream.linear.gather @!p0 [hbm4b:s24+s25], $0x640, $0x38;
	[tilespmem:$0x1DB80] =	vst v63  }
0x137: {  	s24 =	sadd.s32 @!p0 s2, s23;
	s26 =	simm.s32 @!p0 $0x1C780  }
0x138: {  	[tilespmem:s26], [sflag:$0x2] =	stream.linear.gather @!p0 [hbm4b:s24+s25], $0x640, $0x38;
	[tilespmem:$0x1DB80] =	vst v63  }
0x139: {  	s22 =	sadd.s32 $0x1, s22;
	s23 =	sadd.s32 @!p0 s5, s23;
	s24 =	simm.s32 @!p0 $0x1D480  }
0x13a: {  	[tilespmem:s24], [sflag:$0x2] =	stream.linear.gather @!p0 [hbm4b:s23+s25], $0x640, $0x38;
	[tilespmem:$0x1DB80] =	vst v63  }
0x13b: {  	p0 =	sne.s32 s22, s9  }
.Ltmp3:
0x13c: {  	_ = 	snop;
	(pc) =	sbr.rel @p0 .LBB2_4-.Ltmp3, $1  }
0x13d: {  	_ =	sdelay $0x3  }
0x13e: {  	s22 =	rddreg [dreg:$0x10]  }
0x13f: {  	[hbm4b:s22+s17] =	stream.strided.scatter [tilespmem:s3], [sflag:$0x4], $0x400, s20, s17, $0x38;
	[tilespmem:$0x1DB80] =	vst v63  }
0x140: {  	_ =	swait.ge [sflag:s7], $0x400  }
0x141: {  	[sflag:s7] =	ssyncset.done $0x0  }
0x142: {  	s26 =	rddreg [dreg:$0x11];
	[sflag:s7] =	ssyncadd.s32 $0xFFFFFC00  }
0x143: {  	[hbm4b:s26+s17] =	stream.strided.scatter [tilespmem:s4], [sflag:$0x4], $0x400, s20, s17, $0x38;
	[tilespmem:$0x1DB80] =	vst v63  }
0x144: {  	_ =	swait.ge [sflag:s7], $0x400  }
0x145: {  	[sflag:s7] =	ssyncset.done $0x0  }
0x146: {  	s28 =	rddreg [dreg:$0x12];
	[sflag:s7] =	ssyncadd.s32 $0xFFFFFC00  }
0x147: {  	[hbm4b:s28+s17] =	stream.strided.scatter [tilespmem:s10], [sflag:$0x4], $0x400, s20, s17, $0x38;
	[tilespmem:$0x1DB80] =	vst v63  }
0x148: {  	_ =	swait.ge [sflag:s7], $0x400  }
0x149: {  	[sflag:s7] =	ssyncset.done $0x0  }
0x14a: {  	s23 =	rddreg [dreg:$0x13];
	[sflag:s7] =	ssyncadd.s32 $0xFFFFFC00  }
0x14b: {  	[hbm4b:s23+s17] =	stream.strided.scatter [tilespmem:s11], [sflag:$0x4], $0x400, s20, s17, $0x38;
	[tilespmem:$0x1DB80] =	vst v63  }
0x14c: {  	_ =	swait.ge [sflag:s7], $0x400  }
0x14d: {  	[sflag:s7] =	ssyncset.done $0x0  }
0x14e: {  	s24 =	rddreg [dreg:$0x14];
	[sflag:s7] =	ssyncadd.s32 $0xFFFFFC00  }
0x14f: {  	[hbm4b:s24+s17] =	stream.strided.scatter [tilespmem:s12], [sflag:$0x4], $0x400, s20, s17, $0x38;
	[tilespmem:$0x1DB80] =	vst v63  }
0x150: {  	_ =	swait.ge [sflag:s7], $0x400  }
0x151: {  	[sflag:s7] =	ssyncset.done $0x0  }
0x152: {  	s25 =	rddreg [dreg:$0x15];
	[sflag:s7] =	ssyncadd.s32 $0xFFFFFC00  }
0x153: {  	[hbm4b:s25+s17] =	stream.strided.scatter [tilespmem:s13], [sflag:$0x4], $0x400, s20, s17, $0x38;
	[tilespmem:$0x1DB80] =	vst v63  }
0x154: {  	_ =	swait.ge [sflag:s7], $0x400  }
0x155: {  	[sflag:s7] =	ssyncset.done $0x0  }
0x156: {  	s26 =	rddreg [dreg:$0x16];
	[sflag:s7] =	ssyncadd.s32 $0xFFFFFC00  }
0x157: {  	[hbm4b:s26+s17] =	stream.strided.scatter [tilespmem:s14], [sflag:$0x4], $0x400, s20, s17, $0x38;
	[tilespmem:$0x1DB80] =	vst v63  }
0x158: {  	s21 =	sadd.s32 $0x1, s21;
	_ =	swait.ge [sflag:s7], $0x400  }
0x159: {  	p0 =	sne.s32 s21, s29;
	[sflag:s7] =	ssyncset.done $0x0  }
.Ltmp4:
0x15a: {  	s28 =	rddreg [dreg:$0x17];
	[sflag:s7] =	ssyncadd.s32 $0xFFFFFC00;
	(pc) =	sbr.rel @p0 .LBB2_1-.Ltmp4, $4  }
0x15b: {  	[hbm4b:s28+s17] =	stream.strided.scatter [tilespmem:s15], [sflag:$0x4], $0x400, s20, s17, $0x38;
	[tilespmem:$0x1DB80] =	vst v63  }
0x15c: {  	_ =	swait.ge [sflag:s7], $0x400  }
0x15d: {  	[sflag:s7] =	ssyncset.done $0x0  }
0x15e: {  	[sflag:s7] =	ssyncadd.s32 $0xFFFFFC00  }
0x15f: {  	_ =	sfence.sel $0x180000  }
0x160: {  	[bflag:$0x0] =	sbarrier.arrive $0xFFFF  }
0x161: {  	_ =	strace $0x90000047  }
0x162: {  	s0 =	stileid.u32;
	[bflag:$0x2] =	sbarrier.arrive $0xFFFF  }
0x163: {  	p0 =	sne.s32 s0, $0x0;
	s0 =	rddreg [dreg:$0x7]  }
0x164: {  	s0 =	sadd.s32 @!p0 $0x100000, s0  }
0x165: {  	[sflag:s0] =	ssyncadd.tile.s32 @!p0 $0x1;
	_ =	shalt  }
.Lfunc_end2:
_tile_overlayer_lowered:
.L_overlay_start_2:
0x166: {  	(tag) =	ssettag $0x2  }
0x167: {  	s0 =	rddreg [dreg:$0x0];
	s2 =	stileid.u32  }
0x168: {  	s1 =	rddreg [dreg:$0x1];
	p0 =	sne.s32 s2, $0x0  }
0x169: {  	s3 =	rddreg [dreg:$0x2];
	[bflag:$0x3] =	sbarrier.arrive $0xFFFF;
	s2 =	simm.s32 @!p0 $0x1C04  }
0x16a: {  	[timem:s3], [sflag:s2] =	dma.local @!p0 [hbm:s0], s1  }
0x16b: {  	s0 =	simm.s32 @!p0 $0x4  }
0x16c: {  	_ =	swait.ge @!p0 [sflag:s0], s1  }
0x16d: {  	s1 =	ssub.s32 @!p0 $0x0, s1;
	[sflag:s0] =	ssyncset.done @!p0 $0x0  }
0x16e: {  	[sflag:s0] =	ssyncadd.s32 @!p0 s1  }
0x16f: {  	[bflag:$0x3] =	sbarrier.arrive $0xFFFF  }
0x170: {  	_ =	shalt  }

</sc_bundles>
